<compile_context>
chip_gen: v7x
topology: tpu7x:2x2x1
jax: 0.10.2.dev20260603
libtpu: 0.0.44.dev20260713+nightly
codegen_flags: <defaults>
</compile_context>

<pallas_src>
import functools

import jax
import jax.numpy as jnp
from jax import lax
from jax.experimental import pallas as pl
from jax.experimental.pallas import tpu as pltpu
from jax.experimental.pallas import tpu_sc as plsc

_N_ROWS = 16384
_N_CLASSES = 1000
_EPS = 0.001
_ON = 1.0 / _N_CLASSES + _EPS
_OFF = 1.0 / _N_CLASSES - _EPS / (_N_CLASSES - 1)

_N_WORKERS = 32
_ROWS_PER_WORKER = _N_ROWS // _N_WORKERS
_BATCH = 16
_N_BATCHES = _ROWS_PER_WORKER // _BATCH
_N_PAR = 4
_N_STEPS = _N_BATCHES // _N_PAR
_FULL_CHUNKS = _N_CLASSES // 16
_TAIL_OFF = _N_CLASSES - 16


def _sc_body(in_hbm, out_hbm,
             in0, in1, in2, in3, ob0, ob1, ob2, ob3,
             si0, si1, si2, si3, so0, so1, so2, so3):
    wid = lax.axis_index("s") * 2 + lax.axis_index("c")
    row0 = wid * _ROWS_PER_WORKER

    inbufs = (in0, in1, in2, in3)
    outbufs = (ob0, ob1, ob2, ob3)
    isems = (si0, si1, si2, si3)
    osems = (so0, so1, so2, so3)

    lane = lax.iota(jnp.int32, 16)
    off_vec = jnp.full((16,), _OFF, jnp.float32)
    on_vec = jnp.full((16,), _ON, jnp.float32)
    ninf = jnp.full((16,), -jnp.inf, jnp.float32)
    zeros_i = jnp.zeros((16,), jnp.int32)

    base_k = tuple(lane + 16 * k for k in range(4))
    ones_i = jnp.ones((16,), jnp.int32)
    big_i = jnp.full((16,), _N_CLASSES, jnp.int32)

    def _merge(mv_a, ci_a, mv_b, ci_b):
        take_b = (mv_b > mv_a) | ((mv_b == mv_a) & (ci_b < ci_a))
        return jnp.where(take_b, mv_b, mv_a), jnp.where(take_b, ci_b, ci_a)

    def _argmax_group(inb, g):
        def _row(r, acc):
            rr = g * 16 + r

            def _step(t, carry):
                tv, mv0, mi0, mv1, mi1, mv2, mi2, mv3, mi3 = carry
                o = t * 64
                x0 = inb[rr, pl.ds(o, 16)]
                x1 = inb[rr, pl.ds(o + 16, 16)]
                x2 = inb[rr, pl.ds(o + 32, 16)]
                x3 = inb[rr, pl.ds(o + 48, 16)]
                g0 = x0 > mv0
                g1 = x1 > mv1
                g2 = x2 > mv2
                g3 = x3 > mv3
                return (tv + ones_i,
                        jnp.where(g0, x0, mv0), jnp.where(g0, tv, mi0),
                        jnp.where(g1, x1, mv1), jnp.where(g1, tv, mi1),
                        jnp.where(g2, x2, mv2), jnp.where(g2, tv, mi2),
                        jnp.where(g3, x3, mv3), jnp.where(g3, tv, mi3))

            init = (zeros_i,
                    ninf, zeros_i, ninf, zeros_i,
                    ninf, zeros_i, ninf, zeros_i)
            _, mv0, mi0, mv1, mi1, mv2, mi2, mv3, mi3 = lax.fori_loop(
                0, 15, _step, init)

            c0 = (mi0 << 6) + base_k[0]
            c1 = (mi1 << 6) + base_k[1]
            c2 = (mi2 << 6) + base_k[2]
            c3 = (mi3 << 6) + base_k[3]
            mva, cia = _merge(mv0, c0, mv1, c1)
            mvb, cib = _merge(mv2, c2, mv3, c3)
            mv, ci = _merge(mva, cia, mvb, cib)

            for off in (960, 976, _TAIL_OFF):
                x = inb[rr, pl.ds(off, 16)]
                gt = x > mv
                mv = jnp.where(gt, x, mv)
                ci = jnp.where(gt, off + lane, ci)

            m = jnp.max(mv)
            a = jnp.min(jnp.where(mv == m, ci, big_i))
            return jnp.where(lane == r, a, acc)

        return lax.fori_loop(0, 16, _row, zeros_i)

    for j in range(_N_PAR):
        pltpu.async_copy(
            in_hbm.at[pl.ds(row0 + j * _BATCH, _BATCH)], inbufs[j], isems[j])

    for ob in outbufs:
        def _fill_row(r, _, ob=ob):
            for c in range(_FULL_CHUNKS):
                ob[r, pl.ds(c * 16, 16)] = off_vec
            ob[r, pl.ds(_TAIL_OFF, 16)] = off_vec
            return _
        lax.fori_loop(0, _BATCH, _fill_row, None)

    for j in range(_N_PAR):
        pltpu.async_copy(
            outbufs[j], out_hbm.at[pl.ds(row0 + j * _BATCH, _BATCH)], osems[j])

    def _one(inb, ob, isem, osem, b, pc):
        cur = row0 + b * _BATCH
        prev = row0 + jnp.maximum(b - _N_PAR, 0) * _BATCH
        nxt = row0 + jnp.minimum(b + _N_PAR, _N_BATCHES - 1) * _BATCH

        pltpu.make_async_copy(ob, out_hbm.at[pl.ds(prev, _BATCH)], osem).wait()
        plsc.store_scatter(ob, [lane, pc], off_vec)

        pltpu.make_async_copy(in_hbm.at[pl.ds(cur, _BATCH)], inb, isem).wait()
        cols = _argmax_group(inb, 0)
        pltpu.async_copy(in_hbm.at[pl.ds(nxt, _BATCH)], inb, isem)

        plsc.store_scatter(ob, [lane, cols], on_vec)
        pltpu.async_copy(ob, out_hbm.at[pl.ds(cur, _BATCH)], osem)
        return cols

    def _step4(t, carry):
        return tuple(
            _one(inbufs[j], outbufs[j], isems[j], osems[j],
                 _N_PAR * t + j, carry[j])
            for j in range(_N_PAR))

    lax.fori_loop(0, _N_STEPS, _step4, (zeros_i,) * _N_PAR)

    lastb = row0 + (_N_BATCHES - 1) * _BATCH
    for j in range(_N_PAR):
        lastw = row0 + (_N_BATCHES - _N_PAR + j) * _BATCH
        pltpu.make_async_copy(
            outbufs[j], out_hbm.at[pl.ds(lastw, _BATCH)], osems[j]).wait()
        pltpu.make_async_copy(
            in_hbm.at[pl.ds(lastb, _BATCH)], inbufs[j], isems[j]).wait()


def kernel(input):
    mesh = plsc.VectorSubcoreMesh(core_axis_name="c", subcore_axis_name="s")
    fn = functools.partial(
        pl.kernel,
        out_type=jax.ShapeDtypeStruct((_N_ROWS, _N_CLASSES), jnp.float32),
        mesh=mesh,
        scratch_types=(
            [pltpu.VMEM((_BATCH, _N_CLASSES), jnp.float32)] * 8
            + [pltpu.SemaphoreType.DMA] * 8
        ),
        compiler_params=pltpu.CompilerParams(
            needs_layout_passes=False, skip_device_barrier=True),
    )(_sc_body)
    return fn(input)

# --- scband reference (transcript-rebuilt; emitter-appended) ---
"""Pipeline reference for scband-mem-guard-4303557230708 (READ-ONLY COPY).

The authoritative reference and input builder live on the scoring server;
editing this copy changes nothing except your own understanding.
"""

import jax, jax.numpy as jnp
import numpy as np


def setup_inputs(seed: int = 0) -> dict:
    key = jax.random.key(seed)
    inp = jax.random.normal(key, (16384, 1000), dtype=jnp.float32)
    return {"input": inp}


def reference(input):
    # logits=True branch: softmax over class dim
    scores = jax.nn.softmax(input, axis=1)
    n_classes = scores.shape[1]
    epsilon = 0.001
    on_score = 1.0 / n_classes + epsilon
    off_score = 1.0 / n_classes - epsilon / (n_classes - 1)
    predicted_labels = jnp.argmax(scores, axis=1)
    defended_scores = jnp.ones_like(scores) * off_score
    rows = jnp.arange(scores.shape[0])
    defended_scores = defended_scores.at[rows, predicted_labels].set(on_score)
    return defended_scores

if __name__ == "__main__":
    import jax
    _d = setup_inputs()
    print(jax.jit(kernel)(*tuple(_d.values())))

</pallas_src>

<mosaic_0001>
#map = affine_map<(d0, d1) -> (0, 0)>
module attributes {stable_mosaic.version = 14 : i64} {
  func.func @_sc_body(%arg0: i32, %arg1: i32, %arg2: memref<16384x1000xf32, #tpu.memory_space<hbm>>, %arg3: memref<16384x1000xf32, #tpu.memory_space<hbm>>, %arg4: memref<16x1000xf32, #tpu.memory_space<vmem>>, %arg5: memref<16x1000xf32, #tpu.memory_space<vmem>>, %arg6: memref<16x1000xf32, #tpu.memory_space<vmem>>, %arg7: memref<16x1000xf32, #tpu.memory_space<vmem>>, %arg8: memref<16x1000xf32, #tpu.memory_space<vmem>>, %arg9: memref<16x1000xf32, #tpu.memory_space<vmem>>, %arg10: memref<16x1000xf32, #tpu.memory_space<vmem>>, %arg11: memref<16x1000xf32, #tpu.memory_space<vmem>>, %arg12: memref<!tpu.dma_semaphore, #tpu.memory_space<semaphore_mem>>, %arg13: memref<!tpu.dma_semaphore, #tpu.memory_space<semaphore_mem>>, %arg14: memref<!tpu.dma_semaphore, #tpu.memory_space<semaphore_mem>>, %arg15: memref<!tpu.dma_semaphore, #tpu.memory_space<semaphore_mem>>, %arg16: memref<!tpu.dma_semaphore, #tpu.memory_space<semaphore_mem>>, %arg17: memref<!tpu.dma_semaphore, #tpu.memory_space<semaphore_mem>>, %arg18: memref<!tpu.dma_semaphore, #tpu.memory_space<semaphore_mem>>, %arg19: memref<!tpu.dma_semaphore, #tpu.memory_space<semaphore_mem>>) attributes {dimension_semantics = [#tpu.dimension_semantics<core_parallel>, #tpu.dimension_semantics<subcore_parallel>], iteration_bounds = array<i64: 2, 16>, scalar_prefetch = 0 : i64, scratch_operands = 16 : i64, tpu.core_type = #tpu.core_type<sc_vector_subcore>, window_params = [{transform_indices = #map}, {transform_indices = #map}]} {
    %mul3A = arith.constant 2 : i32
    %mul3A_0 = arith.muli %arg1, %mul3A : i32
    %add3A = arith.addi %mul3A_0, %arg0 : i32
    %mul3A_1 = arith.constant 512 : i32
    %mul3A_2 = arith.muli %add3A, %mul3A_1 : i32
    %iota3A = tpu.iota {dimensions = array<i32: 0>} : vector<16xi32>
    %broadcast_in_dim3A = arith.constant 9.98998992E-4 : f32
    %broadcast_in_dim3A_3 = vector.broadcast %broadcast_in_dim3A : f32 to vector<16xf32>
    %broadcast_in_dim3A_4 = arith.constant 2.000000e-03 : f32
    %broadcast_in_dim3A_5 = vector.broadcast %broadcast_in_dim3A_4 : f32 to vector<16xf32>
    %broadcast_in_dim3A_6 = arith.constant 0xFF800000 : f32
    %broadcast_in_dim3A_7 = vector.broadcast %broadcast_in_dim3A_6 : f32 to vector<16xf32>
    %broadcast_in_dim3A_8 = arith.constant 0 : i32
    %broadcast_in_dim3A_9 = vector.broadcast %broadcast_in_dim3A_8 : i32 to vector<16xi32>
    %add3A_10 = arith.constant 0 : i32
    %add3A_11 = vector.broadcast %add3A_10 : i32 to vector<16xi32>
    %add3A_12 = arith.addi %iota3A, %add3A_11 : vector<16xi32>
    %add3A_13 = arith.constant 16 : i32
    %add3A_14 = vector.broadcast %add3A_13 : i32 to vector<16xi32>
    %add3A_15 = arith.addi %iota3A, %add3A_14 : vector<16xi32>
    %add3A_16 = arith.constant 32 : i32
    %add3A_17 = vector.broadcast %add3A_16 : i32 to vector<16xi32>
    %add3A_18 = arith.addi %iota3A, %add3A_17 : vector<16xi32>
    %add3A_19 = arith.constant 48 : i32
    %add3A_20 = vector.broadcast %add3A_19 : i32 to vector<16xi32>
    %add3A_21 = arith.addi %iota3A, %add3A_20 : vector<16xi32>
    %broadcast_in_dim3A_22 = arith.constant 1 : i32
    %broadcast_in_dim3A_23 = vector.broadcast %broadcast_in_dim3A_22 : i32 to vector<16xi32>
    %broadcast_in_dim3A_24 = arith.constant 1000 : i32
    %broadcast_in_dim3A_25 = vector.broadcast %broadcast_in_dim3A_24 : i32 to vector<16xi32>
    %add3A_26 = arith.constant 0 : i32
    %add3A_27 = arith.addi %mul3A_2, %add3A_26 : i32
    %dma_start3A = arith.constant 0 : i32
    %dma_start3A_28 = tpu.memref_slice %arg2[%add3A_27, %dma_start3A] : memref<16384x1000xf32, #tpu.memory_space<hbm>> -> memref<16x1000xf32, #tpu.memory_space<hbm>>
    %dma_start3A_29 = arith.constant 0 : i32
    %dma_start3A_30 = tpu.memref_slice %arg2[%add3A_27, %dma_start3A_29] : memref<16384x1000xf32, #tpu.memory_space<hbm>> -> memref<16x1000xf32, #tpu.memory_space<hbm>>
    tpu.enqueue_dma source(%dma_start3A_30 : memref<16x1000xf32, #tpu.memory_space<hbm>>) target(%arg4 : memref<16x1000xf32, #tpu.memory_space<vmem>>) target_semaphore(%arg12 : memref<!tpu.dma_semaphore, #tpu.memory_space<semaphore_mem>>)
    %add3A_31 = arith.constant 16 : i32
    %add3A_32 = arith.addi %mul3A_2, %add3A_31 : i32
    %dma_start3A_33 = arith.constant 0 : i32
    %dma_start3A_34 = tpu.memref_slice %arg2[%add3A_32, %dma_start3A_33] : memref<16384x1000xf32, #tpu.memory_space<hbm>> -> memref<16x1000xf32, #tpu.memory_space<hbm>>
    %dma_start3A_35 = arith.constant 0 : i32
    %dma_start3A_36 = tpu.memref_slice %arg2[%add3A_32, %dma_start3A_35] : memref<16384x1000xf32, #tpu.memory_space<hbm>> -> memref<16x1000xf32, #tpu.memory_space<hbm>>
    tpu.enqueue_dma source(%dma_start3A_36 : memref<16x1000xf32, #tpu.memory_space<hbm>>) target(%arg5 : memref<16x1000xf32, #tpu.memory_space<vmem>>) target_semaphore(%arg13 : memref<!tpu.dma_semaphore, #tpu.memory_space<semaphore_mem>>)
    %add3A_37 = arith.constant 32 : i32
    %add3A_38 = arith.addi %mul3A_2, %add3A_37 : i32
    %dma_start3A_39 = arith.constant 0 : i32
    %dma_start3A_40 = tpu.memref_slice %arg2[%add3A_38, %dma_start3A_39] : memref<16384x1000xf32, #tpu.memory_space<hbm>> -> memref<16x1000xf32, #tpu.memory_space<hbm>>
    %dma_start3A_41 = arith.constant 0 : i32
    %dma_start3A_42 = tpu.memref_slice %arg2[%add3A_38, %dma_start3A_41] : memref<16384x1000xf32, #tpu.memory_space<hbm>> -> memref<16x1000xf32, #tpu.memory_space<hbm>>
    tpu.enqueue_dma source(%dma_start3A_42 : memref<16x1000xf32, #tpu.memory_space<hbm>>) target(%arg6 : memref<16x1000xf32, #tpu.memory_space<vmem>>) target_semaphore(%arg14 : memref<!tpu.dma_semaphore, #tpu.memory_space<semaphore_mem>>)
    %add3A_43 = arith.constant 48 : i32
    %add3A_44 = arith.addi %mul3A_2, %add3A_43 : i32
    %dma_start3A_45 = arith.constant 0 : i32
    %dma_start3A_46 = tpu.memref_slice %arg2[%add3A_44, %dma_start3A_45] : memref<16384x1000xf32, #tpu.memory_space<hbm>> -> memref<16x1000xf32, #tpu.memory_space<hbm>>
    %dma_start3A_47 = arith.constant 0 : i32
    %dma_start3A_48 = tpu.memref_slice %arg2[%add3A_44, %dma_start3A_47] : memref<16384x1000xf32, #tpu.memory_space<hbm>> -> memref<16x1000xf32, #tpu.memory_space<hbm>>
    tpu.enqueue_dma source(%dma_start3A_48 : memref<16x1000xf32, #tpu.memory_space<hbm>>) target(%arg7 : memref<16x1000xf32, #tpu.memory_space<vmem>>) target_semaphore(%arg15 : memref<!tpu.dma_semaphore, #tpu.memory_space<semaphore_mem>>)
    %scan3A = arith.constant 0 : i32
    %scan3A_49 = arith.constant 16 : i32
    %scan3A_50 = arith.addi %scan3A, %scan3A_49 : i32
    %scan3A_51 = arith.constant 1 : i32
    scf.for %scan3A_139 = %scan3A to %scan3A_50 step %scan3A_51  : i32 {
      %swap3A = arith.index_cast %scan3A_139 : i32 to index
      %swap3A_140 = arith.constant 0 : index
      %swap3A_141 = tpu.vector_load %arg8[%swap3A, %swap3A_140] {strides = array<i32>} : memref<16x1000xf32, #tpu.memory_space<vmem>>, vector<16xf32>,
      tpu.vector_store %arg8[%swap3A, %swap3A_140], %broadcast_in_dim3A_3 {strides = array<i32>} : memref<16x1000xf32, #tpu.memory_space<vmem>>, vector<16xf32>,
      %swap3A_142 = arith.index_cast %scan3A_139 : i32 to index
      %swap3A_143 = arith.constant 16 : index
      %swap3A_144 = tpu.vector_load %arg8[%swap3A_142, %swap3A_143] {strides = array<i32>} : memref<16x1000xf32, #tpu.memory_space<vmem>>, vector<16xf32>,
      tpu.vector_store %arg8[%swap3A_142, %swap3A_143], %broadcast_in_dim3A_3 {strides = array<i32>} : memref<16x1000xf32, #tpu.memory_space<vmem>>, vector<16xf32>,
      %swap3A_145 = arith.index_cast %scan3A_139 : i32 to index
      %swap3A_146 = arith.constant 32 : index
      %swap3A_147 = tpu.vector_load %arg8[%swap3A_145, %swap3A_146] {strides = array<i32>} : memref<16x1000xf32, #tpu.memory_space<vmem>>, vector<16xf32>,
      tpu.vector_store %arg8[%swap3A_145, %swap3A_146], %broadcast_in_dim3A_3 {strides = array<i32>} : memref<16x1000xf32, #tpu.memory_space<vmem>>, vector<16xf32>,
      %swap3A_148 = arith.index_cast %scan3A_139 : i32 to index
      %swap3A_149 = arith.constant 48 : index
      %swap3A_150 = tpu.vector_load %arg8[%swap3A_148, %swap3A_149] {strides = array<i32>} : memref<16x1000xf32, #tpu.memory_space<vmem>>, vector<16xf32>,
      tpu.vector_store %arg8[%swap3A_148, %swap3A_149], %broadcast_in_dim3A_3 {strides = array<i32>} : memref<16x1000xf32, #tpu.memory_space<vmem>>, vector<16xf32>,
      %swap3A_151 = arith.index_cast %scan3A_139 : i32 to index
      %swap3A_152 = arith.constant 64 : index
      %swap3A_153 = tpu.vector_load %arg8[%swap3A_151, %swap3A_152] {strides = array<i32>} : memref<16x1000xf32, #tpu.memory_space<vmem>>, vector<16xf32>,
      tpu.vector_store %arg8[%swap3A_151, %swap3A_152], %broadcast_in_dim3A_3 {strides = array<i32>} : memref<16x1000xf32, #tpu.memory_space<vmem>>, vector<16xf32>,
      %swap3A_154 = arith.index_cast %scan3A_139 : i32 to index
      %swap3A_155 = arith.constant 80 : index
      %swap3A_156 = tpu.vector_load %arg8[%swap3A_154, %swap3A_155] {strides = array<i32>} : memref<16x1000xf32, #tpu.memory_space<vmem>>, vector<16xf32>,
      tpu.vector_store %arg8[%swap3A_154, %swap3A_155], %broadcast_in_dim3A_3 {strides = array<i32>} : memref<16x1000xf32, #tpu.memory_space<vmem>>, vector<16xf32>,
      %swap3A_157 = arith.index_cast %scan3A_139 : i32 to index
      %swap3A_158 = arith.constant 96 : index
      %swap3A_159 = tpu.vector_load %arg8[%swap3A_157, %swap3A_158] {strides = array<i32>} : memref<16x1000xf32, #tpu.memory_space<vmem>>, vector<16xf32>,
      tpu.vector_store %arg8[%swap3A_157, %swap3A_158], %broadcast_in_dim3A_3 {strides = array<i32>} : memref<16x1000xf32, #tpu.memory_space<vmem>>, vector<16xf32>,
      %swap3A_160 = arith.index_cast %scan3A_139 : i32 to index
      %swap3A_161 = arith.constant 112 : index
      %swap3A_162 = tpu.vector_load %arg8[%swap3A_160, %swap3A_161] {strides = array<i32>} : memref<16x1000xf32, #tpu.memory_space<vmem>>, vector<16xf32>,
      tpu.vector_store %arg8[%swap3A_160, %swap3A_161], %broadcast_in_dim3A_3 {strides = array<i32>} : memref<16x1000xf32, #tpu.memory_space<vmem>>, vector<16xf32>,
      %swap3A_163 = arith.index_cast %scan3A_139 : i32 to index
      %swap3A_164 = arith.constant 128 : index
      %swap3A_165 = tpu.vector_load %arg8[%swap3A_163, %swap3A_164] {strides = array<i32>} : memref<16x1000xf32, #tpu.memory_space<vmem>>, vector<16xf32>,
      tpu.vector_store %arg8[%swap3A_163, %swap3A_164], %broadcast_in_dim3A_3 {strides = array<i32>} : memref<16x1000xf32, #tpu.memory_space<vmem>>, vector<16xf32>,
      %swap3A_166 = arith.index_cast %scan3A_139 : i32 to index
      %swap3A_167 = arith.constant 144 : index
      %swap3A_168 = tpu.vector_load %arg8[%swap3A_166, %swap3A_167] {strides = array<i32>} : memref<16x1000xf32, #tpu.memory_space<vmem>>, vector<16xf32>,
      tpu.vector_store %arg8[%swap3A_166, %swap3A_167], %broadcast_in_dim3A_3 {strides = array<i32>} : memref<16x1000xf32, #tpu.memory_space<vmem>>, vector<16xf32>,
      %swap3A_169 = arith.index_cast %scan3A_139 : i32 to index
      %swap3A_170 = arith.constant 160 : index
      %swap3A_171 = tpu.vector_load %arg8[%swap3A_169, %swap3A_170] {strides = array<i32>} : memref<16x1000xf32, #tpu.memory_space<vmem>>, vector<16xf32>,
      tpu.vector_store %arg8[%swap3A_169, %swap3A_170], %broadcast_in_dim3A_3 {strides = array<i32>} : memref<16x1000xf32, #tpu.memory_space<vmem>>, vector<16xf32>,
      %swap3A_172 = arith.index_cast %scan3A_139 : i32 to index
      %swap3A_173 = arith.constant 176 : index
      %swap3A_174 = tpu.vector_load %arg8[%swap3A_172, %swap3A_173] {strides = array<i32>} : memref<16x1000xf32, #tpu.memory_space<vmem>>, vector<16xf32>,
      tpu.vector_store %arg8[%swap3A_172, %swap3A_173], %broadcast_in_dim3A_3 {strides = array<i32>} : memref<16x1000xf32, #tpu.memory_space<vmem>>, vector<16xf32>,
      %swap3A_175 = arith.index_cast %scan3A_139 : i32 to index
      %swap3A_176 = arith.constant 192 : index
      %swap3A_177 = tpu.vector_load %arg8[%swap3A_175, %swap3A_176] {strides = array<i32>} : memref<16x1000xf32, #tpu.memory_space<vmem>>, vector<16xf32>,
      tpu.vector_store %arg8[%swap3A_175, %swap3A_176], %broadcast_in_dim3A_3 {strides = array<i32>} : memref<16x1000xf32, #tpu.memory_space<vmem>>, vector<16xf32>,
      %swap3A_178 = arith.index_cast %scan3A_139 : i32 to index
      %swap3A_179 = arith.constant 208 : index
      %swap3A_180 = tpu.vector_load %arg8[%swap3A_178, %swap3A_179] {strides = array<i32>} : memref<16x1000xf32, #tpu.memory_space<vmem>>, vector<16xf32>,
      tpu.vector_store %arg8[%swap3A_178, %swap3A_179], %broadcast_in_dim3A_3 {strides = array<i32>} : memref<16x1000xf32, #tpu.memory_space<vmem>>, vector<16xf32>,
      %swap3A_181 = arith.index_cast %scan3A_139 : i32 to index
      %swap3A_182 = arith.constant 224 : index
      %swap3A_183 = tpu.vector_load %arg8[%swap3A_181, %swap3A_182] {strides = array<i32>} : memref<16x1000xf32, #tpu.memory_space<vmem>>, vector<16xf32>,
      tpu.vector_store %arg8[%swap3A_181, %swap3A_182], %broadcast_in_dim3A_3 {strides = array<i32>} : memref<16x1000xf32, #tpu.memory_space<vmem>>, vector<16xf32>,
      %swap3A_184 = arith.index_cast %scan3A_139 : i32 to index
      %swap3A_185 = arith.constant 240 : index
      %swap3A_186 = tpu.vector_load %arg8[%swap3A_184, %swap3A_185] {strides = array<i32>} : memref<16x1000xf32, #tpu.memory_space<vmem>>, vector<16xf32>,
      tpu.vector_store %arg8[%swap3A_184, %swap3A_185], %broadcast_in_dim3A_3 {strides = array<i32>} : memref<16x1000xf32, #tpu.memory_space<vmem>>, vector<16xf32>,
      %swap3A_187 = arith.index_cast %scan3A_139 : i32 to index
      %swap3A_188 = arith.constant 256 : index
      %swap3A_189 = tpu.vector_load %arg8[%swap3A_187, %swap3A_188] {strides = array<i32>} : memref<16x1000xf32, #tpu.memory_space<vmem>>, vector<16xf32>,
      tpu.vector_store %arg8[%swap3A_187, %swap3A_188], %broadcast_in_dim3A_3 {strides = array<i32>} : memref<16x1000xf32, #tpu.memory_space<vmem>>, vector<16xf32>,
      %swap3A_190 = arith.index_cast %scan3A_139 : i32 to index
      %swap3A_191 = arith.constant 272 : index
      %swap3A_192 = tpu.vector_load %arg8[%swap3A_190, %swap3A_191] {strides = array<i32>} : memref<16x1000xf32, #tpu.memory_space<vmem>>, vector<16xf32>,
      tpu.vector_store %arg8[%swap3A_190, %swap3A_191], %broadcast_in_dim3A_3 {strides = array<i32>} : memref<16x1000xf32, #tpu.memory_space<vmem>>, vector<16xf32>,
      %swap3A_193 = arith.index_cast %scan3A_139 : i32 to index
      %swap3A_194 = arith.constant 288 : index
      %swap3A_195 = tpu.vector_load %arg8[%swap3A_193, %swap3A_194] {strides = array<i32>} : memref<16x1000xf32, #tpu.memory_space<vmem>>, vector<16xf32>,
      tpu.vector_store %arg8[%swap3A_193, %swap3A_194], %broadcast_in_dim3A_3 {strides = array<i32>} : memref<16x1000xf32, #tpu.memory_space<vmem>>, vector<16xf32>,
      %swap3A_196 = arith.index_cast %scan3A_139 : i32 to index
      %swap3A_197 = arith.constant 304 : index
      %swap3A_198 = tpu.vector_load %arg8[%swap3A_196, %swap3A_197] {strides = array<i32>} : memref<16x1000xf32, #tpu.memory_space<vmem>>, vector<16xf32>,
      tpu.vector_store %arg8[%swap3A_196, %swap3A_197], %broadcast_in_dim3A_3 {strides = array<i32>} : memref<16x1000xf32, #tpu.memory_space<vmem>>, vector<16xf32>,
      %swap3A_199 = arith.index_cast %scan3A_139 : i32 to index
      %swap3A_200 = arith.constant 320 : index
      %swap3A_201 = tpu.vector_load %arg8[%swap3A_199, %swap3A_200] {strides = array<i32>} : memref<16x1000xf32, #tpu.memory_space<vmem>>, vector<16xf32>,
      tpu.vector_store %arg8[%swap3A_199, %swap3A_200], %broadcast_in_dim3A_3 {strides = array<i32>} : memref<16x1000xf32, #tpu.memory_space<vmem>>, vector<16xf32>,
      %swap3A_202 = arith.index_cast %scan3A_139 : i32 to index
      %swap3A_203 = arith.constant 336 : index
      %swap3A_204 = tpu.vector_load %arg8[%swap3A_202, %swap3A_203] {strides = array<i32>} : memref<16x1000xf32, #tpu.memory_space<vmem>>, vector<16xf32>,
      tpu.vector_store %arg8[%swap3A_202, %swap3A_203], %broadcast_in_dim3A_3 {strides = array<i32>} : memref<16x1000xf32, #tpu.memory_space<vmem>>, vector<16xf32>,
      %swap3A_205 = arith.index_cast %scan3A_139 : i32 to index
      %swap3A_206 = arith.constant 352 : index
      %swap3A_207 = tpu.vector_load %arg8[%swap3A_205, %swap3A_206] {strides = array<i32>} : memref<16x1000xf32, #tpu.memory_space<vmem>>, vector<16xf32>,
      tpu.vector_store %arg8[%swap3A_205, %swap3A_206], %broadcast_in_dim3A_3 {strides = array<i32>} : memref<16x1000xf32, #tpu.memory_space<vmem>>, vector<16xf32>,
      %swap3A_208 = arith.index_cast %scan3A_139 : i32 to index
      %swap3A_209 = arith.constant 368 : index
      %swap3A_210 = tpu.vector_load %arg8[%swap3A_208, %swap3A_209] {strides = array<i32>} : memref<16x1000xf32, #tpu.memory_space<vmem>>, vector<16xf32>,
      tpu.vector_store %arg8[%swap3A_208, %swap3A_209], %broadcast_in_dim3A_3 {strides = array<i32>} : memref<16x1000xf32, #tpu.memory_space<vmem>>, vector<16xf32>,
      %swap3A_211 = arith.index_cast %scan3A_139 : i32 to index
      %swap3A_212 = arith.constant 384 : index
      %swap3A_213 = tpu.vector_load %arg8[%swap3A_211, %swap3A_212] {strides = array<i32>} : memref<16x1000xf32, #tpu.memory_space<vmem>>, vector<16xf32>,
      tpu.vector_store %arg8[%swap3A_211, %swap3A_212], %broadcast_in_dim3A_3 {strides = array<i32>} : memref<16x1000xf32, #tpu.memory_space<vmem>>, vector<16xf32>,
      %swap3A_214 = arith.index_cast %scan3A_139 : i32 to index
      %swap3A_215 = arith.constant 400 : index
      %swap3A_216 = tpu.vector_load %arg8[%swap3A_214, %swap3A_215] {strides = array<i32>} : memref<16x1000xf32, #tpu.memory_space<vmem>>, vector<16xf32>,
      tpu.vector_store %arg8[%swap3A_214, %swap3A_215], %broadcast_in_dim3A_3 {strides = array<i32>} : memref<16x1000xf32, #tpu.memory_space<vmem>>, vector<16xf32>,
      %swap3A_217 = arith.index_cast %scan3A_139 : i32 to index
      %swap3A_218 = arith.constant 416 : index
      %swap3A_219 = tpu.vector_load %arg8[%swap3A_217, %swap3A_218] {strides = array<i32>} : memref<16x1000xf32, #tpu.memory_space<vmem>>, vector<16xf32>,
      tpu.vector_store %arg8[%swap3A_217, %swap3A_218], %broadcast_in_dim3A_3 {strides = array<i32>} : memref<16x1000xf32, #tpu.memory_space<vmem>>, vector<16xf32>,
      %swap3A_220 = arith.index_cast %scan3A_139 : i32 to index
      %swap3A_221 = arith.constant 432 : index
      %swap3A_222 = tpu.vector_load %arg8[%swap3A_220, %swap3A_221] {strides = array<i32>} : memref<16x1000xf32, #tpu.memory_space<vmem>>, vector<16xf32>,
      tpu.vector_store %arg8[%swap3A_220, %swap3A_221], %broadcast_in_dim3A_3 {strides = array<i32>} : memref<16x1000xf32, #tpu.memory_space<vmem>>, vector<16xf32>,
      %swap3A_223 = arith.index_cast %scan3A_139 : i32 to index
      %swap3A_224 = arith.constant 448 : index
      %swap3A_225 = tpu.vector_load %arg8[%swap3A_223, %swap3A_224] {strides = array<i32>} : memref<16x1000xf32, #tpu.memory_space<vmem>>, vector<16xf32>,
      tpu.vector_store %arg8[%swap3A_223, %swap3A_224], %broadcast_in_dim3A_3 {strides = array<i32>} : memref<16x1000xf32, #tpu.memory_space<vmem>>, vector<16xf32>,
      %swap3A_226 = arith.index_cast %scan3A_139 : i32 to index
      %swap3A_227 = arith.constant 464 : index
      %swap3A_228 = tpu.vector_load %arg8[%swap3A_226, %swap3A_227] {strides = array<i32>} : memref<16x1000xf32, #tpu.memory_space<vmem>>, vector<16xf32>,
      tpu.vector_store %arg8[%swap3A_226, %swap3A_227], %broadcast_in_dim3A_3 {strides = array<i32>} : memref<16x1000xf32, #tpu.memory_space<vmem>>, vector<16xf32>,
      %swap3A_229 = arith.index_cast %scan3A_139 : i32 to index
      %swap3A_230 = arith.constant 480 : index
      %swap3A_231 = tpu.vector_load %arg8[%swap3A_229, %swap3A_230] {strides = array<i32>} : memref<16x1000xf32, #tpu.memory_space<vmem>>, vector<16xf32>,
      tpu.vector_store %arg8[%swap3A_229, %swap3A_230], %broadcast_in_dim3A_3 {strides = array<i32>} : memref<16x1000xf32, #tpu.memory_space<vmem>>, vector<16xf32>,
      %swap3A_232 = arith.index_cast %scan3A_139 : i32 to index
      %swap3A_233 = arith.constant 496 : index
      %swap3A_234 = tpu.vector_load %arg8[%swap3A_232, %swap3A_233] {strides = array<i32>} : memref<16x1000xf32, #tpu.memory_space<vmem>>, vector<16xf32>,
      tpu.vector_store %arg8[%swap3A_232, %swap3A_233], %broadcast_in_dim3A_3 {strides = array<i32>} : memref<16x1000xf32, #tpu.memory_space<vmem>>, vector<16xf32>,
      %swap3A_235 = arith.index_cast %scan3A_139 : i32 to index
      %swap3A_236 = arith.constant 512 : index
      %swap3A_237 = tpu.vector_load %arg8[%swap3A_235, %swap3A_236] {strides = array<i32>} : memref<16x1000xf32, #tpu.memory_space<vmem>>, vector<16xf32>,
      tpu.vector_store %arg8[%swap3A_235, %swap3A_236], %broadcast_in_dim3A_3 {strides = array<i32>} : memref<16x1000xf32, #tpu.memory_space<vmem>>, vector<16xf32>,
      %swap3A_238 = arith.index_cast %scan3A_139 : i32 to index
      %swap3A_239 = arith.constant 528 : index
      %swap3A_240 = tpu.vector_load %arg8[%swap3A_238, %swap3A_239] {strides = array<i32>} : memref<16x1000xf32, #tpu.memory_space<vmem>>, vector<16xf32>,
      tpu.vector_store %arg8[%swap3A_238, %swap3A_239], %broadcast_in_dim3A_3 {strides = array<i32>} : memref<16x1000xf32, #tpu.memory_space<vmem>>, vector<16xf32>,
      %swap3A_241 = arith.index_cast %scan3A_139 : i32 to index
      %swap3A_242 = arith.constant 544 : index
      %swap3A_243 = tpu.vector_load %arg8[%swap3A_241, %swap3A_242] {strides = array<i32>} : memref<16x1000xf32, #tpu.memory_space<vmem>>, vector<16xf32>,
      tpu.vector_store %arg8[%swap3A_241, %swap3A_242], %broadcast_in_dim3A_3 {strides = array<i32>} : memref<16x1000xf32, #tpu.memory_space<vmem>>, vector<16xf32>,
      %swap3A_244 = arith.index_cast %scan3A_139 : i32 to index
      %swap3A_245 = arith.constant 560 : index
      %swap3A_246 = tpu.vector_load %arg8[%swap3A_244, %swap3A_245] {strides = array<i32>} : memref<16x1000xf32, #tpu.memory_space<vmem>>, vector<16xf32>,
      tpu.vector_store %arg8[%swap3A_244, %swap3A_245], %broadcast_in_dim3A_3 {strides = array<i32>} : memref<16x1000xf32, #tpu.memory_space<vmem>>, vector<16xf32>,
      %swap3A_247 = arith.index_cast %scan3A_139 : i32 to index
      %swap3A_248 = arith.constant 576 : index
      %swap3A_249 = tpu.vector_load %arg8[%swap3A_247, %swap3A_248] {strides = array<i32>} : memref<16x1000xf32, #tpu.memory_space<vmem>>, vector<16xf32>,
      tpu.vector_store %arg8[%swap3A_247, %swap3A_248], %broadcast_in_dim3A_3 {strides = array<i32>} : memref<16x1000xf32, #tpu.memory_space<vmem>>, vector<16xf32>,
      %swap3A_250 = arith.index_cast %scan3A_139 : i32 to index
      %swap3A_251 = arith.constant 592 : index
      %swap3A_252 = tpu.vector_load %arg8[%swap3A_250, %swap3A_251] {strides = array<i32>} : memref<16x1000xf32, #tpu.memory_space<vmem>>, vector<16xf32>,
      tpu.vector_store %arg8[%swap3A_250, %swap3A_251], %broadcast_in_dim3A_3 {strides = array<i32>} : memref<16x1000xf32, #tpu.memory_space<vmem>>, vector<16xf32>,
      %swap3A_253 = arith.index_cast %scan3A_139 : i32 to index
      %swap3A_254 = arith.constant 608 : index
      %swap3A_255 = tpu.vector_load %arg8[%swap3A_253, %swap3A_254] {strides = array<i32>} : memref<16x1000xf32, #tpu.memory_space<vmem>>, vector<16xf32>,
      tpu.vector_store %arg8[%swap3A_253, %swap3A_254], %broadcast_in_dim3A_3 {strides = array<i32>} : memref<16x1000xf32, #tpu.memory_space<vmem>>, vector<16xf32>,
      %swap3A_256 = arith.index_cast %scan3A_139 : i32 to index
      %swap3A_257 = arith.constant 624 : index
      %swap3A_258 = tpu.vector_load %arg8[%swap3A_256, %swap3A_257] {strides = array<i32>} : memref<16x1000xf32, #tpu.memory_space<vmem>>, vector<16xf32>,
      tpu.vector_store %arg8[%swap3A_256, %swap3A_257], %broadcast_in_dim3A_3 {strides = array<i32>} : memref<16x1000xf32, #tpu.memory_space<vmem>>, vector<16xf32>,
      %swap3A_259 = arith.index_cast %scan3A_139 : i32 to index
      %swap3A_260 = arith.constant 640 : index
      %swap3A_261 = tpu.vector_load %arg8[%swap3A_259, %swap3A_260] {strides = array<i32>} : memref<16x1000xf32, #tpu.memory_space<vmem>>, vector<16xf32>,
      tpu.vector_store %arg8[%swap3A_259, %swap3A_260], %broadcast_in_dim3A_3 {strides = array<i32>} : memref<16x1000xf32, #tpu.memory_space<vmem>>, vector<16xf32>,
      %swap3A_262 = arith.index_cast %scan3A_139 : i32 to index
      %swap3A_263 = arith.constant 656 : index
      %swap3A_264 = tpu.vector_load %arg8[%swap3A_262, %swap3A_263] {strides = array<i32>} : memref<16x1000xf32, #tpu.memory_space<vmem>>, vector<16xf32>,
      tpu.vector_store %arg8[%swap3A_262, %swap3A_263], %broadcast_in_dim3A_3 {strides = array<i32>} : memref<16x1000xf32, #tpu.memory_space<vmem>>, vector<16xf32>,
      %swap3A_265 = arith.index_cast %scan3A_139 : i32 to index
      %swap3A_266 = arith.constant 672 : index
      %swap3A_267 = tpu.vector_load %arg8[%swap3A_265, %swap3A_266] {strides = array<i32>} : memref<16x1000xf32, #tpu.memory_space<vmem>>, vector<16xf32>,
      tpu.vector_store %arg8[%swap3A_265, %swap3A_266], %broadcast_in_dim3A_3 {strides = array<i32>} : memref<16x1000xf32, #tpu.memory_space<vmem>>, vector<16xf32>,
      %swap3A_268 = arith.index_cast %scan3A_139 : i32 to index
      %swap3A_269 = arith.constant 688 : index
      %swap3A_270 = tpu.vector_load %arg8[%swap3A_268, %swap3A_269] {strides = array<i32>} : memref<16x1000xf32, #tpu.memory_space<vmem>>, vector<16xf32>,
      tpu.vector_store %arg8[%swap3A_268, %swap3A_269], %broadcast_in_dim3A_3 {strides = array<i32>} : memref<16x1000xf32, #tpu.memory_space<vmem>>, vector<16xf32>,
      %swap3A_271 = arith.index_cast %scan3A_139 : i32 to index
      %swap3A_272 = arith.constant 704 : index
      %swap3A_273 = tpu.vector_load %arg8[%swap3A_271, %swap3A_272] {strides = array<i32>} : memref<16x1000xf32, #tpu.memory_space<vmem>>, vector<16xf32>,
      tpu.vector_store %arg8[%swap3A_271, %swap3A_272], %broadcast_in_dim3A_3 {strides = array<i32>} : memref<16x1000xf32, #tpu.memory_space<vmem>>, vector<16xf32>,
      %swap3A_274 = arith.index_cast %scan3A_139 : i32 to index
      %swap3A_275 = arith.constant 720 : index
      %swap3A_276 = tpu.vector_load %arg8[%swap3A_274, %swap3A_275] {strides = array<i32>} : memref<16x1000xf32, #tpu.memory_space<vmem>>, vector<16xf32>,
      tpu.vector_store %arg8[%swap3A_274, %swap3A_275], %broadcast_in_dim3A_3 {strides = array<i32>} : memref<16x1000xf32, #tpu.memory_space<vmem>>, vector<16xf32>,
      %swap3A_277 = arith.index_cast %scan3A_139 : i32 to index
      %swap3A_278 = arith.constant 736 : index
      %swap3A_279 = tpu.vector_load %arg8[%swap3A_277, %swap3A_278] {strides = array<i32>} : memref<16x1000xf32, #tpu.memory_space<vmem>>, vector<16xf32>,
      tpu.vector_store %arg8[%swap3A_277, %swap3A_278], %broadcast_in_dim3A_3 {strides = array<i32>} : memref<16x1000xf32, #tpu.memory_space<vmem>>, vector<16xf32>,
      %swap3A_280 = arith.index_cast %scan3A_139 : i32 to index
      %swap3A_281 = arith.constant 752 : index
      %swap3A_282 = tpu.vector_load %arg8[%swap3A_280, %swap3A_281] {strides = array<i32>} : memref<16x1000xf32, #tpu.memory_space<vmem>>, vector<16xf32>,
      tpu.vector_store %arg8[%swap3A_280, %swap3A_281], %broadcast_in_dim3A_3 {strides = array<i32>} : memref<16x1000xf32, #tpu.memory_space<vmem>>, vector<16xf32>,
      %swap3A_283 = arith.index_cast %scan3A_139 : i32 to index
      %swap3A_284 = arith.constant 768 : index
      %swap3A_285 = tpu.vector_load %arg8[%swap3A_283, %swap3A_284] {strides = array<i32>} : memref<16x1000xf32, #tpu.memory_space<vmem>>, vector<16xf32>,
      tpu.vector_store %arg8[%swap3A_283, %swap3A_284], %broadcast_in_dim3A_3 {strides = array<i32>} : memref<16x1000xf32, #tpu.memory_space<vmem>>, vector<16xf32>,
      %swap3A_286 = arith.index_cast %scan3A_139 : i32 to index
      %swap3A_287 = arith.constant 784 : index
      %swap3A_288 = tpu.vector_load %arg8[%swap3A_286, %swap3A_287] {strides = array<i32>} : memref<16x1000xf32, #tpu.memory_space<vmem>>, vector<16xf32>,
      tpu.vector_store %arg8[%swap3A_286, %swap3A_287], %broadcast_in_dim3A_3 {strides = array<i32>} : memref<16x1000xf32, #tpu.memory_space<vmem>>, vector<16xf32>,
      %swap3A_289 = arith.index_cast %scan3A_139 : i32 to index
      %swap3A_290 = arith.constant 800 : index
      %swap3A_291 = tpu.vector_load %arg8[%swap3A_289, %swap3A_290] {strides = array<i32>} : memref<16x1000xf32, #tpu.memory_space<vmem>>, vector<16xf32>,
      tpu.vector_store %arg8[%swap3A_289, %swap3A_290], %broadcast_in_dim3A_3 {strides = array<i32>} : memref<16x1000xf32, #tpu.memory_space<vmem>>, vector<16xf32>,
      %swap3A_292 = arith.index_cast %scan3A_139 : i32 to index
      %swap3A_293 = arith.constant 816 : index
      %swap3A_294 = tpu.vector_load %arg8[%swap3A_292, %swap3A_293] {strides = array<i32>} : memref<16x1000xf32, #tpu.memory_space<vmem>>, vector<16xf32>,
      tpu.vector_store %arg8[%swap3A_292, %swap3A_293], %broadcast_in_dim3A_3 {strides = array<i32>} : memref<16x1000xf32, #tpu.memory_space<vmem>>, vector<16xf32>,
      %swap3A_295 = arith.index_cast %scan3A_139 : i32 to index
      %swap3A_296 = arith.constant 832 : index
      %swap3A_297 = tpu.vector_load %arg8[%swap3A_295, %swap3A_296] {strides = array<i32>} : memref<16x1000xf32, #tpu.memory_space<vmem>>, vector<16xf32>,
      tpu.vector_store %arg8[%swap3A_295, %swap3A_296], %broadcast_in_dim3A_3 {strides = array<i32>} : memref<16x1000xf32, #tpu.memory_space<vmem>>, vector<16xf32>,
      %swap3A_298 = arith.index_cast %scan3A_139 : i32 to index
      %swap3A_299 = arith.constant 848 : index
      %swap3A_300 = tpu.vector_load %arg8[%swap3A_298, %swap3A_299] {strides = array<i32>} : memref<16x1000xf32, #tpu.memory_space<vmem>>, vector<16xf32>,
      tpu.vector_store %arg8[%swap3A_298, %swap3A_299], %broadcast_in_dim3A_3 {strides = array<i32>} : memref<16x1000xf32, #tpu.memory_space<vmem>>, vector<16xf32>,
      %swap3A_301 = arith.index_cast %scan3A_139 : i32 to index
      %swap3A_302 = arith.constant 864 : index
      %swap3A_303 = tpu.vector_load %arg8[%swap3A_301, %swap3A_302] {strides = array<i32>} : memref<16x1000xf32, #tpu.memory_space<vmem>>, vector<16xf32>,
      tpu.vector_store %arg8[%swap3A_301, %swap3A_302], %broadcast_in_dim3A_3 {strides = array<i32>} : memref<16x1000xf32, #tpu.memory_space<vmem>>, vector<16xf32>,
      %swap3A_304 = arith.index_cast %scan3A_139 : i32 to index
      %swap3A_305 = arith.constant 880 : index
      %swap3A_306 = tpu.vector_load %arg8[%swap3A_304, %swap3A_305] {strides = array<i32>} : memref<16x1000xf32, #tpu.memory_space<vmem>>, vector<16xf32>,
      tpu.vector_store %arg8[%swap3A_304, %swap3A_305], %broadcast_in_dim3A_3 {strides = array<i32>} : memref<16x1000xf32, #tpu.memory_space<vmem>>, vector<16xf32>,
      %swap3A_307 = arith.index_cast %scan3A_139 : i32 to index
      %swap3A_308 = arith.constant 896 : index
      %swap3A_309 = tpu.vector_load %arg8[%swap3A_307, %swap3A_308] {strides = array<i32>} : memref<16x1000xf32, #tpu.memory_space<vmem>>, vector<16xf32>,
      tpu.vector_store %arg8[%swap3A_307, %swap3A_308], %broadcast_in_dim3A_3 {strides = array<i32>} : memref<16x1000xf32, #tpu.memory_space<vmem>>, vector<16xf32>,
      %swap3A_310 = arith.index_cast %scan3A_139 : i32 to index
      %swap3A_311 = arith.constant 912 : index
      %swap3A_312 = tpu.vector_load %arg8[%swap3A_310, %swap3A_311] {strides = array<i32>} : memref<16x1000xf32, #tpu.memory_space<vmem>>, vector<16xf32>,
      tpu.vector_store %arg8[%swap3A_310, %swap3A_311], %broadcast_in_dim3A_3 {strides = array<i32>} : memref<16x1000xf32, #tpu.memory_space<vmem>>, vector<16xf32>,
      %swap3A_313 = arith.index_cast %scan3A_139 : i32 to index
      %swap3A_314 = arith.constant 928 : index
      %swap3A_315 = tpu.vector_load %arg8[%swap3A_313, %swap3A_314] {strides = array<i32>} : memref<16x1000xf32, #tpu.memory_space<vmem>>, vector<16xf32>,
      tpu.vector_store %arg8[%swap3A_313, %swap3A_314], %broadcast_in_dim3A_3 {strides = array<i32>} : memref<16x1000xf32, #tpu.memory_space<vmem>>, vector<16xf32>,
      %swap3A_316 = arith.index_cast %scan3A_139 : i32 to index
      %swap3A_317 = arith.constant 944 : index
      %swap3A_318 = tpu.vector_load %arg8[%swap3A_316, %swap3A_317] {strides = array<i32>} : memref<16x1000xf32, #tpu.memory_space<vmem>>, vector<16xf32>,
      tpu.vector_store %arg8[%swap3A_316, %swap3A_317], %broadcast_in_dim3A_3 {strides = array<i32>} : memref<16x1000xf32, #tpu.memory_space<vmem>>, vector<16xf32>,
      %swap3A_319 = arith.index_cast %scan3A_139 : i32 to index
      %swap3A_320 = arith.constant 960 : index
      %swap3A_321 = tpu.vector_load %arg8[%swap3A_319, %swap3A_320] {strides = array<i32>} : memref<16x1000xf32, #tpu.memory_space<vmem>>, vector<16xf32>,
      tpu.vector_store %arg8[%swap3A_319, %swap3A_320], %broadcast_in_dim3A_3 {strides = array<i32>} : memref<16x1000xf32, #tpu.memory_space<vmem>>, vector<16xf32>,
      %swap3A_322 = arith.index_cast %scan3A_139 : i32 to index
      %swap3A_323 = arith.constant 976 : index
      %swap3A_324 = tpu.vector_load %arg8[%swap3A_322, %swap3A_323] {strides = array<i32>} : memref<16x1000xf32, #tpu.memory_space<vmem>>, vector<16xf32>,
      tpu.vector_store %arg8[%swap3A_322, %swap3A_323], %broadcast_in_dim3A_3 {strides = array<i32>} : memref<16x1000xf32, #tpu.memory_space<vmem>>, vector<16xf32>,
      %swap3A_325 = arith.index_cast %scan3A_139 : i32 to index
      %swap3A_326 = arith.constant 984 : index
      %swap3A_327 = tpu.vector_load %arg8[%swap3A_325, %swap3A_326] {strides = array<i32>} : memref<16x1000xf32, #tpu.memory_space<vmem>>, vector<16xf32>,
      tpu.vector_store %arg8[%swap3A_325, %swap3A_326], %broadcast_in_dim3A_3 {strides = array<i32>} : memref<16x1000xf32, #tpu.memory_space<vmem>>, vector<16xf32>,
    }
    %scan3A_52 = arith.constant 16 : i32
    %scan3A_53 = arith.constant 0 : i32
    %scan3A_54 = arith.constant 16 : i32
    %scan3A_55 = arith.addi %scan3A_53, %scan3A_54 : i32
    %scan3A_56 = arith.constant 1 : i32
    scf.for %scan3A_139 = %scan3A_53 to %scan3A_55 step %scan3A_56  : i32 {
      %swap3A = arith.index_cast %scan3A_139 : i32 to index
      %swap3A_140 = arith.constant 0 : index
      %swap3A_141 = tpu.vector_load %arg9[%swap3A, %swap3A_140] {strides = array<i32>} : memref<16x1000xf32, #tpu.memory_space<vmem>>, vector<16xf32>,
      tpu.vector_store %arg9[%swap3A, %swap3A_140], %broadcast_in_dim3A_3 {strides = array<i32>} : memref<16x1000xf32, #tpu.memory_space<vmem>>, vector<16xf32>,
      %swap3A_142 = arith.index_cast %scan3A_139 : i32 to index
      %swap3A_143 = arith.constant 16 : index
      %swap3A_144 = tpu.vector_load %arg9[%swap3A_142, %swap3A_143] {strides = array<i32>} : memref<16x1000xf32, #tpu.memory_space<vmem>>, vector<16xf32>,
      tpu.vector_store %arg9[%swap3A_142, %swap3A_143], %broadcast_in_dim3A_3 {strides = array<i32>} : memref<16x1000xf32, #tpu.memory_space<vmem>>, vector<16xf32>,
      %swap3A_145 = arith.index_cast %scan3A_139 : i32 to index
      %swap3A_146 = arith.constant 32 : index
      %swap3A_147 = tpu.vector_load %arg9[%swap3A_145, %swap3A_146] {strides = array<i32>} : memref<16x1000xf32, #tpu.memory_space<vmem>>, vector<16xf32>,
      tpu.vector_store %arg9[%swap3A_145, %swap3A_146], %broadcast_in_dim3A_3 {strides = array<i32>} : memref<16x1000xf32, #tpu.memory_space<vmem>>, vector<16xf32>,
      %swap3A_148 = arith.index_cast %scan3A_139 : i32 to index
      %swap3A_149 = arith.constant 48 : index
      %swap3A_150 = tpu.vector_load %arg9[%swap3A_148, %swap3A_149] {strides = array<i32>} : memref<16x1000xf32, #tpu.memory_space<vmem>>, vector<16xf32>,
      tpu.vector_store %arg9[%swap3A_148, %swap3A_149], %broadcast_in_dim3A_3 {strides = array<i32>} : memref<16x1000xf32, #tpu.memory_space<vmem>>, vector<16xf32>,
      %swap3A_151 = arith.index_cast %scan3A_139 : i32 to index
      %swap3A_152 = arith.constant 64 : index
      %swap3A_153 = tpu.vector_load %arg9[%swap3A_151, %swap3A_152] {strides = array<i32>} : memref<16x1000xf32, #tpu.memory_space<vmem>>, vector<16xf32>,
      tpu.vector_store %arg9[%swap3A_151, %swap3A_152], %broadcast_in_dim3A_3 {strides = array<i32>} : memref<16x1000xf32, #tpu.memory_space<vmem>>, vector<16xf32>,
      %swap3A_154 = arith.index_cast %scan3A_139 : i32 to index
      %swap3A_155 = arith.constant 80 : index
      %swap3A_156 = tpu.vector_load %arg9[%swap3A_154, %swap3A_155] {strides = array<i32>} : memref<16x1000xf32, #tpu.memory_space<vmem>>, vector<16xf32>,
      tpu.vector_store %arg9[%swap3A_154, %swap3A_155], %broadcast_in_dim3A_3 {strides = array<i32>} : memref<16x1000xf32, #tpu.memory_space<vmem>>, vector<16xf32>,
      %swap3A_157 = arith.index_cast %scan3A_139 : i32 to index
      %swap3A_158 = arith.constant 96 : index
      %swap3A_159 = tpu.vector_load %arg9[%swap3A_157, %swap3A_158] {strides = array<i32>} : memref<16x1000xf32, #tpu.memory_space<vmem>>, vector<16xf32>,
      tpu.vector_store %arg9[%swap3A_157, %swap3A_158], %broadcast_in_dim3A_3 {strides = array<i32>} : memref<16x1000xf32, #tpu.memory_space<vmem>>, vector<16xf32>,
      %swap3A_160 = arith.index_cast %scan3A_139 : i32 to index
      %swap3A_161 = arith.constant 112 : index
      %swap3A_162 = tpu.vector_load %arg9[%swap3A_160, %swap3A_161] {strides = array<i32>} : memref<16x1000xf32, #tpu.memory_space<vmem>>, vector<16xf32>,
      tpu.vector_store %arg9[%swap3A_160, %swap3A_161], %broadcast_in_dim3A_3 {strides = array<i32>} : memref<16x1000xf32, #tpu.memory_space<vmem>>, vector<16xf32>,
      %swap3A_163 = arith.index_cast %scan3A_139 : i32 to index
      %swap3A_164 = arith.constant 128 : index
      %swap3A_165 = tpu.vector_load %arg9[%swap3A_163, %swap3A_164] {strides = array<i32>} : memref<16x1000xf32, #tpu.memory_space<vmem>>, vector<16xf32>,
      tpu.vector_store %arg9[%swap3A_163, %swap3A_164], %broadcast_in_dim3A_3 {strides = array<i32>} : memref<16x1000xf32, #tpu.memory_space<vmem>>, vector<16xf32>,
      %swap3A_166 = arith.index_cast %scan3A_139 : i32 to index
      %swap3A_167 = arith.constant 144 : index
      %swap3A_168 = tpu.vector_load %arg9[%swap3A_166, %swap3A_167] {strides = array<i32>} : memref<16x1000xf32, #tpu.memory_space<vmem>>, vector<16xf32>,
      tpu.vector_store %arg9[%swap3A_166, %swap3A_167], %broadcast_in_dim3A_3 {strides = array<i32>} : memref<16x1000xf32, #tpu.memory_space<vmem>>, vector<16xf32>,
      %swap3A_169 = arith.index_cast %scan3A_139 : i32 to index
      %swap3A_170 = arith.constant 160 : index
      %swap3A_171 = tpu.vector_load %arg9[%swap3A_169, %swap3A_170] {strides = array<i32>} : memref<16x1000xf32, #tpu.memory_space<vmem>>, vector<16xf32>,
      tpu.vector_store %arg9[%swap3A_169, %swap3A_170], %broadcast_in_dim3A_3 {strides = array<i32>} : memref<16x1000xf32, #tpu.memory_space<vmem>>, vector<16xf32>,
      %swap3A_172 = arith.index_cast %scan3A_139 : i32 to index
      %swap3A_173 = arith.constant 176 : index
      %swap3A_174 = tpu.vector_load %arg9[%swap3A_172, %swap3A_173] {strides = array<i32>} : memref<16x1000xf32, #tpu.memory_space<vmem>>, vector<16xf32>,
      tpu.vector_store %arg9[%swap3A_172, %swap3A_173], %broadcast_in_dim3A_3 {strides = array<i32>} : memref<16x1000xf32, #tpu.memory_space<vmem>>, vector<16xf32>,
      %swap3A_175 = arith.index_cast %scan3A_139 : i32 to index
      %swap3A_176 = arith.constant 192 : index
      %swap3A_177 = tpu.vector_load %arg9[%swap3A_175, %swap3A_176] {strides = array<i32>} : memref<16x1000xf32, #tpu.memory_space<vmem>>, vector<16xf32>,
      tpu.vector_store %arg9[%swap3A_175, %swap3A_176], %broadcast_in_dim3A_3 {strides = array<i32>} : memref<16x1000xf32, #tpu.memory_space<vmem>>, vector<16xf32>,
      %swap3A_178 = arith.index_cast %scan3A_139 : i32 to index
      %swap3A_179 = arith.constant 208 : index
      %swap3A_180 = tpu.vector_load %arg9[%swap3A_178, %swap3A_179] {strides = array<i32>} : memref<16x1000xf32, #tpu.memory_space<vmem>>, vector<16xf32>,
      tpu.vector_store %arg9[%swap3A_178, %swap3A_179], %broadcast_in_dim3A_3 {strides = array<i32>} : memref<16x1000xf32, #tpu.memory_space<vmem>>, vector<16xf32>,
      %swap3A_181 = arith.index_cast %scan3A_139 : i32 to index
      %swap3A_182 = arith.constant 224 : index
      %swap3A_183 = tpu.vector_load %arg9[%swap3A_181, %swap3A_182] {strides = array<i32>} : memref<16x1000xf32, #tpu.memory_space<vmem>>, vector<16xf32>,
      tpu.vector_store %arg9[%swap3A_181, %swap3A_182], %broadcast_in_dim3A_3 {strides = array<i32>} : memref<16x1000xf32, #tpu.memory_space<vmem>>, vector<16xf32>,
      %swap3A_184 = arith.index_cast %scan3A_139 : i32 to index
      %swap3A_185 = arith.constant 240 : index
      %swap3A_186 = tpu.vector_load %arg9[%swap3A_184, %swap3A_185] {strides = array<i32>} : memref<16x1000xf32, #tpu.memory_space<vmem>>, vector<16xf32>,
      tpu.vector_store %arg9[%swap3A_184, %swap3A_185], %broadcast_in_dim3A_3 {strides = array<i32>} : memref<16x1000xf32, #tpu.memory_space<vmem>>, vector<16xf32>,
      %swap3A_187 = arith.index_cast %scan3A_139 : i32 to index
      %swap3A_188 = arith.constant 256 : index
      %swap3A_189 = tpu.vector_load %arg9[%swap3A_187, %swap3A_188] {strides = array<i32>} : memref<16x1000xf32, #tpu.memory_space<vmem>>, vector<16xf32>,
      tpu.vector_store %arg9[%swap3A_187, %swap3A_188], %broadcast_in_dim3A_3 {strides = array<i32>} : memref<16x1000xf32, #tpu.memory_space<vmem>>, vector<16xf32>,
      %swap3A_190 = arith.index_cast %scan3A_139 : i32 to index
      %swap3A_191 = arith.constant 272 : index
      %swap3A_192 = tpu.vector_load %arg9[%swap3A_190, %swap3A_191] {strides = array<i32>} : memref<16x1000xf32, #tpu.memory_space<vmem>>, vector<16xf32>,
      tpu.vector_store %arg9[%swap3A_190, %swap3A_191], %broadcast_in_dim3A_3 {strides = array<i32>} : memref<16x1000xf32, #tpu.memory_space<vmem>>, vector<16xf32>,
      %swap3A_193 = arith.index_cast %scan3A_139 : i32 to index
      %swap3A_194 = arith.constant 288 : index
      %swap3A_195 = tpu.vector_load %arg9[%swap3A_193, %swap3A_194] {strides = array<i32>} : memref<16x1000xf32, #tpu.memory_space<vmem>>, vector<16xf32>,
      tpu.vector_store %arg9[%swap3A_193, %swap3A_194], %broadcast_in_dim3A_3 {strides = array<i32>} : memref<16x1000xf32, #tpu.memory_space<vmem>>, vector<16xf32>,
      %swap3A_196 = arith.index_cast %scan3A_139 : i32 to index
      %swap3A_197 = arith.constant 304 : index
      %swap3A_198 = tpu.vector_load %arg9[%swap3A_196, %swap3A_197] {strides = array<i32>} : memref<16x1000xf32, #tpu.memory_space<vmem>>, vector<16xf32>,
      tpu.vector_store %arg9[%swap3A_196, %swap3A_197], %broadcast_in_dim3A_3 {strides = array<i32>} : memref<16x1000xf32, #tpu.memory_space<vmem>>, vector<16xf32>,
      %swap3A_199 = arith.index_cast %scan3A_139 : i32 to index
      %swap3A_200 = arith.constant 320 : index
      %swap3A_201 = tpu.vector_load %arg9[%swap3A_199, %swap3A_200] {strides = array<i32>} : memref<16x1000xf32, #tpu.memory_space<vmem>>, vector<16xf32>,
      tpu.vector_store %arg9[%swap3A_199, %swap3A_200], %broadcast_in_dim3A_3 {strides = array<i32>} : memref<16x1000xf32, #tpu.memory_space<vmem>>, vector<16xf32>,
      %swap3A_202 = arith.index_cast %scan3A_139 : i32 to index
      %swap3A_203 = arith.constant 336 : index
      %swap3A_204 = tpu.vector_load %arg9[%swap3A_202, %swap3A_203] {strides = array<i32>} : memref<16x1000xf32, #tpu.memory_space<vmem>>, vector<16xf32>,
      tpu.vector_store %arg9[%swap3A_202, %swap3A_203], %broadcast_in_dim3A_3 {strides = array<i32>} : memref<16x1000xf32, #tpu.memory_space<vmem>>, vector<16xf32>,
      %swap3A_205 = arith.index_cast %scan3A_139 : i32 to index
      %swap3A_206 = arith.constant 352 : index
      %swap3A_207 = tpu.vector_load %arg9[%swap3A_205, %swap3A_206] {strides = array<i32>} : memref<16x1000xf32, #tpu.memory_space<vmem>>, vector<16xf32>,
      tpu.vector_store %arg9[%swap3A_205, %swap3A_206], %broadcast_in_dim3A_3 {strides = array<i32>} : memref<16x1000xf32, #tpu.memory_space<vmem>>, vector<16xf32>,
      %swap3A_208 = arith.index_cast %scan3A_139 : i32 to index
      %swap3A_209 = arith.constant 368 : index
      %swap3A_210 = tpu.vector_load %arg9[%swap3A_208, %swap3A_209] {strides = array<i32>} : memref<16x1000xf32, #tpu.memory_space<vmem>>, vector<16xf32>,
      tpu.vector_store %arg9[%swap3A_208, %swap3A_209], %broadcast_in_dim3A_3 {strides = array<i32>} : memref<16x1000xf32, #tpu.memory_space<vmem>>, vector<16xf32>,
      %swap3A_211 = arith.index_cast %scan3A_139 : i32 to index
      %swap3A_212 = arith.constant 384 : index
      %swap3A_213 = tpu.vector_load %arg9[%swap3A_211, %swap3A_212] {strides = array<i32>} : memref<16x1000xf32, #tpu.memory_space<vmem>>, vector<16xf32>,
      tpu.vector_store %arg9[%swap3A_211, %swap3A_212], %broadcast_in_dim3A_3 {strides = array<i32>} : memref<16x1000xf32, #tpu.memory_space<vmem>>, vector<16xf32>,
      %swap3A_214 = arith.index_cast %scan3A_139 : i32 to index
      %swap3A_215 = arith.constant 400 : index
      %swap3A_216 = tpu.vector_load %arg9[%swap3A_214, %swap3A_215] {strides = array<i32>} : memref<16x1000xf32, #tpu.memory_space<vmem>>, vector<16xf32>,
      tpu.vector_store %arg9[%swap3A_214, %swap3A_215], %broadcast_in_dim3A_3 {strides = array<i32>} : memref<16x1000xf32, #tpu.memory_space<vmem>>, vector<16xf32>,
      %swap3A_217 = arith.index_cast %scan3A_139 : i32 to index
      %swap3A_218 = arith.constant 416 : index
      %swap3A_219 = tpu.vector_load %arg9[%swap3A_217, %swap3A_218] {strides = array<i32>} : memref<16x1000xf32, #tpu.memory_space<vmem>>, vector<16xf32>,
      tpu.vector_store %arg9[%swap3A_217, %swap3A_218], %broadcast_in_dim3A_3 {strides = array<i32>} : memref<16x1000xf32, #tpu.memory_space<vmem>>, vector<16xf32>,
      %swap3A_220 = arith.index_cast %scan3A_139 : i32 to index
      %swap3A_221 = arith.constant 432 : index
      %swap3A_222 = tpu.vector_load %arg9[%swap3A_220, %swap3A_221] {strides = array<i32>} : memref<16x1000xf32, #tpu.memory_space<vmem>>, vector<16xf32>,
      tpu.vector_store %arg9[%swap3A_220, %swap3A_221], %broadcast_in_dim3A_3 {strides = array<i32>} : memref<16x1000xf32, #tpu.memory_space<vmem>>, vector<16xf32>,
      %swap3A_223 = arith.index_cast %scan3A_139 : i32 to index
      %swap3A_224 = arith.constant 448 : index
      %swap3A_225 = tpu.vector_load %arg9[%swap3A_223, %swap3A_224] {strides = array<i32>} : memref<16x1000xf32, #tpu.memory_space<vmem>>, vector<16xf32>,
      tpu.vector_store %arg9[%swap3A_223, %swap3A_224], %broadcast_in_dim3A_3 {strides = array<i32>} : memref<16x1000xf32, #tpu.memory_space<vmem>>, vector<16xf32>,
      %swap3A_226 = arith.index_cast %scan3A_139 : i32 to index
      %swap3A_227 = arith.constant 464 : index
      %swap3A_228 = tpu.vector_load %arg9[%swap3A_226, %swap3A_227] {strides = array<i32>} : memref<16x1000xf32, #tpu.memory_space<vmem>>, vector<16xf32>,
      tpu.vector_store %arg9[%swap3A_226, %swap3A_227], %broadcast_in_dim3A_3 {strides = array<i32>} : memref<16x1000xf32, #tpu.memory_space<vmem>>, vector<16xf32>,
      %swap3A_229 = arith.index_cast %scan3A_139 : i32 to index
      %swap3A_230 = arith.constant 480 : index
      %swap3A_231 = tpu.vector_load %arg9[%swap3A_229, %swap3A_230] {strides = array<i32>} : memref<16x1000xf32, #tpu.memory_space<vmem>>, vector<16xf32>,
      tpu.vector_store %arg9[%swap3A_229, %swap3A_230], %broadcast_in_dim3A_3 {strides = array<i32>} : memref<16x1000xf32, #tpu.memory_space<vmem>>, vector<16xf32>,
      %swap3A_232 = arith.index_cast %scan3A_139 : i32 to index
      %swap3A_233 = arith.constant 496 : index
      %swap3A_234 = tpu.vector_load %arg9[%swap3A_232, %swap3A_233] {strides = array<i32>} : memref<16x1000xf32, #tpu.memory_space<vmem>>, vector<16xf32>,
      tpu.vector_store %arg9[%swap3A_232, %swap3A_233], %broadcast_in_dim3A_3 {strides = array<i32>} : memref<16x1000xf32, #tpu.memory_space<vmem>>, vector<16xf32>,
      %swap3A_235 = arith.index_cast %scan3A_139 : i32 to index
      %swap3A_236 = arith.constant 512 : index
      %swap3A_237 = tpu.vector_load %arg9[%swap3A_235, %swap3A_236] {strides = array<i32>} : memref<16x1000xf32, #tpu.memory_space<vmem>>, vector<16xf32>,
      tpu.vector_store %arg9[%swap3A_235, %swap3A_236], %broadcast_in_dim3A_3 {strides = array<i32>} : memref<16x1000xf32, #tpu.memory_space<vmem>>, vector<16xf32>,
      %swap3A_238 = arith.index_cast %scan3A_139 : i32 to index
      %swap3A_239 = arith.constant 528 : index
      %swap3A_240 = tpu.vector_load %arg9[%swap3A_238, %swap3A_239] {strides = array<i32>} : memref<16x1000xf32, #tpu.memory_space<vmem>>, vector<16xf32>,
      tpu.vector_store %arg9[%swap3A_238, %swap3A_239], %broadcast_in_dim3A_3 {strides = array<i32>} : memref<16x1000xf32, #tpu.memory_space<vmem>>, vector<16xf32>,
      %swap3A_241 = arith.index_cast %scan3A_139 : i32 to index
      %swap3A_242 = arith.constant 544 : index
      %swap3A_243 = tpu.vector_load %arg9[%swap3A_241, %swap3A_242] {strides = array<i32>} : memref<16x1000xf32, #tpu.memory_space<vmem>>, vector<16xf32>,
      tpu.vector_store %arg9[%swap3A_241, %swap3A_242], %broadcast_in_dim3A_3 {strides = array<i32>} : memref<16x1000xf32, #tpu.memory_space<vmem>>, vector<16xf32>,
      %swap3A_244 = arith.index_cast %scan3A_139 : i32 to index
      %swap3A_245 = arith.constant 560 : index
      %swap3A_246 = tpu.vector_load %arg9[%swap3A_244, %swap3A_245] {strides = array<i32>} : memref<16x1000xf32, #tpu.memory_space<vmem>>, vector<16xf32>,
      tpu.vector_store %arg9[%swap3A_244, %swap3A_245], %broadcast_in_dim3A_3 {strides = array<i32>} : memref<16x1000xf32, #tpu.memory_space<vmem>>, vector<16xf32>,
      %swap3A_247 = arith.index_cast %scan3A_139 : i32 to index
      %swap3A_248 = arith.constant 576 : index
      %swap3A_249 = tpu.vector_load %arg9[%swap3A_247, %swap3A_248] {strides = array<i32>} : memref<16x1000xf32, #tpu.memory_space<vmem>>, vector<16xf32>,
      tpu.vector_store %arg9[%swap3A_247, %swap3A_248], %broadcast_in_dim3A_3 {strides = array<i32>} : memref<16x1000xf32, #tpu.memory_space<vmem>>, vector<16xf32>,
      %swap3A_250 = arith.index_cast %scan3A_139 : i32 to index
      %swap3A_251 = arith.constant 592 : index
      %swap3A_252 = tpu.vector_load %arg9[%swap3A_250, %swap3A_251] {strides = array<i32>} : memref<16x1000xf32, #tpu.memory_space<vmem>>, vector<16xf32>,
      tpu.vector_store %arg9[%swap3A_250, %swap3A_251], %broadcast_in_dim3A_3 {strides = array<i32>} : memref<16x1000xf32, #tpu.memory_space<vmem>>, vector<16xf32>,
      %swap3A_253 = arith.index_cast %scan3A_139 : i32 to index
      %swap3A_254 = arith.constant 608 : index
      %swap3A_255 = tpu.vector_load %arg9[%swap3A_253, %swap3A_254] {strides = array<i32>} : memref<16x1000xf32, #tpu.memory_space<vmem>>, vector<16xf32>,
      tpu.vector_store %arg9[%swap3A_253, %swap3A_254], %broadcast_in_dim3A_3 {strides = array<i32>} : memref<16x1000xf32, #tpu.memory_space<vmem>>, vector<16xf32>,
      %swap3A_256 = arith.index_cast %scan3A_139 : i32 to index
      %swap3A_257 = arith.constant 624 : index
      %swap3A_258 = tpu.vector_load %arg9[%swap3A_256, %swap3A_257] {strides = array<i32>} : memref<16x1000xf32, #tpu.memory_space<vmem>>, vector<16xf32>,
      tpu.vector_store %arg9[%swap3A_256, %swap3A_257], %broadcast_in_dim3A_3 {strides = array<i32>} : memref<16x1000xf32, #tpu.memory_space<vmem>>, vector<16xf32>,
      %swap3A_259 = arith.index_cast %scan3A_139 : i32 to index
      %swap3A_260 = arith.constant 640 : index
      %swap3A_261 = tpu.vector_load %arg9[%swap3A_259, %swap3A_260] {strides = array<i32>} : memref<16x1000xf32, #tpu.memory_space<vmem>>, vector<16xf32>,
      tpu.vector_store %arg9[%swap3A_259, %swap3A_260], %broadcast_in_dim3A_3 {strides = array<i32>} : memref<16x1000xf32, #tpu.memory_space<vmem>>, vector<16xf32>,
      %swap3A_262 = arith.index_cast %scan3A_139 : i32 to index
      %swap3A_263 = arith.constant 656 : index
      %swap3A_264 = tpu.vector_load %arg9[%swap3A_262, %swap3A_263] {strides = array<i32>} : memref<16x1000xf32, #tpu.memory_space<vmem>>, vector<16xf32>,
      tpu.vector_store %arg9[%swap3A_262, %swap3A_263], %broadcast_in_dim3A_3 {strides = array<i32>} : memref<16x1000xf32, #tpu.memory_space<vmem>>, vector<16xf32>,
      %swap3A_265 = arith.index_cast %scan3A_139 : i32 to index
      %swap3A_266 = arith.constant 672 : index
      %swap3A_267 = tpu.vector_load %arg9[%swap3A_265, %swap3A_266] {strides = array<i32>} : memref<16x1000xf32, #tpu.memory_space<vmem>>, vector<16xf32>,
      tpu.vector_store %arg9[%swap3A_265, %swap3A_266], %broadcast_in_dim3A_3 {strides = array<i32>} : memref<16x1000xf32, #tpu.memory_space<vmem>>, vector<16xf32>,
      %swap3A_268 = arith.index_cast %scan3A_139 : i32 to index
      %swap3A_269 = arith.constant 688 : index
      %swap3A_270 = tpu.vector_load %arg9[%swap3A_268, %swap3A_269] {strides = array<i32>} : memref<16x1000xf32, #tpu.memory_space<vmem>>, vector<16xf32>,
      tpu.vector_store %arg9[%swap3A_268, %swap3A_269], %broadcast_in_dim3A_3 {strides = array<i32>} : memref<16x1000xf32, #tpu.memory_space<vmem>>, vector<16xf32>,
      %swap3A_271 = arith.index_cast %scan3A_139 : i32 to index
      %swap3A_272 = arith.constant 704 : index
      %swap3A_273 = tpu.vector_load %arg9[%swap3A_271, %swap3A_272] {strides = array<i32>} : memref<16x1000xf32, #tpu.memory_space<vmem>>, vector<16xf32>,
      tpu.vector_store %arg9[%swap3A_271, %swap3A_272], %broadcast_in_dim3A_3 {strides = array<i32>} : memref<16x1000xf32, #tpu.memory_space<vmem>>, vector<16xf32>,
      %swap3A_274 = arith.index_cast %scan3A_139 : i32 to index
      %swap3A_275 = arith.constant 720 : index
      %swap3A_276 = tpu.vector_load %arg9[%swap3A_274, %swap3A_275] {strides = array<i32>} : memref<16x1000xf32, #tpu.memory_space<vmem>>, vector<16xf32>,
      tpu.vector_store %arg9[%swap3A_274, %swap3A_275], %broadcast_in_dim3A_3 {strides = array<i32>} : memref<16x1000xf32, #tpu.memory_space<vmem>>, vector<16xf32>,
      %swap3A_277 = arith.index_cast %scan3A_139 : i32 to index
      %swap3A_278 = arith.constant 736 : index
      %swap3A_279 = tpu.vector_load %arg9[%swap3A_277, %swap3A_278] {strides = array<i32>} : memref<16x1000xf32, #tpu.memory_space<vmem>>, vector<16xf32>,
      tpu.vector_store %arg9[%swap3A_277, %swap3A_278], %broadcast_in_dim3A_3 {strides = array<i32>} : memref<16x1000xf32, #tpu.memory_space<vmem>>, vector<16xf32>,
      %swap3A_280 = arith.index_cast %scan3A_139 : i32 to index
      %swap3A_281 = arith.constant 752 : index
      %swap3A_282 = tpu.vector_load %arg9[%swap3A_280, %swap3A_281] {strides = array<i32>} : memref<16x1000xf32, #tpu.memory_space<vmem>>, vector<16xf32>,
      tpu.vector_store %arg9[%swap3A_280, %swap3A_281], %broadcast_in_dim3A_3 {strides = array<i32>} : memref<16x1000xf32, #tpu.memory_space<vmem>>, vector<16xf32>,
      %swap3A_283 = arith.index_cast %scan3A_139 : i32 to index
      %swap3A_284 = arith.constant 768 : index
      %swap3A_285 = tpu.vector_load %arg9[%swap3A_283, %swap3A_284] {strides = array<i32>} : memref<16x1000xf32, #tpu.memory_space<vmem>>, vector<16xf32>,
      tpu.vector_store %arg9[%swap3A_283, %swap3A_284], %broadcast_in_dim3A_3 {strides = array<i32>} : memref<16x1000xf32, #tpu.memory_space<vmem>>, vector<16xf32>,
      %swap3A_286 = arith.index_cast %scan3A_139 : i32 to index
      %swap3A_287 = arith.constant 784 : index
      %swap3A_288 = tpu.vector_load %arg9[%swap3A_286, %swap3A_287] {strides = array<i32>} : memref<16x1000xf32, #tpu.memory_space<vmem>>, vector<16xf32>,
      tpu.vector_store %arg9[%swap3A_286, %swap3A_287], %broadcast_in_dim3A_3 {strides = array<i32>} : memref<16x1000xf32, #tpu.memory_space<vmem>>, vector<16xf32>,
      %swap3A_289 = arith.index_cast %scan3A_139 : i32 to index
      %swap3A_290 = arith.constant 800 : index
      %swap3A_291 = tpu.vector_load %arg9[%swap3A_289, %swap3A_290] {strides = array<i32>} : memref<16x1000xf32, #tpu.memory_space<vmem>>, vector<16xf32>,
      tpu.vector_store %arg9[%swap3A_289, %swap3A_290], %broadcast_in_dim3A_3 {strides = array<i32>} : memref<16x1000xf32, #tpu.memory_space<vmem>>, vector<16xf32>,
      %swap3A_292 = arith.index_cast %scan3A_139 : i32 to index
      %swap3A_293 = arith.constant 816 : index
      %swap3A_294 = tpu.vector_load %arg9[%swap3A_292, %swap3A_293] {strides = array<i32>} : memref<16x1000xf32, #tpu.memory_space<vmem>>, vector<16xf32>,
      tpu.vector_store %arg9[%swap3A_292, %swap3A_293], %broadcast_in_dim3A_3 {strides = array<i32>} : memref<16x1000xf32, #tpu.memory_space<vmem>>, vector<16xf32>,
      %swap3A_295 = arith.index_cast %scan3A_139 : i32 to index
      %swap3A_296 = arith.constant 832 : index
      %swap3A_297 = tpu.vector_load %arg9[%swap3A_295, %swap3A_296] {strides = array<i32>} : memref<16x1000xf32, #tpu.memory_space<vmem>>, vector<16xf32>,
      tpu.vector_store %arg9[%swap3A_295, %swap3A_296], %broadcast_in_dim3A_3 {strides = array<i32>} : memref<16x1000xf32, #tpu.memory_space<vmem>>, vector<16xf32>,
      %swap3A_298 = arith.index_cast %scan3A_139 : i32 to index
      %swap3A_299 = arith.constant 848 : index
      %swap3A_300 = tpu.vector_load %arg9[%swap3A_298, %swap3A_299] {strides = array<i32>} : memref<16x1000xf32, #tpu.memory_space<vmem>>, vector<16xf32>,
      tpu.vector_store %arg9[%swap3A_298, %swap3A_299], %broadcast_in_dim3A_3 {strides = array<i32>} : memref<16x1000xf32, #tpu.memory_space<vmem>>, vector<16xf32>,
      %swap3A_301 = arith.index_cast %scan3A_139 : i32 to index
      %swap3A_302 = arith.constant 864 : index
      %swap3A_303 = tpu.vector_load %arg9[%swap3A_301, %swap3A_302] {strides = array<i32>} : memref<16x1000xf32, #tpu.memory_space<vmem>>, vector<16xf32>,
      tpu.vector_store %arg9[%swap3A_301, %swap3A_302], %broadcast_in_dim3A_3 {strides = array<i32>} : memref<16x1000xf32, #tpu.memory_space<vmem>>, vector<16xf32>,
      %swap3A_304 = arith.index_cast %scan3A_139 : i32 to index
      %swap3A_305 = arith.constant 880 : index
      %swap3A_306 = tpu.vector_load %arg9[%swap3A_304, %swap3A_305] {strides = array<i32>} : memref<16x1000xf32, #tpu.memory_space<vmem>>, vector<16xf32>,
      tpu.vector_store %arg9[%swap3A_304, %swap3A_305], %broadcast_in_dim3A_3 {strides = array<i32>} : memref<16x1000xf32, #tpu.memory_space<vmem>>, vector<16xf32>,
      %swap3A_307 = arith.index_cast %scan3A_139 : i32 to index
      %swap3A_308 = arith.constant 896 : index
      %swap3A_309 = tpu.vector_load %arg9[%swap3A_307, %swap3A_308] {strides = array<i32>} : memref<16x1000xf32, #tpu.memory_space<vmem>>, vector<16xf32>,
      tpu.vector_store %arg9[%swap3A_307, %swap3A_308], %broadcast_in_dim3A_3 {strides = array<i32>} : memref<16x1000xf32, #tpu.memory_space<vmem>>, vector<16xf32>,
      %swap3A_310 = arith.index_cast %scan3A_139 : i32 to index
      %swap3A_311 = arith.constant 912 : index
      %swap3A_312 = tpu.vector_load %arg9[%swap3A_310, %swap3A_311] {strides = array<i32>} : memref<16x1000xf32, #tpu.memory_space<vmem>>, vector<16xf32>,
      tpu.vector_store %arg9[%swap3A_310, %swap3A_311], %broadcast_in_dim3A_3 {strides = array<i32>} : memref<16x1000xf32, #tpu.memory_space<vmem>>, vector<16xf32>,
      %swap3A_313 = arith.index_cast %scan3A_139 : i32 to index
      %swap3A_314 = arith.constant 928 : index
      %swap3A_315 = tpu.vector_load %arg9[%swap3A_313, %swap3A_314] {strides = array<i32>} : memref<16x1000xf32, #tpu.memory_space<vmem>>, vector<16xf32>,
      tpu.vector_store %arg9[%swap3A_313, %swap3A_314], %broadcast_in_dim3A_3 {strides = array<i32>} : memref<16x1000xf32, #tpu.memory_space<vmem>>, vector<16xf32>,
      %swap3A_316 = arith.index_cast %scan3A_139 : i32 to index
      %swap3A_317 = arith.constant 944 : index
      %swap3A_318 = tpu.vector_load %arg9[%swap3A_316, %swap3A_317] {strides = array<i32>} : memref<16x1000xf32, #tpu.memory_space<vmem>>, vector<16xf32>,
      tpu.vector_store %arg9[%swap3A_316, %swap3A_317], %broadcast_in_dim3A_3 {strides = array<i32>} : memref<16x1000xf32, #tpu.memory_space<vmem>>, vector<16xf32>,
      %swap3A_319 = arith.index_cast %scan3A_139 : i32 to index
      %swap3A_320 = arith.constant 960 : index
      %swap3A_321 = tpu.vector_load %arg9[%swap3A_319, %swap3A_320] {strides = array<i32>} : memref<16x1000xf32, #tpu.memory_space<vmem>>, vector<16xf32>,
      tpu.vector_store %arg9[%swap3A_319, %swap3A_320], %broadcast_in_dim3A_3 {strides = array<i32>} : memref<16x1000xf32, #tpu.memory_space<vmem>>, vector<16xf32>,
      %swap3A_322 = arith.index_cast %scan3A_139 : i32 to index
      %swap3A_323 = arith.constant 976 : index
      %swap3A_324 = tpu.vector_load %arg9[%swap3A_322, %swap3A_323] {strides = array<i32>} : memref<16x1000xf32, #tpu.memory_space<vmem>>, vector<16xf32>,
      tpu.vector_store %arg9[%swap3A_322, %swap3A_323], %broadcast_in_dim3A_3 {strides = array<i32>} : memref<16x1000xf32, #tpu.memory_space<vmem>>, vector<16xf32>,
      %swap3A_325 = arith.index_cast %scan3A_139 : i32 to index
      %swap3A_326 = arith.constant 984 : index
      %swap3A_327 = tpu.vector_load %arg9[%swap3A_325, %swap3A_326] {strides = array<i32>} : memref<16x1000xf32, #tpu.memory_space<vmem>>, vector<16xf32>,
      tpu.vector_store %arg9[%swap3A_325, %swap3A_326], %broadcast_in_dim3A_3 {strides = array<i32>} : memref<16x1000xf32, #tpu.memory_space<vmem>>, vector<16xf32>,
    }
    %scan3A_57 = arith.constant 16 : i32
    %scan3A_58 = arith.constant 0 : i32
    %scan3A_59 = arith.constant 16 : i32
    %scan3A_60 = arith.addi %scan3A_58, %scan3A_59 : i32
    %scan3A_61 = arith.constant 1 : i32
    scf.for %scan3A_139 = %scan3A_58 to %scan3A_60 step %scan3A_61  : i32 {
      %swap3A = arith.index_cast %scan3A_139 : i32 to index
      %swap3A_140 = arith.constant 0 : index
      %swap3A_141 = tpu.vector_load %arg10[%swap3A, %swap3A_140] {strides = array<i32>} : memref<16x1000xf32, #tpu.memory_space<vmem>>, vector<16xf32>,
      tpu.vector_store %arg10[%swap3A, %swap3A_140], %broadcast_in_dim3A_3 {strides = array<i32>} : memref<16x1000xf32, #tpu.memory_space<vmem>>, vector<16xf32>,
      %swap3A_142 = arith.index_cast %scan3A_139 : i32 to index
      %swap3A_143 = arith.constant 16 : index
      %swap3A_144 = tpu.vector_load %arg10[%swap3A_142, %swap3A_143] {strides = array<i32>} : memref<16x1000xf32, #tpu.memory_space<vmem>>, vector<16xf32>,
      tpu.vector_store %arg10[%swap3A_142, %swap3A_143], %broadcast_in_dim3A_3 {strides = array<i32>} : memref<16x1000xf32, #tpu.memory_space<vmem>>, vector<16xf32>,
      %swap3A_145 = arith.index_cast %scan3A_139 : i32 to index
      %swap3A_146 = arith.constant 32 : index
      %swap3A_147 = tpu.vector_load %arg10[%swap3A_145, %swap3A_146] {strides = array<i32>} : memref<16x1000xf32, #tpu.memory_space<vmem>>, vector<16xf32>,
      tpu.vector_store %arg10[%swap3A_145, %swap3A_146], %broadcast_in_dim3A_3 {strides = array<i32>} : memref<16x1000xf32, #tpu.memory_space<vmem>>, vector<16xf32>,
      %swap3A_148 = arith.index_cast %scan3A_139 : i32 to index
      %swap3A_149 = arith.constant 48 : index
      %swap3A_150 = tpu.vector_load %arg10[%swap3A_148, %swap3A_149] {strides = array<i32>} : memref<16x1000xf32, #tpu.memory_space<vmem>>, vector<16xf32>,
      tpu.vector_store %arg10[%swap3A_148, %swap3A_149], %broadcast_in_dim3A_3 {strides = array<i32>} : memref<16x1000xf32, #tpu.memory_space<vmem>>, vector<16xf32>,
      %swap3A_151 = arith.index_cast %scan3A_139 : i32 to index
      %swap3A_152 = arith.constant 64 : index
      %swap3A_153 = tpu.vector_load %arg10[%swap3A_151, %swap3A_152] {strides = array<i32>} : memref<16x1000xf32, #tpu.memory_space<vmem>>, vector<16xf32>,
      tpu.vector_store %arg10[%swap3A_151, %swap3A_152], %broadcast_in_dim3A_3 {strides = array<i32>} : memref<16x1000xf32, #tpu.memory_space<vmem>>, vector<16xf32>,
      %swap3A_154 = arith.index_cast %scan3A_139 : i32 to index
      %swap3A_155 = arith.constant 80 : index
      %swap3A_156 = tpu.vector_load %arg10[%swap3A_154, %swap3A_155] {strides = array<i32>} : memref<16x1000xf32, #tpu.memory_space<vmem>>, vector<16xf32>,
      tpu.vector_store %arg10[%swap3A_154, %swap3A_155], %broadcast_in_dim3A_3 {strides = array<i32>} : memref<16x1000xf32, #tpu.memory_space<vmem>>, vector<16xf32>,
      %swap3A_157 = arith.index_cast %scan3A_139 : i32 to index
      %swap3A_158 = arith.constant 96 : index
      %swap3A_159 = tpu.vector_load %arg10[%swap3A_157, %swap3A_158] {strides = array<i32>} : memref<16x1000xf32, #tpu.memory_space<vmem>>, vector<16xf32>,
      tpu.vector_store %arg10[%swap3A_157, %swap3A_158], %broadcast_in_dim3A_3 {strides = array<i32>} : memref<16x1000xf32, #tpu.memory_space<vmem>>, vector<16xf32>,
      %swap3A_160 = arith.index_cast %scan3A_139 : i32 to index
      %swap3A_161 = arith.constant 112 : index
      %swap3A_162 = tpu.vector_load %arg10[%swap3A_160, %swap3A_161] {strides = array<i32>} : memref<16x1000xf32, #tpu.memory_space<vmem>>, vector<16xf32>,
      tpu.vector_store %arg10[%swap3A_160, %swap3A_161], %broadcast_in_dim3A_3 {strides = array<i32>} : memref<16x1000xf32, #tpu.memory_space<vmem>>, vector<16xf32>,
      %swap3A_163 = arith.index_cast %scan3A_139 : i32 to index
      %swap3A_164 = arith.constant 128 : index
      %swap3A_165 = tpu.vector_load %arg10[%swap3A_163, %swap3A_164] {strides = array<i32>} : memref<16x1000xf32, #tpu.memory_space<vmem>>, vector<16xf32>,
      tpu.vector_store %arg10[%swap3A_163, %swap3A_164], %broadcast_in_dim3A_3 {strides = array<i32>} : memref<16x1000xf32, #tpu.memory_space<vmem>>, vector<16xf32>,
      %swap3A_166 = arith.index_cast %scan3A_139 : i32 to index
      %swap3A_167 = arith.constant 144 : index
      %swap3A_168 = tpu.vector_load %arg10[%swap3A_166, %swap3A_167] {strides = array<i32>} : memref<16x1000xf32, #tpu.memory_space<vmem>>, vector<16xf32>,
      tpu.vector_store %arg10[%swap3A_166, %swap3A_167], %broadcast_in_dim3A_3 {strides = array<i32>} : memref<16x1000xf32, #tpu.memory_space<vmem>>, vector<16xf32>,
      %swap3A_169 = arith.index_cast %scan3A_139 : i32 to index
      %swap3A_170 = arith.constant 160 : index
      %swap3A_171 = tpu.vector_load %arg10[%swap3A_169, %swap3A_170] {strides = array<i32>} : memref<16x1000xf32, #tpu.memory_space<vmem>>, vector<16xf32>,
      tpu.vector_store %arg10[%swap3A_169, %swap3A_170], %broadcast_in_dim3A_3 {strides = array<i32>} : memref<16x1000xf32, #tpu.memory_space<vmem>>, vector<16xf32>,
      %swap3A_172 = arith.index_cast %scan3A_139 : i32 to index
      %swap3A_173 = arith.constant 176 : index
      %swap3A_174 = tpu.vector_load %arg10[%swap3A_172, %swap3A_173] {strides = array<i32>} : memref<16x1000xf32, #tpu.memory_space<vmem>>, vector<16xf32>,
      tpu.vector_store %arg10[%swap3A_172, %swap3A_173], %broadcast_in_dim3A_3 {strides = array<i32>} : memref<16x1000xf32, #tpu.memory_space<vmem>>, vector<16xf32>,
      %swap3A_175 = arith.index_cast %scan3A_139 : i32 to index
      %swap3A_176 = arith.constant 192 : index
      %swap3A_177 = tpu.vector_load %arg10[%swap3A_175, %swap3A_176] {strides = array<i32>} : memref<16x1000xf32, #tpu.memory_space<vmem>>, vector<16xf32>,
      tpu.vector_store %arg10[%swap3A_175, %swap3A_176], %broadcast_in_dim3A_3 {strides = array<i32>} : memref<16x1000xf32, #tpu.memory_space<vmem>>, vector<16xf32>,
      %swap3A_178 = arith.index_cast %scan3A_139 : i32 to index
      %swap3A_179 = arith.constant 208 : index
      %swap3A_180 = tpu.vector_load %arg10[%swap3A_178, %swap3A_179] {strides = array<i32>} : memref<16x1000xf32, #tpu.memory_space<vmem>>, vector<16xf32>,
      tpu.vector_store %arg10[%swap3A_178, %swap3A_179], %broadcast_in_dim3A_3 {strides = array<i32>} : memref<16x1000xf32, #tpu.memory_space<vmem>>, vector<16xf32>,
      %swap3A_181 = arith.index_cast %scan3A_139 : i32 to index
      %swap3A_182 = arith.constant 224 : index
      %swap3A_183 = tpu.vector_load %arg10[%swap3A_181, %swap3A_182] {strides = array<i32>} : memref<16x1000xf32, #tpu.memory_space<vmem>>, vector<16xf32>,
      tpu.vector_store %arg10[%swap3A_181, %swap3A_182], %broadcast_in_dim3A_3 {strides = array<i32>} : memref<16x1000xf32, #tpu.memory_space<vmem>>, vector<16xf32>,
      %swap3A_184 = arith.index_cast %scan3A_139 : i32 to index
      %swap3A_185 = arith.constant 240 : index
      %swap3A_186 = tpu.vector_load %arg10[%swap3A_184, %swap3A_185] {strides = array<i32>} : memref<16x1000xf32, #tpu.memory_space<vmem>>, vector<16xf32>,
      tpu.vector_store %arg10[%swap3A_184, %swap3A_185], %broadcast_in_dim3A_3 {strides = array<i32>} : memref<16x1000xf32, #tpu.memory_space<vmem>>, vector<16xf32>,
      %swap3A_187 = arith.index_cast %scan3A_139 : i32 to index
      %swap3A_188 = arith.constant 256 : index
      %swap3A_189 = tpu.vector_load %arg10[%swap3A_187, %swap3A_188] {strides = array<i32>} : memref<16x1000xf32, #tpu.memory_space<vmem>>, vector<16xf32>,
      tpu.vector_store %arg10[%swap3A_187, %swap3A_188], %broadcast_in_dim3A_3 {strides = array<i32>} : memref<16x1000xf32, #tpu.memory_space<vmem>>, vector<16xf32>,
      %swap3A_190 = arith.index_cast %scan3A_139 : i32 to index
      %swap3A_191 = arith.constant 272 : index
      %swap3A_192 = tpu.vector_load %arg10[%swap3A_190, %swap3A_191] {strides = array<i32>} : memref<16x1000xf32, #tpu.memory_space<vmem>>, vector<16xf32>,
      tpu.vector_store %arg10[%swap3A_190, %swap3A_191], %broadcast_in_dim3A_3 {strides = array<i32>} : memref<16x1000xf32, #tpu.memory_space<vmem>>, vector<16xf32>,
      %swap3A_193 = arith.index_cast %scan3A_139 : i32 to index
      %swap3A_194 = arith.constant 288 : index
      %swap3A_195 = tpu.vector_load %arg10[%swap3A_193, %swap3A_194] {strides = array<i32>} : memref<16x1000xf32, #tpu.memory_space<vmem>>, vector<16xf32>,
      tpu.vector_store %arg10[%swap3A_193, %swap3A_194], %broadcast_in_dim3A_3 {strides = array<i32>} : memref<16x1000xf32, #tpu.memory_space<vmem>>, vector<16xf32>,
      %swap3A_196 = arith.index_cast %scan3A_139 : i32 to index
      %swap3A_197 = arith.constant 304 : index
      %swap3A_198 = tpu.vector_load %arg10[%swap3A_196, %swap3A_197] {strides = array<i32>} : memref<16x1000xf32, #tpu.memory_space<vmem>>, vector<16xf32>,
      tpu.vector_store %arg10[%swap3A_196, %swap3A_197], %broadcast_in_dim3A_3 {strides = array<i32>} : memref<16x1000xf32, #tpu.memory_space<vmem>>, vector<16xf32>,
      %swap3A_199 = arith.index_cast %scan3A_139 : i32 to index
      %swap3A_200 = arith.constant 320 : index
      %swap3A_201 = tpu.vector_load %arg10[%swap3A_199, %swap3A_200] {strides = array<i32>} : memref<16x1000xf32, #tpu.memory_space<vmem>>, vector<16xf32>,
      tpu.vector_store %arg10[%swap3A_199, %swap3A_200], %broadcast_in_dim3A_3 {strides = array<i32>} : memref<16x1000xf32, #tpu.memory_space<vmem>>, vector<16xf32>,
      %swap3A_202 = arith.index_cast %scan3A_139 : i32 to index
      %swap3A_203 = arith.constant 336 : index
      %swap3A_204 = tpu.vector_load %arg10[%swap3A_202, %swap3A_203] {strides = array<i32>} : memref<16x1000xf32, #tpu.memory_space<vmem>>, vector<16xf32>,
      tpu.vector_store %arg10[%swap3A_202, %swap3A_203], %broadcast_in_dim3A_3 {strides = array<i32>} : memref<16x1000xf32, #tpu.memory_space<vmem>>, vector<16xf32>,
      %swap3A_205 = arith.index_cast %scan3A_139 : i32 to index
      %swap3A_206 = arith.constant 352 : index
      %swap3A_207 = tpu.vector_load %arg10[%swap3A_205, %swap3A_206] {strides = array<i32>} : memref<16x1000xf32, #tpu.memory_space<vmem>>, vector<16xf32>,
      tpu.vector_store %arg10[%swap3A_205, %swap3A_206], %broadcast_in_dim3A_3 {strides = array<i32>} : memref<16x1000xf32, #tpu.memory_space<vmem>>, vector<16xf32>,
      %swap3A_208 = arith.index_cast %scan3A_139 : i32 to index
      %swap3A_209 = arith.constant 368 : index
      %swap3A_210 = tpu.vector_load %arg10[%swap3A_208, %swap3A_209] {strides = array<i32>} : memref<16x1000xf32, #tpu.memory_space<vmem>>, vector<16xf32>,
      tpu.vector_store %arg10[%swap3A_208, %swap3A_209], %broadcast_in_dim3A_3 {strides = array<i32>} : memref<16x1000xf32, #tpu.memory_space<vmem>>, vector<16xf32>,
      %swap3A_211 = arith.index_cast %scan3A_139 : i32 to index
      %swap3A_212 = arith.constant 384 : index
      %swap3A_213 = tpu.vector_load %arg10[%swap3A_211, %swap3A_212] {strides = array<i32>} : memref<16x1000xf32, #tpu.memory_space<vmem>>, vector<16xf32>,
      tpu.vector_store %arg10[%swap3A_211, %swap3A_212], %broadcast_in_dim3A_3 {strides = array<i32>} : memref<16x1000xf32, #tpu.memory_space<vmem>>, vector<16xf32>,
      %swap3A_214 = arith.index_cast %scan3A_139 : i32 to index
      %swap3A_215 = arith.constant 400 : index
      %swap3A_216 = tpu.vector_load %arg10[%swap3A_214, %swap3A_215] {strides = array<i32>} : memref<16x1000xf32, #tpu.memory_space<vmem>>, vector<16xf32>,
      tpu.vector_store %arg10[%swap3A_214, %swap3A_215], %broadcast_in_dim3A_3 {strides = array<i32>} : memref<16x1000xf32, #tpu.memory_space<vmem>>, vector<16xf32>,
      %swap3A_217 = arith.index_cast %scan3A_139 : i32 to index
      %swap3A_218 = arith.constant 416 : index
      %swap3A_219 = tpu.vector_load %arg10[%swap3A_217, %swap3A_218] {strides = array<i32>} : memref<16x1000xf32, #tpu.memory_space<vmem>>, vector<16xf32>,
      tpu.vector_store %arg10[%swap3A_217, %swap3A_218], %broadcast_in_dim3A_3 {strides = array<i32>} : memref<16x1000xf32, #tpu.memory_space<vmem>>, vector<16xf32>,
      %swap3A_220 = arith.index_cast %scan3A_139 : i32 to index
      %swap3A_221 = arith.constant 432 : index
      %swap3A_222 = tpu.vector_load %arg10[%swap3A_220, %swap3A_221] {strides = array<i32>} : memref<16x1000xf32, #tpu.memory_space<vmem>>, vector<16xf32>,
      tpu.vector_store %arg10[%swap3A_220, %swap3A_221], %broadcast_in_dim3A_3 {strides = array<i32>} : memref<16x1000xf32, #tpu.memory_space<vmem>>, vector<16xf32>,
      %swap3A_223 = arith.index_cast %scan3A_139 : i32 to index
      %swap3A_224 = arith.constant 448 : index
      %swap3A_225 = tpu.vector_load %arg10[%swap3A_223, %swap3A_224] {strides = array<i32>} : memref<16x1000xf32, #tpu.memory_space<vmem>>, vector<16xf32>,
      tpu.vector_store %arg10[%swap3A_223, %swap3A_224], %broadcast_in_dim3A_3 {strides = array<i32>} : memref<16x1000xf32, #tpu.memory_space<vmem>>, vector<16xf32>,
      %swap3A_226 = arith.index_cast %scan3A_139 : i32 to index
      %swap3A_227 = arith.constant 464 : index
      %swap3A_228 = tpu.vector_load %arg10[%swap3A_226, %swap3A_227] {strides = array<i32>} : memref<16x1000xf32, #tpu.memory_space<vmem>>, vector<16xf32>,
      tpu.vector_store %arg10[%swap3A_226, %swap3A_227], %broadcast_in_dim3A_3 {strides = array<i32>} : memref<16x1000xf32, #tpu.memory_space<vmem>>, vector<16xf32>,
      %swap3A_229 = arith.index_cast %scan3A_139 : i32 to index
      %swap3A_230 = arith.constant 480 : index
      %swap3A_231 = tpu.vector_load %arg10[%swap3A_229, %swap3A_230] {strides = array<i32>} : memref<16x1000xf32, #tpu.memory_space<vmem>>, vector<16xf32>,
      tpu.vector_store %arg10[%swap3A_229, %swap3A_230], %broadcast_in_dim3A_3 {strides = array<i32>} : memref<16x1000xf32, #tpu.memory_space<vmem>>, vector<16xf32>,
      %swap3A_232 = arith.index_cast %scan3A_139 : i32 to index
      %swap3A_233 = arith.constant 496 : index
      %swap3A_234 = tpu.vector_load %arg10[%swap3A_232, %swap3A_233] {strides = array<i32>} : memref<16x1000xf32, #tpu.memory_space<vmem>>, vector<16xf32>,
      tpu.vector_store %arg10[%swap3A_232, %swap3A_233], %broadcast_in_dim3A_3 {strides = array<i32>} : memref<16x1000xf32, #tpu.memory_space<vmem>>, vector<16xf32>,
      %swap3A_235 = arith.index_cast %scan3A_139 : i32 to index
      %swap3A_236 = arith.constant 512 : index
      %swap3A_237 = tpu.vector_load %arg10[%swap3A_235, %swap3A_236] {strides = array<i32>} : memref<16x1000xf32, #tpu.memory_space<vmem>>, vector<16xf32>,
      tpu.vector_store %arg10[%swap3A_235, %swap3A_236], %broadcast_in_dim3A_3 {strides = array<i32>} : memref<16x1000xf32, #tpu.memory_space<vmem>>, vector<16xf32>,
      %swap3A_238 = arith.index_cast %scan3A_139 : i32 to index
      %swap3A_239 = arith.constant 528 : index
      %swap3A_240 = tpu.vector_load %arg10[%swap3A_238, %swap3A_239] {strides = array<i32>} : memref<16x1000xf32, #tpu.memory_space<vmem>>, vector<16xf32>,
      tpu.vector_store %arg10[%swap3A_238, %swap3A_239], %broadcast_in_dim3A_3 {strides = array<i32>} : memref<16x1000xf32, #tpu.memory_space<vmem>>, vector<16xf32>,
      %swap3A_241 = arith.index_cast %scan3A_139 : i32 to index
      %swap3A_242 = arith.constant 544 : index
      %swap3A_243 = tpu.vector_load %arg10[%swap3A_241, %swap3A_242] {strides = array<i32>} : memref<16x1000xf32, #tpu.memory_space<vmem>>, vector<16xf32>,
      tpu.vector_store %arg10[%swap3A_241, %swap3A_242], %broadcast_in_dim3A_3 {strides = array<i32>} : memref<16x1000xf32, #tpu.memory_space<vmem>>, vector<16xf32>,
      %swap3A_244 = arith.index_cast %scan3A_139 : i32 to index
      %swap3A_245 = arith.constant 560 : index
      %swap3A_246 = tpu.vector_load %arg10[%swap3A_244, %swap3A_245] {strides = array<i32>} : memref<16x1000xf32, #tpu.memory_space<vmem>>, vector<16xf32>,
      tpu.vector_store %arg10[%swap3A_244, %swap3A_245], %broadcast_in_dim3A_3 {strides = array<i32>} : memref<16x1000xf32, #tpu.memory_space<vmem>>, vector<16xf32>,
      %swap3A_247 = arith.index_cast %scan3A_139 : i32 to index
      %swap3A_248 = arith.constant 576 : index
      %swap3A_249 = tpu.vector_load %arg10[%swap3A_247, %swap3A_248] {strides = array<i32>} : memref<16x1000xf32, #tpu.memory_space<vmem>>, vector<16xf32>,
      tpu.vector_store %arg10[%swap3A_247, %swap3A_248], %broadcast_in_dim3A_3 {strides = array<i32>} : memref<16x1000xf32, #tpu.memory_space<vmem>>, vector<16xf32>,
      %swap3A_250 = arith.index_cast %scan3A_139 : i32 to index
      %swap3A_251 = arith.constant 592 : index
      %swap3A_252 = tpu.vector_load %arg10[%swap3A_250, %swap3A_251] {strides = array<i32>} : memref<16x1000xf32, #tpu.memory_space<vmem>>, vector<16xf32>,
      tpu.vector_store %arg10[%swap3A_250, %swap3A_251], %broadcast_in_dim3A_3 {strides = array<i32>} : memref<16x1000xf32, #tpu.memory_space<vmem>>, vector<16xf32>,
      %swap3A_253 = arith.index_cast %scan3A_139 : i32 to index
      %swap3A_254 = arith.constant 608 : index
      %swap3A_255 = tpu.vector_load %arg10[%swap3A_253, %swap3A_254] {strides = array<i32>} : memref<16x1000xf32, #tpu.memory_space<vmem>>, vector<16xf32>,
      tpu.vector_store %arg10[%swap3A_253, %swap3A_254], %broadcast_in_dim3A_3 {strides = array<i32>} : memref<16x1000xf32, #tpu.memory_space<vmem>>, vector<16xf32>,
      %swap3A_256 = arith.index_cast %scan3A_139 : i32 to index
      %swap3A_257 = arith.constant 624 : index
      %swap3A_258 = tpu.vector_load %arg10[%swap3A_256, %swap3A_257] {strides = array<i32>} : memref<16x1000xf32, #tpu.memory_space<vmem>>, vector<16xf32>,
      tpu.vector_store %arg10[%swap3A_256, %swap3A_257], %broadcast_in_dim3A_3 {strides = array<i32>} : memref<16x1000xf32, #tpu.memory_space<vmem>>, vector<16xf32>,
      %swap3A_259 = arith.index_cast %scan3A_139 : i32 to index
      %swap3A_260 = arith.constant 640 : index
      %swap3A_261 = tpu.vector_load %arg10[%swap3A_259, %swap3A_260] {strides = array<i32>} : memref<16x1000xf32, #tpu.memory_space<vmem>>, vector<16xf32>,
      tpu.vector_store %arg10[%swap3A_259, %swap3A_260], %broadcast_in_dim3A_3 {strides = array<i32>} : memref<16x1000xf32, #tpu.memory_space<vmem>>, vector<16xf32>,
      %swap3A_262 = arith.index_cast %scan3A_139 : i32 to index
      %swap3A_263 = arith.constant 656 : index
      %swap3A_264 = tpu.vector_load %arg10[%swap3A_262, %swap3A_263] {strides = array<i32>} : memref<16x1000xf32, #tpu.memory_space<vmem>>, vector<16xf32>,
      tpu.vector_store %arg10[%swap3A_262, %swap3A_263], %broadcast_in_dim3A_3 {strides = array<i32>} : memref<16x1000xf32, #tpu.memory_space<vmem>>, vector<16xf32>,
      %swap3A_265 = arith.index_cast %scan3A_139 : i32 to index
      %swap3A_266 = arith.constant 672 : index
      %swap3A_267 = tpu.vector_load %arg10[%swap3A_265, %swap3A_266] {strides = array<i32>} : memref<16x1000xf32, #tpu.memory_space<vmem>>, vector<16xf32>,
      tpu.vector_store %arg10[%swap3A_265, %swap3A_266], %broadcast_in_dim3A_3 {strides = array<i32>} : memref<16x1000xf32, #tpu.memory_space<vmem>>, vector<16xf32>,
      %swap3A_268 = arith.index_cast %scan3A_139 : i32 to index
      %swap3A_269 = arith.constant 688 : index
      %swap3A_270 = tpu.vector_load %arg10[%swap3A_268, %swap3A_269] {strides = array<i32>} : memref<16x1000xf32, #tpu.memory_space<vmem>>, vector<16xf32>,
      tpu.vector_store %arg10[%swap3A_268, %swap3A_269], %broadcast_in_dim3A_3 {strides = array<i32>} : memref<16x1000xf32, #tpu.memory_space<vmem>>, vector<16xf32>,
      %swap3A_271 = arith.index_cast %scan3A_139 : i32 to index
      %swap3A_272 = arith.constant 704 : index
      %swap3A_273 = tpu.vector_load %arg10[%swap3A_271, %swap3A_272] {strides = array<i32>} : memref<16x1000xf32, #tpu.memory_space<vmem>>, vector<16xf32>,
      tpu.vector_store %arg10[%swap3A_271, %swap3A_272], %broadcast_in_dim3A_3 {strides = array<i32>} : memref<16x1000xf32, #tpu.memory_space<vmem>>, vector<16xf32>,
      %swap3A_274 = arith.index_cast %scan3A_139 : i32 to index
      %swap3A_275 = arith.constant 720 : index
      %swap3A_276 = tpu.vector_load %arg10[%swap3A_274, %swap3A_275] {strides = array<i32>} : memref<16x1000xf32, #tpu.memory_space<vmem>>, vector<16xf32>,
      tpu.vector_store %arg10[%swap3A_274, %swap3A_275], %broadcast_in_dim3A_3 {strides = array<i32>} : memref<16x1000xf32, #tpu.memory_space<vmem>>, vector<16xf32>,
      %swap3A_277 = arith.index_cast %scan3A_139 : i32 to index
      %swap3A_278 = arith.constant 736 : index
      %swap3A_279 = tpu.vector_load %arg10[%swap3A_277, %swap3A_278] {strides = array<i32>} : memref<16x1000xf32, #tpu.memory_space<vmem>>, vector<16xf32>,
      tpu.vector_store %arg10[%swap3A_277, %swap3A_278], %broadcast_in_dim3A_3 {strides = array<i32>} : memref<16x1000xf32, #tpu.memory_space<vmem>>, vector<16xf32>,
      %swap3A_280 = arith.index_cast %scan3A_139 : i32 to index
      %swap3A_281 = arith.constant 752 : index
      %swap3A_282 = tpu.vector_load %arg10[%swap3A_280, %swap3A_281] {strides = array<i32>} : memref<16x1000xf32, #tpu.memory_space<vmem>>, vector<16xf32>,
      tpu.vector_store %arg10[%swap3A_280, %swap3A_281], %broadcast_in_dim3A_3 {strides = array<i32>} : memref<16x1000xf32, #tpu.memory_space<vmem>>, vector<16xf32>,
      %swap3A_283 = arith.index_cast %scan3A_139 : i32 to index
      %swap3A_284 = arith.constant 768 : index
      %swap3A_285 = tpu.vector_load %arg10[%swap3A_283, %swap3A_284] {strides = array<i32>} : memref<16x1000xf32, #tpu.memory_space<vmem>>, vector<16xf32>,
      tpu.vector_store %arg10[%swap3A_283, %swap3A_284], %broadcast_in_dim3A_3 {strides = array<i32>} : memref<16x1000xf32, #tpu.memory_space<vmem>>, vector<16xf32>,
      %swap3A_286 = arith.index_cast %scan3A_139 : i32 to index
      %swap3A_287 = arith.constant 784 : index
      %swap3A_288 = tpu.vector_load %arg10[%swap3A_286, %swap3A_287] {strides = array<i32>} : memref<16x1000xf32, #tpu.memory_space<vmem>>, vector<16xf32>,
      tpu.vector_store %arg10[%swap3A_286, %swap3A_287], %broadcast_in_dim3A_3 {strides = array<i32>} : memref<16x1000xf32, #tpu.memory_space<vmem>>, vector<16xf32>,
      %swap3A_289 = arith.index_cast %scan3A_139 : i32 to index
      %swap3A_290 = arith.constant 800 : index
      %swap3A_291 = tpu.vector_load %arg10[%swap3A_289, %swap3A_290] {strides = array<i32>} : memref<16x1000xf32, #tpu.memory_space<vmem>>, vector<16xf32>,
      tpu.vector_store %arg10[%swap3A_289, %swap3A_290], %broadcast_in_dim3A_3 {strides = array<i32>} : memref<16x1000xf32, #tpu.memory_space<vmem>>, vector<16xf32>,
      %swap3A_292 = arith.index_cast %scan3A_139 : i32 to index
      %swap3A_293 = arith.constant 816 : index
      %swap3A_294 = tpu.vector_load %arg10[%swap3A_292, %swap3A_293] {strides = array<i32>} : memref<16x1000xf32, #tpu.memory_space<vmem>>, vector<16xf32>,
      tpu.vector_store %arg10[%swap3A_292, %swap3A_293], %broadcast_in_dim3A_3 {strides = array<i32>} : memref<16x1000xf32, #tpu.memory_space<vmem>>, vector<16xf32>,
      %swap3A_295 = arith.index_cast %scan3A_139 : i32 to index
      %swap3A_296 = arith.constant 832 : index
      %swap3A_297 = tpu.vector_load %arg10[%swap3A_295, %swap3A_296] {strides = array<i32>} : memref<16x1000xf32, #tpu.memory_space<vmem>>, vector<16xf32>,
      tpu.vector_store %arg10[%swap3A_295, %swap3A_296], %broadcast_in_dim3A_3 {strides = array<i32>} : memref<16x1000xf32, #tpu.memory_space<vmem>>, vector<16xf32>,
      %swap3A_298 = arith.index_cast %scan3A_139 : i32 to index
      %swap3A_299 = arith.constant 848 : index
      %swap3A_300 = tpu.vector_load %arg10[%swap3A_298, %swap3A_299] {strides = array<i32>} : memref<16x1000xf32, #tpu.memory_space<vmem>>, vector<16xf32>,
      tpu.vector_store %arg10[%swap3A_298, %swap3A_299], %broadcast_in_dim3A_3 {strides = array<i32>} : memref<16x1000xf32, #tpu.memory_space<vmem>>, vector<16xf32>,
      %swap3A_301 = arith.index_cast %scan3A_139 : i32 to index
      %swap3A_302 = arith.constant 864 : index
      %swap3A_303 = tpu.vector_load %arg10[%swap3A_301, %swap3A_302] {strides = array<i32>} : memref<16x1000xf32, #tpu.memory_space<vmem>>, vector<16xf32>,
      tpu.vector_store %arg10[%swap3A_301, %swap3A_302], %broadcast_in_dim3A_3 {strides = array<i32>} : memref<16x1000xf32, #tpu.memory_space<vmem>>, vector<16xf32>,
      %swap3A_304 = arith.index_cast %scan3A_139 : i32 to index
      %swap3A_305 = arith.constant 880 : index
      %swap3A_306 = tpu.vector_load %arg10[%swap3A_304, %swap3A_305] {strides = array<i32>} : memref<16x1000xf32, #tpu.memory_space<vmem>>, vector<16xf32>,
      tpu.vector_store %arg10[%swap3A_304, %swap3A_305], %broadcast_in_dim3A_3 {strides = array<i32>} : memref<16x1000xf32, #tpu.memory_space<vmem>>, vector<16xf32>,
      %swap3A_307 = arith.index_cast %scan3A_139 : i32 to index
      %swap3A_308 = arith.constant 896 : index
      %swap3A_309 = tpu.vector_load %arg10[%swap3A_307, %swap3A_308] {strides = array<i32>} : memref<16x1000xf32, #tpu.memory_space<vmem>>, vector<16xf32>,
      tpu.vector_store %arg10[%swap3A_307, %swap3A_308], %broadcast_in_dim3A_3 {strides = array<i32>} : memref<16x1000xf32, #tpu.memory_space<vmem>>, vector<16xf32>,
      %swap3A_310 = arith.index_cast %scan3A_139 : i32 to index
      %swap3A_311 = arith.constant 912 : index
      %swap3A_312 = tpu.vector_load %arg10[%swap3A_310, %swap3A_311] {strides = array<i32>} : memref<16x1000xf32, #tpu.memory_space<vmem>>, vector<16xf32>,
      tpu.vector_store %arg10[%swap3A_310, %swap3A_311], %broadcast_in_dim3A_3 {strides = array<i32>} : memref<16x1000xf32, #tpu.memory_space<vmem>>, vector<16xf32>,
      %swap3A_313 = arith.index_cast %scan3A_139 : i32 to index
      %swap3A_314 = arith.constant 928 : index
      %swap3A_315 = tpu.vector_load %arg10[%swap3A_313, %swap3A_314] {strides = array<i32>} : memref<16x1000xf32, #tpu.memory_space<vmem>>, vector<16xf32>,
      tpu.vector_store %arg10[%swap3A_313, %swap3A_314], %broadcast_in_dim3A_3 {strides = array<i32>} : memref<16x1000xf32, #tpu.memory_space<vmem>>, vector<16xf32>,
      %swap3A_316 = arith.index_cast %scan3A_139 : i32 to index
      %swap3A_317 = arith.constant 944 : index
      %swap3A_318 = tpu.vector_load %arg10[%swap3A_316, %swap3A_317] {strides = array<i32>} : memref<16x1000xf32, #tpu.memory_space<vmem>>, vector<16xf32>,
      tpu.vector_store %arg10[%swap3A_316, %swap3A_317], %broadcast_in_dim3A_3 {strides = array<i32>} : memref<16x1000xf32, #tpu.memory_space<vmem>>, vector<16xf32>,
      %swap3A_319 = arith.index_cast %scan3A_139 : i32 to index
      %swap3A_320 = arith.constant 960 : index
      %swap3A_321 = tpu.vector_load %arg10[%swap3A_319, %swap3A_320] {strides = array<i32>} : memref<16x1000xf32, #tpu.memory_space<vmem>>, vector<16xf32>,
      tpu.vector_store %arg10[%swap3A_319, %swap3A_320], %broadcast_in_dim3A_3 {strides = array<i32>} : memref<16x1000xf32, #tpu.memory_space<vmem>>, vector<16xf32>,
      %swap3A_322 = arith.index_cast %scan3A_139 : i32 to index
      %swap3A_323 = arith.constant 976 : index
      %swap3A_324 = tpu.vector_load %arg10[%swap3A_322, %swap3A_323] {strides = array<i32>} : memref<16x1000xf32, #tpu.memory_space<vmem>>, vector<16xf32>,
      tpu.vector_store %arg10[%swap3A_322, %swap3A_323], %broadcast_in_dim3A_3 {strides = array<i32>} : memref<16x1000xf32, #tpu.memory_space<vmem>>, vector<16xf32>,
      %swap3A_325 = arith.index_cast %scan3A_139 : i32 to index
      %swap3A_326 = arith.constant 984 : index
      %swap3A_327 = tpu.vector_load %arg10[%swap3A_325, %swap3A_326] {strides = array<i32>} : memref<16x1000xf32, #tpu.memory_space<vmem>>, vector<16xf32>,
      tpu.vector_store %arg10[%swap3A_325, %swap3A_326], %broadcast_in_dim3A_3 {strides = array<i32>} : memref<16x1000xf32, #tpu.memory_space<vmem>>, vector<16xf32>,
    }
    %scan3A_62 = arith.constant 16 : i32
    %scan3A_63 = arith.constant 0 : i32
    %scan3A_64 = arith.constant 16 : i32
    %scan3A_65 = arith.addi %scan3A_63, %scan3A_64 : i32
    %scan3A_66 = arith.constant 1 : i32
    scf.for %scan3A_139 = %scan3A_63 to %scan3A_65 step %scan3A_66  : i32 {
      %swap3A = arith.index_cast %scan3A_139 : i32 to index
      %swap3A_140 = arith.constant 0 : index
      %swap3A_141 = tpu.vector_load %arg11[%swap3A, %swap3A_140] {strides = array<i32>} : memref<16x1000xf32, #tpu.memory_space<vmem>>, vector<16xf32>,
      tpu.vector_store %arg11[%swap3A, %swap3A_140], %broadcast_in_dim3A_3 {strides = array<i32>} : memref<16x1000xf32, #tpu.memory_space<vmem>>, vector<16xf32>,
      %swap3A_142 = arith.index_cast %scan3A_139 : i32 to index
      %swap3A_143 = arith.constant 16 : index
      %swap3A_144 = tpu.vector_load %arg11[%swap3A_142, %swap3A_143] {strides = array<i32>} : memref<16x1000xf32, #tpu.memory_space<vmem>>, vector<16xf32>,
      tpu.vector_store %arg11[%swap3A_142, %swap3A_143], %broadcast_in_dim3A_3 {strides = array<i32>} : memref<16x1000xf32, #tpu.memory_space<vmem>>, vector<16xf32>,
      %swap3A_145 = arith.index_cast %scan3A_139 : i32 to index
      %swap3A_146 = arith.constant 32 : index
      %swap3A_147 = tpu.vector_load %arg11[%swap3A_145, %swap3A_146] {strides = array<i32>} : memref<16x1000xf32, #tpu.memory_space<vmem>>, vector<16xf32>,
      tpu.vector_store %arg11[%swap3A_145, %swap3A_146], %broadcast_in_dim3A_3 {strides = array<i32>} : memref<16x1000xf32, #tpu.memory_space<vmem>>, vector<16xf32>,
      %swap3A_148 = arith.index_cast %scan3A_139 : i32 to index
      %swap3A_149 = arith.constant 48 : index
      %swap3A_150 = tpu.vector_load %arg11[%swap3A_148, %swap3A_149] {strides = array<i32>} : memref<16x1000xf32, #tpu.memory_space<vmem>>, vector<16xf32>,
      tpu.vector_store %arg11[%swap3A_148, %swap3A_149], %broadcast_in_dim3A_3 {strides = array<i32>} : memref<16x1000xf32, #tpu.memory_space<vmem>>, vector<16xf32>,
      %swap3A_151 = arith.index_cast %scan3A_139 : i32 to index
      %swap3A_152 = arith.constant 64 : index
      %swap3A_153 = tpu.vector_load %arg11[%swap3A_151, %swap3A_152] {strides = array<i32>} : memref<16x1000xf32, #tpu.memory_space<vmem>>, vector<16xf32>,
      tpu.vector_store %arg11[%swap3A_151, %swap3A_152], %broadcast_in_dim3A_3 {strides = array<i32>} : memref<16x1000xf32, #tpu.memory_space<vmem>>, vector<16xf32>,
      %swap3A_154 = arith.index_cast %scan3A_139 : i32 to index
      %swap3A_155 = arith.constant 80 : index
      %swap3A_156 = tpu.vector_load %arg11[%swap3A_154, %swap3A_155] {strides = array<i32>} : memref<16x1000xf32, #tpu.memory_space<vmem>>, vector<16xf32>,
      tpu.vector_store %arg11[%swap3A_154, %swap3A_155], %broadcast_in_dim3A_3 {strides = array<i32>} : memref<16x1000xf32, #tpu.memory_space<vmem>>, vector<16xf32>,
      %swap3A_157 = arith.index_cast %scan3A_139 : i32 to index
      %swap3A_158 = arith.constant 96 : index
      %swap3A_159 = tpu.vector_load %arg11[%swap3A_157, %swap3A_158] {strides = array<i32>} : memref<16x1000xf32, #tpu.memory_space<vmem>>, vector<16xf32>,
      tpu.vector_store %arg11[%swap3A_157, %swap3A_158], %broadcast_in_dim3A_3 {strides = array<i32>} : memref<16x1000xf32, #tpu.memory_space<vmem>>, vector<16xf32>,
      %swap3A_160 = arith.index_cast %scan3A_139 : i32 to index
      %swap3A_161 = arith.constant 112 : index
      %swap3A_162 = tpu.vector_load %arg11[%swap3A_160, %swap3A_161] {strides = array<i32>} : memref<16x1000xf32, #tpu.memory_space<vmem>>, vector<16xf32>,
      tpu.vector_store %arg11[%swap3A_160, %swap3A_161], %broadcast_in_dim3A_3 {strides = array<i32>} : memref<16x1000xf32, #tpu.memory_space<vmem>>, vector<16xf32>,
      %swap3A_163 = arith.index_cast %scan3A_139 : i32 to index
      %swap3A_164 = arith.constant 128 : index
      %swap3A_165 = tpu.vector_load %arg11[%swap3A_163, %swap3A_164] {strides = array<i32>} : memref<16x1000xf32, #tpu.memory_space<vmem>>, vector<16xf32>,
      tpu.vector_store %arg11[%swap3A_163, %swap3A_164], %broadcast_in_dim3A_3 {strides = array<i32>} : memref<16x1000xf32, #tpu.memory_space<vmem>>, vector<16xf32>,
      %swap3A_166 = arith.index_cast %scan3A_139 : i32 to index
      %swap3A_167 = arith.constant 144 : index
      %swap3A_168 = tpu.vector_load %arg11[%swap3A_166, %swap3A_167] {strides = array<i32>} : memref<16x1000xf32, #tpu.memory_space<vmem>>, vector<16xf32>,
      tpu.vector_store %arg11[%swap3A_166, %swap3A_167], %broadcast_in_dim3A_3 {strides = array<i32>} : memref<16x1000xf32, #tpu.memory_space<vmem>>, vector<16xf32>,
      %swap3A_169 = arith.index_cast %scan3A_139 : i32 to index
      %swap3A_170 = arith.constant 160 : index
      %swap3A_171 = tpu.vector_load %arg11[%swap3A_169, %swap3A_170] {strides = array<i32>} : memref<16x1000xf32, #tpu.memory_space<vmem>>, vector<16xf32>,
      tpu.vector_store %arg11[%swap3A_169, %swap3A_170], %broadcast_in_dim3A_3 {strides = array<i32>} : memref<16x1000xf32, #tpu.memory_space<vmem>>, vector<16xf32>,
      %swap3A_172 = arith.index_cast %scan3A_139 : i32 to index
      %swap3A_173 = arith.constant 176 : index
      %swap3A_174 = tpu.vector_load %arg11[%swap3A_172, %swap3A_173] {strides = array<i32>} : memref<16x1000xf32, #tpu.memory_space<vmem>>, vector<16xf32>,
      tpu.vector_store %arg11[%swap3A_172, %swap3A_173], %broadcast_in_dim3A_3 {strides = array<i32>} : memref<16x1000xf32, #tpu.memory_space<vmem>>, vector<16xf32>,
      %swap3A_175 = arith.index_cast %scan3A_139 : i32 to index
      %swap3A_176 = arith.constant 192 : index
      %swap3A_177 = tpu.vector_load %arg11[%swap3A_175, %swap3A_176] {strides = array<i32>} : memref<16x1000xf32, #tpu.memory_space<vmem>>, vector<16xf32>,
      tpu.vector_store %arg11[%swap3A_175, %swap3A_176], %broadcast_in_dim3A_3 {strides = array<i32>} : memref<16x1000xf32, #tpu.memory_space<vmem>>, vector<16xf32>,
      %swap3A_178 = arith.index_cast %scan3A_139 : i32 to index
      %swap3A_179 = arith.constant 208 : index
      %swap3A_180 = tpu.vector_load %arg11[%swap3A_178, %swap3A_179] {strides = array<i32>} : memref<16x1000xf32, #tpu.memory_space<vmem>>, vector<16xf32>,
      tpu.vector_store %arg11[%swap3A_178, %swap3A_179], %broadcast_in_dim3A_3 {strides = array<i32>} : memref<16x1000xf32, #tpu.memory_space<vmem>>, vector<16xf32>,
      %swap3A_181 = arith.index_cast %scan3A_139 : i32 to index
      %swap3A_182 = arith.constant 224 : index
      %swap3A_183 = tpu.vector_load %arg11[%swap3A_181, %swap3A_182] {strides = array<i32>} : memref<16x1000xf32, #tpu.memory_space<vmem>>, vector<16xf32>,
      tpu.vector_store %arg11[%swap3A_181, %swap3A_182], %broadcast_in_dim3A_3 {strides = array<i32>} : memref<16x1000xf32, #tpu.memory_space<vmem>>, vector<16xf32>,
      %swap3A_184 = arith.index_cast %scan3A_139 : i32 to index
      %swap3A_185 = arith.constant 240 : index
      %swap3A_186 = tpu.vector_load %arg11[%swap3A_184, %swap3A_185] {strides = array<i32>} : memref<16x1000xf32, #tpu.memory_space<vmem>>, vector<16xf32>,
      tpu.vector_store %arg11[%swap3A_184, %swap3A_185], %broadcast_in_dim3A_3 {strides = array<i32>} : memref<16x1000xf32, #tpu.memory_space<vmem>>, vector<16xf32>,
      %swap3A_187 = arith.index_cast %scan3A_139 : i32 to index
      %swap3A_188 = arith.constant 256 : index
      %swap3A_189 = tpu.vector_load %arg11[%swap3A_187, %swap3A_188] {strides = array<i32>} : memref<16x1000xf32, #tpu.memory_space<vmem>>, vector<16xf32>,
      tpu.vector_store %arg11[%swap3A_187, %swap3A_188], %broadcast_in_dim3A_3 {strides = array<i32>} : memref<16x1000xf32, #tpu.memory_space<vmem>>, vector<16xf32>,
      %swap3A_190 = arith.index_cast %scan3A_139 : i32 to index
      %swap3A_191 = arith.constant 272 : index
      %swap3A_192 = tpu.vector_load %arg11[%swap3A_190, %swap3A_191] {strides = array<i32>} : memref<16x1000xf32, #tpu.memory_space<vmem>>, vector<16xf32>,
      tpu.vector_store %arg11[%swap3A_190, %swap3A_191], %broadcast_in_dim3A_3 {strides = array<i32>} : memref<16x1000xf32, #tpu.memory_space<vmem>>, vector<16xf32>,
      %swap3A_193 = arith.index_cast %scan3A_139 : i32 to index
      %swap3A_194 = arith.constant 288 : index
      %swap3A_195 = tpu.vector_load %arg11[%swap3A_193, %swap3A_194] {strides = array<i32>} : memref<16x1000xf32, #tpu.memory_space<vmem>>, vector<16xf32>,
      tpu.vector_store %arg11[%swap3A_193, %swap3A_194], %broadcast_in_dim3A_3 {strides = array<i32>} : memref<16x1000xf32, #tpu.memory_space<vmem>>, vector<16xf32>,
      %swap3A_196 = arith.index_cast %scan3A_139 : i32 to index
      %swap3A_197 = arith.constant 304 : index
      %swap3A_198 = tpu.vector_load %arg11[%swap3A_196, %swap3A_197] {strides = array<i32>} : memref<16x1000xf32, #tpu.memory_space<vmem>>, vector<16xf32>,
      tpu.vector_store %arg11[%swap3A_196, %swap3A_197], %broadcast_in_dim3A_3 {strides = array<i32>} : memref<16x1000xf32, #tpu.memory_space<vmem>>, vector<16xf32>,
      %swap3A_199 = arith.index_cast %scan3A_139 : i32 to index
      %swap3A_200 = arith.constant 320 : index
      %swap3A_201 = tpu.vector_load %arg11[%swap3A_199, %swap3A_200] {strides = array<i32>} : memref<16x1000xf32, #tpu.memory_space<vmem>>, vector<16xf32>,
      tpu.vector_store %arg11[%swap3A_199, %swap3A_200], %broadcast_in_dim3A_3 {strides = array<i32>} : memref<16x1000xf32, #tpu.memory_space<vmem>>, vector<16xf32>,
      %swap3A_202 = arith.index_cast %scan3A_139 : i32 to index
      %swap3A_203 = arith.constant 336 : index
      %swap3A_204 = tpu.vector_load %arg11[%swap3A_202, %swap3A_203] {strides = array<i32>} : memref<16x1000xf32, #tpu.memory_space<vmem>>, vector<16xf32>,
      tpu.vector_store %arg11[%swap3A_202, %swap3A_203], %broadcast_in_dim3A_3 {strides = array<i32>} : memref<16x1000xf32, #tpu.memory_space<vmem>>, vector<16xf32>,
      %swap3A_205 = arith.index_cast %scan3A_139 : i32 to index
      %swap3A_206 = arith.constant 352 : index
      %swap3A_207 = tpu.vector_load %arg11[%swap3A_205, %swap3A_206] {strides = array<i32>} : memref<16x1000xf32, #tpu.memory_space<vmem>>, vector<16xf32>,
      tpu.vector_store %arg11[%swap3A_205, %swap3A_206], %broadcast_in_dim3A_3 {strides = array<i32>} : memref<16x1000xf32, #tpu.memory_space<vmem>>, vector<16xf32>,
      %swap3A_208 = arith.index_cast %scan3A_139 : i32 to index
      %swap3A_209 = arith.constant 368 : index
      %swap3A_210 = tpu.vector_load %arg11[%swap3A_208, %swap3A_209] {strides = array<i32>} : memref<16x1000xf32, #tpu.memory_space<vmem>>, vector<16xf32>,
      tpu.vector_store %arg11[%swap3A_208, %swap3A_209], %broadcast_in_dim3A_3 {strides = array<i32>} : memref<16x1000xf32, #tpu.memory_space<vmem>>, vector<16xf32>,
      %swap3A_211 = arith.index_cast %scan3A_139 : i32 to index
      %swap3A_212 = arith.constant 384 : index
      %swap3A_213 = tpu.vector_load %arg11[%swap3A_211, %swap3A_212] {strides = array<i32>} : memref<16x1000xf32, #tpu.memory_space<vmem>>, vector<16xf32>,
      tpu.vector_store %arg11[%swap3A_211, %swap3A_212], %broadcast_in_dim3A_3 {strides = array<i32>} : memref<16x1000xf32, #tpu.memory_space<vmem>>, vector<16xf32>,
      %swap3A_214 = arith.index_cast %scan3A_139 : i32 to index
      %swap3A_215 = arith.constant 400 : index
      %swap3A_216 = tpu.vector_load %arg11[%swap3A_214, %swap3A_215] {strides = array<i32>} : memref<16x1000xf32, #tpu.memory_space<vmem>>, vector<16xf32>,
      tpu.vector_store %arg11[%swap3A_214, %swap3A_215], %broadcast_in_dim3A_3 {strides = array<i32>} : memref<16x1000xf32, #tpu.memory_space<vmem>>, vector<16xf32>,
      %swap3A_217 = arith.index_cast %scan3A_139 : i32 to index
      %swap3A_218 = arith.constant 416 : index
      %swap3A_219 = tpu.vector_load %arg11[%swap3A_217, %swap3A_218] {strides = array<i32>} : memref<16x1000xf32, #tpu.memory_space<vmem>>, vector<16xf32>,
      tpu.vector_store %arg11[%swap3A_217, %swap3A_218], %broadcast_in_dim3A_3 {strides = array<i32>} : memref<16x1000xf32, #tpu.memory_space<vmem>>, vector<16xf32>,
      %swap3A_220 = arith.index_cast %scan3A_139 : i32 to index
      %swap3A_221 = arith.constant 432 : index
      %swap3A_222 = tpu.vector_load %arg11[%swap3A_220, %swap3A_221] {strides = array<i32>} : memref<16x1000xf32, #tpu.memory_space<vmem>>, vector<16xf32>,
      tpu.vector_store %arg11[%swap3A_220, %swap3A_221], %broadcast_in_dim3A_3 {strides = array<i32>} : memref<16x1000xf32, #tpu.memory_space<vmem>>, vector<16xf32>,
      %swap3A_223 = arith.index_cast %scan3A_139 : i32 to index
      %swap3A_224 = arith.constant 448 : index
      %swap3A_225 = tpu.vector_load %arg11[%swap3A_223, %swap3A_224] {strides = array<i32>} : memref<16x1000xf32, #tpu.memory_space<vmem>>, vector<16xf32>,
      tpu.vector_store %arg11[%swap3A_223, %swap3A_224], %broadcast_in_dim3A_3 {strides = array<i32>} : memref<16x1000xf32, #tpu.memory_space<vmem>>, vector<16xf32>,
      %swap3A_226 = arith.index_cast %scan3A_139 : i32 to index
      %swap3A_227 = arith.constant 464 : index
      %swap3A_228 = tpu.vector_load %arg11[%swap3A_226, %swap3A_227] {strides = array<i32>} : memref<16x1000xf32, #tpu.memory_space<vmem>>, vector<16xf32>,
      tpu.vector_store %arg11[%swap3A_226, %swap3A_227], %broadcast_in_dim3A_3 {strides = array<i32>} : memref<16x1000xf32, #tpu.memory_space<vmem>>, vector<16xf32>,
      %swap3A_229 = arith.index_cast %scan3A_139 : i32 to index
      %swap3A_230 = arith.constant 480 : index
      %swap3A_231 = tpu.vector_load %arg11[%swap3A_229, %swap3A_230] {strides = array<i32>} : memref<16x1000xf32, #tpu.memory_space<vmem>>, vector<16xf32>,
      tpu.vector_store %arg11[%swap3A_229, %swap3A_230], %broadcast_in_dim3A_3 {strides = array<i32>} : memref<16x1000xf32, #tpu.memory_space<vmem>>, vector<16xf32>,
      %swap3A_232 = arith.index_cast %scan3A_139 : i32 to index
      %swap3A_233 = arith.constant 496 : index
      %swap3A_234 = tpu.vector_load %arg11[%swap3A_232, %swap3A_233] {strides = array<i32>} : memref<16x1000xf32, #tpu.memory_space<vmem>>, vector<16xf32>,
      tpu.vector_store %arg11[%swap3A_232, %swap3A_233], %broadcast_in_dim3A_3 {strides = array<i32>} : memref<16x1000xf32, #tpu.memory_space<vmem>>, vector<16xf32>,
      %swap3A_235 = arith.index_cast %scan3A_139 : i32 to index
      %swap3A_236 = arith.constant 512 : index
      %swap3A_237 = tpu.vector_load %arg11[%swap3A_235, %swap3A_236] {strides = array<i32>} : memref<16x1000xf32, #tpu.memory_space<vmem>>, vector<16xf32>,
      tpu.vector_store %arg11[%swap3A_235, %swap3A_236], %broadcast_in_dim3A_3 {strides = array<i32>} : memref<16x1000xf32, #tpu.memory_space<vmem>>, vector<16xf32>,
      %swap3A_238 = arith.index_cast %scan3A_139 : i32 to index
      %swap3A_239 = arith.constant 528 : index
      %swap3A_240 = tpu.vector_load %arg11[%swap3A_238, %swap3A_239] {strides = array<i32>} : memref<16x1000xf32, #tpu.memory_space<vmem>>, vector<16xf32>,
      tpu.vector_store %arg11[%swap3A_238, %swap3A_239], %broadcast_in_dim3A_3 {strides = array<i32>} : memref<16x1000xf32, #tpu.memory_space<vmem>>, vector<16xf32>,
      %swap3A_241 = arith.index_cast %scan3A_139 : i32 to index
      %swap3A_242 = arith.constant 544 : index
      %swap3A_243 = tpu.vector_load %arg11[%swap3A_241, %swap3A_242] {strides = array<i32>} : memref<16x1000xf32, #tpu.memory_space<vmem>>, vector<16xf32>,
      tpu.vector_store %arg11[%swap3A_241, %swap3A_242], %broadcast_in_dim3A_3 {strides = array<i32>} : memref<16x1000xf32, #tpu.memory_space<vmem>>, vector<16xf32>,
      %swap3A_244 = arith.index_cast %scan3A_139 : i32 to index
      %swap3A_245 = arith.constant 560 : index
      %swap3A_246 = tpu.vector_load %arg11[%swap3A_244, %swap3A_245] {strides = array<i32>} : memref<16x1000xf32, #tpu.memory_space<vmem>>, vector<16xf32>,
      tpu.vector_store %arg11[%swap3A_244, %swap3A_245], %broadcast_in_dim3A_3 {strides = array<i32>} : memref<16x1000xf32, #tpu.memory_space<vmem>>, vector<16xf32>,
      %swap3A_247 = arith.index_cast %scan3A_139 : i32 to index
      %swap3A_248 = arith.constant 576 : index
      %swap3A_249 = tpu.vector_load %arg11[%swap3A_247, %swap3A_248] {strides = array<i32>} : memref<16x1000xf32, #tpu.memory_space<vmem>>, vector<16xf32>,
      tpu.vector_store %arg11[%swap3A_247, %swap3A_248], %broadcast_in_dim3A_3 {strides = array<i32>} : memref<16x1000xf32, #tpu.memory_space<vmem>>, vector<16xf32>,
      %swap3A_250 = arith.index_cast %scan3A_139 : i32 to index
      %swap3A_251 = arith.constant 592 : index
      %swap3A_252 = tpu.vector_load %arg11[%swap3A_250, %swap3A_251] {strides = array<i32>} : memref<16x1000xf32, #tpu.memory_space<vmem>>, vector<16xf32>,
      tpu.vector_store %arg11[%swap3A_250, %swap3A_251], %broadcast_in_dim3A_3 {strides = array<i32>} : memref<16x1000xf32, #tpu.memory_space<vmem>>, vector<16xf32>,
      %swap3A_253 = arith.index_cast %scan3A_139 : i32 to index
      %swap3A_254 = arith.constant 608 : index
      %swap3A_255 = tpu.vector_load %arg11[%swap3A_253, %swap3A_254] {strides = array<i32>} : memref<16x1000xf32, #tpu.memory_space<vmem>>, vector<16xf32>,
      tpu.vector_store %arg11[%swap3A_253, %swap3A_254], %broadcast_in_dim3A_3 {strides = array<i32>} : memref<16x1000xf32, #tpu.memory_space<vmem>>, vector<16xf32>,
      %swap3A_256 = arith.index_cast %scan3A_139 : i32 to index
      %swap3A_257 = arith.constant 624 : index
      %swap3A_258 = tpu.vector_load %arg11[%swap3A_256, %swap3A_257] {strides = array<i32>} : memref<16x1000xf32, #tpu.memory_space<vmem>>, vector<16xf32>,
      tpu.vector_store %arg11[%swap3A_256, %swap3A_257], %broadcast_in_dim3A_3 {strides = array<i32>} : memref<16x1000xf32, #tpu.memory_space<vmem>>, vector<16xf32>,
      %swap3A_259 = arith.index_cast %scan3A_139 : i32 to index
      %swap3A_260 = arith.constant 640 : index
      %swap3A_261 = tpu.vector_load %arg11[%swap3A_259, %swap3A_260] {strides = array<i32>} : memref<16x1000xf32, #tpu.memory_space<vmem>>, vector<16xf32>,
      tpu.vector_store %arg11[%swap3A_259, %swap3A_260], %broadcast_in_dim3A_3 {strides = array<i32>} : memref<16x1000xf32, #tpu.memory_space<vmem>>, vector<16xf32>,
      %swap3A_262 = arith.index_cast %scan3A_139 : i32 to index
      %swap3A_263 = arith.constant 656 : index
      %swap3A_264 = tpu.vector_load %arg11[%swap3A_262, %swap3A_263] {strides = array<i32>} : memref<16x1000xf32, #tpu.memory_space<vmem>>, vector<16xf32>,
      tpu.vector_store %arg11[%swap3A_262, %swap3A_263], %broadcast_in_dim3A_3 {strides = array<i32>} : memref<16x1000xf32, #tpu.memory_space<vmem>>, vector<16xf32>,
      %swap3A_265 = arith.index_cast %scan3A_139 : i32 to index
      %swap3A_266 = arith.constant 672 : index
      %swap3A_267 = tpu.vector_load %arg11[%swap3A_265, %swap3A_266] {strides = array<i32>} : memref<16x1000xf32, #tpu.memory_space<vmem>>, vector<16xf32>,
      tpu.vector_store %arg11[%swap3A_265, %swap3A_266], %broadcast_in_dim3A_3 {strides = array<i32>} : memref<16x1000xf32, #tpu.memory_space<vmem>>, vector<16xf32>,
      %swap3A_268 = arith.index_cast %scan3A_139 : i32 to index
      %swap3A_269 = arith.constant 688 : index
      %swap3A_270 = tpu.vector_load %arg11[%swap3A_268, %swap3A_269] {strides = array<i32>} : memref<16x1000xf32, #tpu.memory_space<vmem>>, vector<16xf32>,
      tpu.vector_store %arg11[%swap3A_268, %swap3A_269], %broadcast_in_dim3A_3 {strides = array<i32>} : memref<16x1000xf32, #tpu.memory_space<vmem>>, vector<16xf32>,
      %swap3A_271 = arith.index_cast %scan3A_139 : i32 to index
      %swap3A_272 = arith.constant 704 : index
      %swap3A_273 = tpu.vector_load %arg11[%swap3A_271, %swap3A_272] {strides = array<i32>} : memref<16x1000xf32, #tpu.memory_space<vmem>>, vector<16xf32>,
      tpu.vector_store %arg11[%swap3A_271, %swap3A_272], %broadcast_in_dim3A_3 {strides = array<i32>} : memref<16x1000xf32, #tpu.memory_space<vmem>>, vector<16xf32>,
      %swap3A_274 = arith.index_cast %scan3A_139 : i32 to index
      %swap3A_275 = arith.constant 720 : index
      %swap3A_276 = tpu.vector_load %arg11[%swap3A_274, %swap3A_275] {strides = array<i32>} : memref<16x1000xf32, #tpu.memory_space<vmem>>, vector<16xf32>,
      tpu.vector_store %arg11[%swap3A_274, %swap3A_275], %broadcast_in_dim3A_3 {strides = array<i32>} : memref<16x1000xf32, #tpu.memory_space<vmem>>, vector<16xf32>,
      %swap3A_277 = arith.index_cast %scan3A_139 : i32 to index
      %swap3A_278 = arith.constant 736 : index
      %swap3A_279 = tpu.vector_load %arg11[%swap3A_277, %swap3A_278] {strides = array<i32>} : memref<16x1000xf32, #tpu.memory_space<vmem>>, vector<16xf32>,
      tpu.vector_store %arg11[%swap3A_277, %swap3A_278], %broadcast_in_dim3A_3 {strides = array<i32>} : memref<16x1000xf32, #tpu.memory_space<vmem>>, vector<16xf32>,
      %swap3A_280 = arith.index_cast %scan3A_139 : i32 to index
      %swap3A_281 = arith.constant 752 : index
      %swap3A_282 = tpu.vector_load %arg11[%swap3A_280, %swap3A_281] {strides = array<i32>} : memref<16x1000xf32, #tpu.memory_space<vmem>>, vector<16xf32>,
      tpu.vector_store %arg11[%swap3A_280, %swap3A_281], %broadcast_in_dim3A_3 {strides = array<i32>} : memref<16x1000xf32, #tpu.memory_space<vmem>>, vector<16xf32>,
      %swap3A_283 = arith.index_cast %scan3A_139 : i32 to index
      %swap3A_284 = arith.constant 768 : index
      %swap3A_285 = tpu.vector_load %arg11[%swap3A_283, %swap3A_284] {strides = array<i32>} : memref<16x1000xf32, #tpu.memory_space<vmem>>, vector<16xf32>,
      tpu.vector_store %arg11[%swap3A_283, %swap3A_284], %broadcast_in_dim3A_3 {strides = array<i32>} : memref<16x1000xf32, #tpu.memory_space<vmem>>, vector<16xf32>,
      %swap3A_286 = arith.index_cast %scan3A_139 : i32 to index
      %swap3A_287 = arith.constant 784 : index
      %swap3A_288 = tpu.vector_load %arg11[%swap3A_286, %swap3A_287] {strides = array<i32>} : memref<16x1000xf32, #tpu.memory_space<vmem>>, vector<16xf32>,
      tpu.vector_store %arg11[%swap3A_286, %swap3A_287], %broadcast_in_dim3A_3 {strides = array<i32>} : memref<16x1000xf32, #tpu.memory_space<vmem>>, vector<16xf32>,
      %swap3A_289 = arith.index_cast %scan3A_139 : i32 to index
      %swap3A_290 = arith.constant 800 : index
      %swap3A_291 = tpu.vector_load %arg11[%swap3A_289, %swap3A_290] {strides = array<i32>} : memref<16x1000xf32, #tpu.memory_space<vmem>>, vector<16xf32>,
      tpu.vector_store %arg11[%swap3A_289, %swap3A_290], %broadcast_in_dim3A_3 {strides = array<i32>} : memref<16x1000xf32, #tpu.memory_space<vmem>>, vector<16xf32>,
      %swap3A_292 = arith.index_cast %scan3A_139 : i32 to index
      %swap3A_293 = arith.constant 816 : index
      %swap3A_294 = tpu.vector_load %arg11[%swap3A_292, %swap3A_293] {strides = array<i32>} : memref<16x1000xf32, #tpu.memory_space<vmem>>, vector<16xf32>,
      tpu.vector_store %arg11[%swap3A_292, %swap3A_293], %broadcast_in_dim3A_3 {strides = array<i32>} : memref<16x1000xf32, #tpu.memory_space<vmem>>, vector<16xf32>,
      %swap3A_295 = arith.index_cast %scan3A_139 : i32 to index
      %swap3A_296 = arith.constant 832 : index
      %swap3A_297 = tpu.vector_load %arg11[%swap3A_295, %swap3A_296] {strides = array<i32>} : memref<16x1000xf32, #tpu.memory_space<vmem>>, vector<16xf32>,
      tpu.vector_store %arg11[%swap3A_295, %swap3A_296], %broadcast_in_dim3A_3 {strides = array<i32>} : memref<16x1000xf32, #tpu.memory_space<vmem>>, vector<16xf32>,
      %swap3A_298 = arith.index_cast %scan3A_139 : i32 to index
      %swap3A_299 = arith.constant 848 : index
      %swap3A_300 = tpu.vector_load %arg11[%swap3A_298, %swap3A_299] {strides = array<i32>} : memref<16x1000xf32, #tpu.memory_space<vmem>>, vector<16xf32>,
      tpu.vector_store %arg11[%swap3A_298, %swap3A_299], %broadcast_in_dim3A_3 {strides = array<i32>} : memref<16x1000xf32, #tpu.memory_space<vmem>>, vector<16xf32>,
      %swap3A_301 = arith.index_cast %scan3A_139 : i32 to index
      %swap3A_302 = arith.constant 864 : index
      %swap3A_303 = tpu.vector_load %arg11[%swap3A_301, %swap3A_302] {strides = array<i32>} : memref<16x1000xf32, #tpu.memory_space<vmem>>, vector<16xf32>,
      tpu.vector_store %arg11[%swap3A_301, %swap3A_302], %broadcast_in_dim3A_3 {strides = array<i32>} : memref<16x1000xf32, #tpu.memory_space<vmem>>, vector<16xf32>,
      %swap3A_304 = arith.index_cast %scan3A_139 : i32 to index
      %swap3A_305 = arith.constant 880 : index
      %swap3A_306 = tpu.vector_load %arg11[%swap3A_304, %swap3A_305] {strides = array<i32>} : memref<16x1000xf32, #tpu.memory_space<vmem>>, vector<16xf32>,
      tpu.vector_store %arg11[%swap3A_304, %swap3A_305], %broadcast_in_dim3A_3 {strides = array<i32>} : memref<16x1000xf32, #tpu.memory_space<vmem>>, vector<16xf32>,
      %swap3A_307 = arith.index_cast %scan3A_139 : i32 to index
      %swap3A_308 = arith.constant 896 : index
      %swap3A_309 = tpu.vector_load %arg11[%swap3A_307, %swap3A_308] {strides = array<i32>} : memref<16x1000xf32, #tpu.memory_space<vmem>>, vector<16xf32>,
      tpu.vector_store %arg11[%swap3A_307, %swap3A_308], %broadcast_in_dim3A_3 {strides = array<i32>} : memref<16x1000xf32, #tpu.memory_space<vmem>>, vector<16xf32>,
      %swap3A_310 = arith.index_cast %scan3A_139 : i32 to index
      %swap3A_311 = arith.constant 912 : index
      %swap3A_312 = tpu.vector_load %arg11[%swap3A_310, %swap3A_311] {strides = array<i32>} : memref<16x1000xf32, #tpu.memory_space<vmem>>, vector<16xf32>,
      tpu.vector_store %arg11[%swap3A_310, %swap3A_311], %broadcast_in_dim3A_3 {strides = array<i32>} : memref<16x1000xf32, #tpu.memory_space<vmem>>, vector<16xf32>,
      %swap3A_313 = arith.index_cast %scan3A_139 : i32 to index
      %swap3A_314 = arith.constant 928 : index
      %swap3A_315 = tpu.vector_load %arg11[%swap3A_313, %swap3A_314] {strides = array<i32>} : memref<16x1000xf32, #tpu.memory_space<vmem>>, vector<16xf32>,
      tpu.vector_store %arg11[%swap3A_313, %swap3A_314], %broadcast_in_dim3A_3 {strides = array<i32>} : memref<16x1000xf32, #tpu.memory_space<vmem>>, vector<16xf32>,
      %swap3A_316 = arith.index_cast %scan3A_139 : i32 to index
      %swap3A_317 = arith.constant 944 : index
      %swap3A_318 = tpu.vector_load %arg11[%swap3A_316, %swap3A_317] {strides = array<i32>} : memref<16x1000xf32, #tpu.memory_space<vmem>>, vector<16xf32>,
      tpu.vector_store %arg11[%swap3A_316, %swap3A_317], %broadcast_in_dim3A_3 {strides = array<i32>} : memref<16x1000xf32, #tpu.memory_space<vmem>>, vector<16xf32>,
      %swap3A_319 = arith.index_cast %scan3A_139 : i32 to index
      %swap3A_320 = arith.constant 960 : index
      %swap3A_321 = tpu.vector_load %arg11[%swap3A_319, %swap3A_320] {strides = array<i32>} : memref<16x1000xf32, #tpu.memory_space<vmem>>, vector<16xf32>,
      tpu.vector_store %arg11[%swap3A_319, %swap3A_320], %broadcast_in_dim3A_3 {strides = array<i32>} : memref<16x1000xf32, #tpu.memory_space<vmem>>, vector<16xf32>,
      %swap3A_322 = arith.index_cast %scan3A_139 : i32 to index
      %swap3A_323 = arith.constant 976 : index
      %swap3A_324 = tpu.vector_load %arg11[%swap3A_322, %swap3A_323] {strides = array<i32>} : memref<16x1000xf32, #tpu.memory_space<vmem>>, vector<16xf32>,
      tpu.vector_store %arg11[%swap3A_322, %swap3A_323], %broadcast_in_dim3A_3 {strides = array<i32>} : memref<16x1000xf32, #tpu.memory_space<vmem>>, vector<16xf32>,
      %swap3A_325 = arith.index_cast %scan3A_139 : i32 to index
      %swap3A_326 = arith.constant 984 : index
      %swap3A_327 = tpu.vector_load %arg11[%swap3A_325, %swap3A_326] {strides = array<i32>} : memref<16x1000xf32, #tpu.memory_space<vmem>>, vector<16xf32>,
      tpu.vector_store %arg11[%swap3A_325, %swap3A_326], %broadcast_in_dim3A_3 {strides = array<i32>} : memref<16x1000xf32, #tpu.memory_space<vmem>>, vector<16xf32>,
    }
    %scan3A_67 = arith.constant 16 : i32
    %add3A_68 = arith.constant 0 : i32
    %add3A_69 = arith.addi %mul3A_2, %add3A_68 : i32
    %dma_start3A_70 = arith.constant 0 : i32
    %dma_start3A_71 = tpu.memref_slice %arg3[%add3A_69, %dma_start3A_70] : memref<16384x1000xf32, #tpu.memory_space<hbm>> -> memref<16x1000xf32, #tpu.memory_space<hbm>>
    %dma_start3A_72 = arith.constant 0 : i32
    %dma_start3A_73 = tpu.memref_slice %arg3[%add3A_69, %dma_start3A_72] : memref<16384x1000xf32, #tpu.memory_space<hbm>> -> memref<16x1000xf32, #tpu.memory_space<hbm>>
    tpu.enqueue_dma source(%arg8 : memref<16x1000xf32, #tpu.memory_space<vmem>>) target(%dma_start3A_73 : memref<16x1000xf32, #tpu.memory_space<hbm>>) target_semaphore(%arg16 : memref<!tpu.dma_semaphore, #tpu.memory_space<semaphore_mem>>)
    %add3A_74 = arith.constant 16 : i32
    %add3A_75 = arith.addi %mul3A_2, %add3A_74 : i32
    %dma_start3A_76 = arith.constant 0 : i32
    %dma_start3A_77 = tpu.memref_slice %arg3[%add3A_75, %dma_start3A_76] : memref<16384x1000xf32, #tpu.memory_space<hbm>> -> memref<16x1000xf32, #tpu.memory_space<hbm>>
    %dma_start3A_78 = arith.constant 0 : i32
    %dma_start3A_79 = tpu.memref_slice %arg3[%add3A_75, %dma_start3A_78] : memref<16384x1000xf32, #tpu.memory_space<hbm>> -> memref<16x1000xf32, #tpu.memory_space<hbm>>
    tpu.enqueue_dma source(%arg9 : memref<16x1000xf32, #tpu.memory_space<vmem>>) target(%dma_start3A_79 : memref<16x1000xf32, #tpu.memory_space<hbm>>) target_semaphore(%arg17 : memref<!tpu.dma_semaphore, #tpu.memory_space<semaphore_mem>>)
    %add3A_80 = arith.constant 32 : i32
    %add3A_81 = arith.addi %mul3A_2, %add3A_80 : i32
    %dma_start3A_82 = arith.constant 0 : i32
    %dma_start3A_83 = tpu.memref_slice %arg3[%add3A_81, %dma_start3A_82] : memref<16384x1000xf32, #tpu.memory_space<hbm>> -> memref<16x1000xf32, #tpu.memory_space<hbm>>
    %dma_start3A_84 = arith.constant 0 : i32
    %dma_start3A_85 = tpu.memref_slice %arg3[%add3A_81, %dma_start3A_84] : memref<16384x1000xf32, #tpu.memory_space<hbm>> -> memref<16x1000xf32, #tpu.memory_space<hbm>>
    tpu.enqueue_dma source(%arg10 : memref<16x1000xf32, #tpu.memory_space<vmem>>) target(%dma_start3A_85 : memref<16x1000xf32, #tpu.memory_space<hbm>>) target_semaphore(%arg18 : memref<!tpu.dma_semaphore, #tpu.memory_space<semaphore_mem>>)
    %add3A_86 = arith.constant 48 : i32
    %add3A_87 = arith.addi %mul3A_2, %add3A_86 : i32
    %dma_start3A_88 = arith.constant 0 : i32
    %dma_start3A_89 = tpu.memref_slice %arg3[%add3A_87, %dma_start3A_88] : memref<16384x1000xf32, #tpu.memory_space<hbm>> -> memref<16x1000xf32, #tpu.memory_space<hbm>>
    %dma_start3A_90 = arith.constant 0 : i32
    %dma_start3A_91 = tpu.memref_slice %arg3[%add3A_87, %dma_start3A_90] : memref<16384x1000xf32, #tpu.memory_space<hbm>> -> memref<16x1000xf32, #tpu.memory_space<hbm>>
    tpu.enqueue_dma source(%arg11 : memref<16x1000xf32, #tpu.memory_space<vmem>>) target(%dma_start3A_91 : memref<16x1000xf32, #tpu.memory_space<hbm>>) target_semaphore(%arg19 : memref<!tpu.dma_semaphore, #tpu.memory_space<semaphore_mem>>)
    %scan3A_92 = arith.constant 0 : i32
    %scan3A_93 = arith.constant 8 : i32
    %scan3A_94 = arith.addi %scan3A_92, %scan3A_93 : i32
    %scan3A_95 = arith.constant 1 : i32
    %scan3A_96:4 = scf.for %scan3A_139 = %scan3A_92 to %scan3A_94 step %scan3A_95 iter_args(%scan3A_140 = %broadcast_in_dim3A_9, %scan3A_141 = %broadcast_in_dim3A_9, %scan3A_142 = %broadcast_in_dim3A_9, %scan3A_143 = %broadcast_in_dim3A_9) -> (vector<16xi32>, vector<16xi32>, vector<16xi32>, vector<16xi32>)  : i32 {
      %mul3A_144 = arith.constant 4 : i32
      %mul3A_145 = arith.muli %mul3A_144, %scan3A_139 : i32
      %add3A_146 = arith.constant 0 : i32
      %add3A_147 = arith.addi %mul3A_145, %add3A_146 : i32
      %mul3A_148 = arith.constant 16 : i32
      %mul3A_149 = arith.muli %add3A_147, %mul3A_148 : i32
      %add3A_150 = arith.addi %mul3A_2, %mul3A_149 : i32
      %sub3A = arith.constant 4 : i32
      %sub3A_151 = arith.subi %add3A_147, %sub3A : i32
      %max3A = arith.constant 0 : i32
      %max3A_152 = arith.maxsi %sub3A_151, %max3A : i32
      %mul3A_153 = arith.constant 16 : i32
      %mul3A_154 = arith.muli %max3A_152, %mul3A_153 : i32
      %add3A_155 = arith.addi %mul3A_2, %mul3A_154 : i32
      %add3A_156 = arith.constant 4 : i32
      %add3A_157 = arith.addi %add3A_147, %add3A_156 : i32
      %min3A = arith.constant 31 : i32
      %min3A_158 = arith.minsi %add3A_157, %min3A : i32
      %mul3A_159 = arith.constant 16 : i32
      %mul3A_160 = arith.muli %min3A_158, %mul3A_159 : i32
      %add3A_161 = arith.addi %mul3A_2, %mul3A_160 : i32
      %dma_wait3A_162 = arith.constant 0 : i32
      %dma_wait3A_163 = tpu.memref_slice %arg3[%add3A_155, %dma_wait3A_162] : memref<16384x1000xf32, #tpu.memory_space<hbm>> -> memref<16x1000xf32, #tpu.memory_space<hbm>>
      %dma_wait3A_164 = arith.constant 0 : i32
      %dma_wait3A_165 = tpu.memref_slice %arg3[%add3A_155, %dma_wait3A_164] : memref<16384x1000xf32, #tpu.memory_space<hbm>> -> memref<16x1000xf32, #tpu.memory_space<hbm>>
      tpu.wait_dma2 semaphore(%arg16 : memref<!tpu.dma_semaphore, #tpu.memory_space<semaphore_mem>>) src(%arg8 : memref<16x1000xf32, #tpu.memory_space<vmem>>) dst(%dma_wait3A_165 : memref<16x1000xf32, #tpu.memory_space<hbm>>)
      tpu.vector_store_idx %arg8[%iota3A, %scan3A_140], %broadcast_in_dim3A_3 : memref<16x1000xf32, #tpu.memory_space<vmem>>[vector<16xi32>, vector<16xi32>], vector<16xf32>,
      %dma_wait3A_166 = arith.constant 0 : i32
      %dma_wait3A_167 = tpu.memref_slice %arg2[%add3A_150, %dma_wait3A_166] : memref<16384x1000xf32, #tpu.memory_space<hbm>> -> memref<16x1000xf32, #tpu.memory_space<hbm>>
      %dma_wait3A_168 = arith.constant 0 : i32
      %dma_wait3A_169 = tpu.memref_slice %arg2[%add3A_150, %dma_wait3A_168] : memref<16384x1000xf32, #tpu.memory_space<hbm>> -> memref<16x1000xf32, #tpu.memory_space<hbm>>
      tpu.wait_dma2 semaphore(%arg12 : memref<!tpu.dma_semaphore, #tpu.memory_space<semaphore_mem>>) src(%dma_wait3A_169 : memref<16x1000xf32, #tpu.memory_space<hbm>>) dst(%arg4 : memref<16x1000xf32, #tpu.memory_space<vmem>>)
      %scan3A_170 = arith.constant 0 : i32
      %scan3A_171 = arith.constant 16 : i32
      %scan3A_172 = arith.addi %scan3A_170, %scan3A_171 : i32
      %scan3A_173 = arith.constant 1 : i32
      %scan3A_174 = scf.for %scan3A_313 = %scan3A_170 to %scan3A_172 step %scan3A_173 iter_args(%scan3A_314 = %broadcast_in_dim3A_9) -> (vector<16xi32>)  : i32 {
        %add3A_315 = arith.constant 0 : i32
        %add3A_316 = arith.addi %add3A_315, %scan3A_313 : i32
        %scan3A_317 = arith.constant 0 : i32
        %scan3A_318 = arith.constant 15 : i32
        %scan3A_319 = arith.addi %scan3A_317, %scan3A_318 : i32
        %scan3A_320 = arith.constant 1 : i32
        %scan3A_321:9 = scf.for %scan3A_396 = %scan3A_317 to %scan3A_319 step %scan3A_320 iter_args(%scan3A_397 = %broadcast_in_dim3A_9, %scan3A_398 = %broadcast_in_dim3A_7, %scan3A_399 = %broadcast_in_dim3A_9, %scan3A_400 = %broadcast_in_dim3A_7, %scan3A_401 = %broadcast_in_dim3A_9, %scan3A_402 = %broadcast_in_dim3A_7, %scan3A_403 = %broadcast_in_dim3A_9, %scan3A_404 = %broadcast_in_dim3A_7, %scan3A_405 = %broadcast_in_dim3A_9) -> (vector<16xi32>, vector<16xf32>, vector<16xi32>, vector<16xf32>, vector<16xi32>, vector<16xf32>, vector<16xi32>, vector<16xf32>, vector<16xi32>)  : i32 {
          %mul3A_406 = arith.constant 64 : i32
          %mul3A_407 = arith.muli %scan3A_396, %mul3A_406 : i32
          %get3A_408 = arith.index_cast %add3A_316 : i32 to index
          %get3A_409 = arith.index_cast %mul3A_407 : i32 to index
          %get3A_410 = tpu.vector_load %arg4[%get3A_408, %get3A_409] {strides = array<i32>} : memref<16x1000xf32, #tpu.memory_space<vmem>>, vector<16xf32>,
          %add3A_411 = arith.constant 16 : i32
          %add3A_412 = arith.addi %mul3A_407, %add3A_411 : i32
          %get3A_413 = arith.index_cast %add3A_316 : i32 to index
          %get3A_414 = arith.index_cast %add3A_412 : i32 to index
          %get3A_415 = tpu.vector_load %arg4[%get3A_413, %get3A_414] {strides = array<i32>} : memref<16x1000xf32, #tpu.memory_space<vmem>>, vector<16xf32>,
          %add3A_416 = arith.constant 32 : i32
          %add3A_417 = arith.addi %mul3A_407, %add3A_416 : i32
          %get3A_418 = arith.index_cast %add3A_316 : i32 to index
          %get3A_419 = arith.index_cast %add3A_417 : i32 to index
          %get3A_420 = tpu.vector_load %arg4[%get3A_418, %get3A_419] {strides = array<i32>} : memref<16x1000xf32, #tpu.memory_space<vmem>>, vector<16xf32>,
          %add3A_421 = arith.constant 48 : i32
          %add3A_422 = arith.addi %mul3A_407, %add3A_421 : i32
          %get3A_423 = arith.index_cast %add3A_316 : i32 to index
          %get3A_424 = arith.index_cast %add3A_422 : i32 to index
          %get3A_425 = tpu.vector_load %arg4[%get3A_423, %get3A_424] {strides = array<i32>} : memref<16x1000xf32, #tpu.memory_space<vmem>>, vector<16xf32>,
          %gt3A_426 = arith.cmpf ogt, %get3A_410, %scan3A_398 : vector<16xf32>
          %gt3A_427 = arith.cmpf ogt, %get3A_415, %scan3A_400 : vector<16xf32>
          %gt3A_428 = arith.cmpf ogt, %get3A_420, %scan3A_402 : vector<16xf32>
          %gt3A_429 = arith.cmpf ogt, %get3A_425, %scan3A_404 : vector<16xf32>
          %add3A_430 = arith.addi %scan3A_397, %broadcast_in_dim3A_23 : vector<16xi32>
          %select_n3A_431 = arith.select %gt3A_426, %get3A_410, %scan3A_398 : vector<16xi1>, vector<16xf32>
          %select_n3A_432 = arith.select %gt3A_426, %scan3A_397, %scan3A_399 : vector<16xi1>, vector<16xi32>
          %select_n3A_433 = arith.select %gt3A_427, %get3A_415, %scan3A_400 : vector<16xi1>, vector<16xf32>
          %select_n3A_434 = arith.select %gt3A_427, %scan3A_397, %scan3A_401 : vector<16xi1>, vector<16xi32>
          %select_n3A_435 = arith.select %gt3A_428, %get3A_420, %scan3A_402 : vector<16xi1>, vector<16xf32>
          %select_n3A_436 = arith.select %gt3A_428, %scan3A_397, %scan3A_403 : vector<16xi1>, vector<16xi32>
          %select_n3A_437 = arith.select %gt3A_429, %get3A_425, %scan3A_404 : vector<16xi1>, vector<16xf32>
          %select_n3A_438 = arith.select %gt3A_429, %scan3A_397, %scan3A_405 : vector<16xi1>, vector<16xi32>
          scf.yield %add3A_430, %select_n3A_431, %select_n3A_432, %select_n3A_433, %select_n3A_434, %select_n3A_435, %select_n3A_436, %select_n3A_437, %select_n3A_438 : vector<16xi32>, vector<16xf32>, vector<16xi32>, vector<16xf32>, vector<16xi32>, vector<16xf32>, vector<16xi32>, vector<16xf32>, vector<16xi32>
        }
        %scan3A_322 = arith.constant 15 : i32
        %shift_left3A = arith.constant 6 : i32
        %shift_left3A_323 = vector.broadcast %shift_left3A : i32 to vector<16xi32>
        %shift_left3A_324 = arith.shli %scan3A_321#2, %shift_left3A_323 : vector<16xi32>
        %add3A_325 = arith.addi %shift_left3A_324, %add3A_12 : vector<16xi32>
        %shift_left3A_326 = arith.constant 6 : i32
        %shift_left3A_327 = vector.broadcast %shift_left3A_326 : i32 to vector<16xi32>
        %shift_left3A_328 = arith.shli %scan3A_321#4, %shift_left3A_327 : vector<16xi32>
        %add3A_329 = arith.addi %shift_left3A_328, %add3A_15 : vector<16xi32>
        %shift_left3A_330 = arith.constant 6 : i32
        %shift_left3A_331 = vector.broadcast %shift_left3A_330 : i32 to vector<16xi32>
        %shift_left3A_332 = arith.shli %scan3A_321#6, %shift_left3A_331 : vector<16xi32>
        %add3A_333 = arith.addi %shift_left3A_332, %add3A_18 : vector<16xi32>
        %shift_left3A_334 = arith.constant 6 : i32
        %shift_left3A_335 = vector.broadcast %shift_left3A_334 : i32 to vector<16xi32>
        %shift_left3A_336 = arith.shli %scan3A_321#8, %shift_left3A_335 : vector<16xi32>
        %add3A_337 = arith.addi %shift_left3A_336, %add3A_21 : vector<16xi32>
        %gt3A = arith.cmpf ogt, %scan3A_321#3, %scan3A_321#1 : vector<16xf32>
        %eq3A = arith.cmpf oeq, %scan3A_321#3, %scan3A_321#1 : vector<16xf32>
        %lt3A = arith.cmpi slt, %add3A_329, %add3A_325 : vector<16xi32>
        %and3A = arith.andi %eq3A, %lt3A : vector<16xi1>
        %or3A = arith.ori %gt3A, %and3A : vector<16xi1>
        %select_n3A = arith.select %or3A, %scan3A_321#3, %scan3A_321#1 : vector<16xi1>, vector<16xf32>
        %select_n3A_338 = arith.select %or3A, %add3A_329, %add3A_325 : vector<16xi1>, vector<16xi32>
        %gt3A_339 = arith.cmpf ogt, %scan3A_321#7, %scan3A_321#5 : vector<16xf32>
        %eq3A_340 = arith.cmpf oeq, %scan3A_321#7, %scan3A_321#5 : vector<16xf32>
        %lt3A_341 = arith.cmpi slt, %add3A_337, %add3A_333 : vector<16xi32>
        %and3A_342 = arith.andi %eq3A_340, %lt3A_341 : vector<16xi1>
        %or3A_343 = arith.ori %gt3A_339, %and3A_342 : vector<16xi1>
        %select_n3A_344 = arith.select %or3A_343, %scan3A_321#7, %scan3A_321#5 : vector<16xi1>, vector<16xf32>
        %select_n3A_345 = arith.select %or3A_343, %add3A_337, %add3A_333 : vector<16xi1>, vector<16xi32>
        %gt3A_346 = arith.cmpf ogt, %select_n3A_344, %select_n3A : vector<16xf32>
        %eq3A_347 = arith.cmpf oeq, %select_n3A_344, %select_n3A : vector<16xf32>
        %lt3A_348 = arith.cmpi slt, %select_n3A_345, %select_n3A_338 : vector<16xi32>
        %and3A_349 = arith.andi %eq3A_347, %lt3A_348 : vector<16xi1>
        %or3A_350 = arith.ori %gt3A_346, %and3A_349 : vector<16xi1>
        %select_n3A_351 = arith.select %or3A_350, %select_n3A_344, %select_n3A : vector<16xi1>, vector<16xf32>
        %select_n3A_352 = arith.select %or3A_350, %select_n3A_345, %select_n3A_338 : vector<16xi1>, vector<16xi32>
        %get3A = arith.index_cast %add3A_316 : i32 to index
        %get3A_353 = arith.constant 960 : index
        %get3A_354 = tpu.vector_load %arg4[%get3A, %get3A_353] {strides = array<i32>} : memref<16x1000xf32, #tpu.memory_space<vmem>>, vector<16xf32>,
        %gt3A_355 = arith.cmpf ogt, %get3A_354, %select_n3A_351 : vector<16xf32>
        %select_n3A_356 = arith.select %gt3A_355, %get3A_354, %select_n3A_351 : vector<16xi1>, vector<16xf32>
        %add3A_357 = arith.constant 960 : i32
        %add3A_358 = vector.broadcast %add3A_357 : i32 to vector<16xi32>
        %add3A_359 = arith.addi %add3A_358, %iota3A : vector<16xi32>
        %select_n3A_360 = arith.select %gt3A_355, %add3A_359, %select_n3A_352 : vector<16xi1>, vector<16xi32>
        %get3A_361 = arith.index_cast %add3A_316 : i32 to index
        %get3A_362 = arith.constant 976 : index
        %get3A_363 = tpu.vector_load %arg4[%get3A_361, %get3A_362] {strides = array<i32>} : memref<16x1000xf32, #tpu.memory_space<vmem>>, vector<16xf32>,
        %gt3A_364 = arith.cmpf ogt, %get3A_363, %select_n3A_356 : vector<16xf32>
        %select_n3A_365 = arith.select %gt3A_364, %get3A_363, %select_n3A_356 : vector<16xi1>, vector<16xf32>
        %add3A_366 = arith.constant 976 : i32
        %add3A_367 = vector.broadcast %add3A_366 : i32 to vector<16xi32>
        %add3A_368 = arith.addi %add3A_367, %iota3A : vector<16xi32>
        %select_n3A_369 = arith.select %gt3A_364, %add3A_368, %select_n3A_360 : vector<16xi1>, vector<16xi32>
        %get3A_370 = arith.index_cast %add3A_316 : i32 to index
        %get3A_371 = arith.constant 984 : index
        %get3A_372 = tpu.vector_load %arg4[%get3A_370, %get3A_371] {strides = array<i32>} : memref<16x1000xf32, #tpu.memory_space<vmem>>, vector<16xf32>,
        %gt3A_373 = arith.cmpf ogt, %get3A_372, %select_n3A_365 : vector<16xf32>
        %select_n3A_374 = arith.select %gt3A_373, %get3A_372, %select_n3A_365 : vector<16xi1>, vector<16xf32>
        %add3A_375 = arith.constant 984 : i32
        %add3A_376 = vector.broadcast %add3A_375 : i32 to vector<16xi32>
        %add3A_377 = arith.addi %add3A_376, %iota3A : vector<16xi32>
        %select_n3A_378 = arith.select %gt3A_373, %add3A_377, %select_n3A_369 : vector<16xi1>, vector<16xi32>
        %reduce_max3A = arith.constant true
        %reduce_max3A_379 = vector.broadcast %reduce_max3A : i1 to vector<16xi1>
        %reduce_max3A_380 = tpu.scan <max>, %select_n3A_374 masked %reduce_max3A_379 : vector<16xf32>, vector<16xi1> -> vector<16xf32>
        %reduce_max3A_381 = vector.extract %reduce_max3A_380[15] : f32 from vector<16xf32>
        %eq3A_382 = vector.broadcast %reduce_max3A_381 : f32 to vector<16xf32>
        %eq3A_383 = arith.cmpf oeq, %select_n3A_374, %eq3A_382 : vector<16xf32>
        %select_n3A_384 = arith.select %eq3A_383, %select_n3A_378, %broadcast_in_dim3A_25 : vector<16xi1>, vector<16xi32>
        %reduce_min3A = arith.constant true
        %reduce_min3A_385 = vector.broadcast %reduce_min3A : i1 to vector<16xi1>
        %reduce_min3A_386 = arith.constant -2147483648 : i32
        %reduce_min3A_387 = vector.broadcast %reduce_min3A_386 : i32 to vector<16xi32>
        %reduce_min3A_388 = arith.xori %select_n3A_384, %reduce_min3A_387 : vector<16xi32>
        %reduce_min3A_389 = tpu.scan <min>, %reduce_min3A_388 masked %reduce_min3A_385 : vector<16xi32>, vector<16xi1> -> vector<16xi32>
        %reduce_min3A_390 = arith.xori %reduce_min3A_389, %reduce_min3A_387 : vector<16xi32>
        %reduce_min3A_391 = vector.extract %reduce_min3A_390[15] : i32 from vector<16xi32>
        %eq3A_392 = vector.broadcast %scan3A_313 : i32 to vector<16xi32>
        %eq3A_393 = arith.cmpi eq, %iota3A, %eq3A_392 : vector<16xi32>
        %broadcast_in_dim3A_394 = vector.broadcast %reduce_min3A_391 : i32 to vector<16xi32>
        %select_n3A_395 = arith.select %eq3A_393, %broadcast_in_dim3A_394, %scan3A_314 : vector<16xi1>, vector<16xi32>
        scf.yield %select_n3A_395 : vector<16xi32>
      }
      %scan3A_175 = arith.constant 16 : i32
      %dma_start3A_176 = arith.constant 0 : i32
      %dma_start3A_177 = tpu.memref_slice %arg2[%add3A_161, %dma_start3A_176] : memref<16384x1000xf32, #tpu.memory_space<hbm>> -> memref<16x1000xf32, #tpu.memory_space<hbm>>
      %dma_start3A_178 = arith.constant 0 : i32
      %dma_start3A_179 = tpu.memref_slice %arg2[%add3A_161, %dma_start3A_178] : memref<16384x1000xf32, #tpu.memory_space<hbm>> -> memref<16x1000xf32, #tpu.memory_space<hbm>>
      tpu.enqueue_dma source(%dma_start3A_179 : memref<16x1000xf32, #tpu.memory_space<hbm>>) target(%arg4 : memref<16x1000xf32, #tpu.memory_space<vmem>>) target_semaphore(%arg12 : memref<!tpu.dma_semaphore, #tpu.memory_space<semaphore_mem>>)
      tpu.vector_store_idx %arg8[%iota3A, %scan3A_174], %broadcast_in_dim3A_5 : memref<16x1000xf32, #tpu.memory_space<vmem>>[vector<16xi32>, vector<16xi32>], vector<16xf32>,
      %dma_start3A_180 = arith.constant 0 : i32
      %dma_start3A_181 = tpu.memref_slice %arg3[%add3A_150, %dma_start3A_180] : memref<16384x1000xf32, #tpu.memory_space<hbm>> -> memref<16x1000xf32, #tpu.memory_space<hbm>>
      %dma_start3A_182 = arith.constant 0 : i32
      %dma_start3A_183 = tpu.memref_slice %arg3[%add3A_150, %dma_start3A_182] : memref<16384x1000xf32, #tpu.memory_space<hbm>> -> memref<16x1000xf32, #tpu.memory_space<hbm>>
      tpu.enqueue_dma source(%arg8 : memref<16x1000xf32, #tpu.memory_space<vmem>>) target(%dma_start3A_183 : memref<16x1000xf32, #tpu.memory_space<hbm>>) target_semaphore(%arg16 : memref<!tpu.dma_semaphore, #tpu.memory_space<semaphore_mem>>)
      %mul3A_184 = arith.constant 4 : i32
      %mul3A_185 = arith.muli %mul3A_184, %scan3A_139 : i32
      %add3A_186 = arith.constant 1 : i32
      %add3A_187 = arith.addi %mul3A_185, %add3A_186 : i32
      %mul3A_188 = arith.constant 16 : i32
      %mul3A_189 = arith.muli %add3A_187, %mul3A_188 : i32
      %add3A_190 = arith.addi %mul3A_2, %mul3A_189 : i32
      %sub3A_191 = arith.constant 4 : i32
      %sub3A_192 = arith.subi %add3A_187, %sub3A_191 : i32
      %max3A_193 = arith.constant 0 : i32
      %max3A_194 = arith.maxsi %sub3A_192, %max3A_193 : i32
      %mul3A_195 = arith.constant 16 : i32
      %mul3A_196 = arith.muli %max3A_194, %mul3A_195 : i32
      %add3A_197 = arith.addi %mul3A_2, %mul3A_196 : i32
      %add3A_198 = arith.constant 4 : i32
      %add3A_199 = arith.addi %add3A_187, %add3A_198 : i32
      %min3A_200 = arith.constant 31 : i32
      %min3A_201 = arith.minsi %add3A_199, %min3A_200 : i32
      %mul3A_202 = arith.constant 16 : i32
      %mul3A_203 = arith.muli %min3A_201, %mul3A_202 : i32
      %add3A_204 = arith.addi %mul3A_2, %mul3A_203 : i32
      %dma_wait3A_205 = arith.constant 0 : i32
      %dma_wait3A_206 = tpu.memref_slice %arg3[%add3A_197, %dma_wait3A_205] : memref<16384x1000xf32, #tpu.memory_space<hbm>> -> memref<16x1000xf32, #tpu.memory_space<hbm>>
      %dma_wait3A_207 = arith.constant 0 : i32
      %dma_wait3A_208 = tpu.memref_slice %arg3[%add3A_197, %dma_wait3A_207] : memref<16384x1000xf32, #tpu.memory_space<hbm>> -> memref<16x1000xf32, #tpu.memory_space<hbm>>
      tpu.wait_dma2 semaphore(%arg17 : memref<!tpu.dma_semaphore, #tpu.memory_space<semaphore_mem>>) src(%arg9 : memref<16x1000xf32, #tpu.memory_space<vmem>>) dst(%dma_wait3A_208 : memref<16x1000xf32, #tpu.memory_space<hbm>>)
      tpu.vector_store_idx %arg9[%iota3A, %scan3A_141], %broadcast_in_dim3A_3 : memref<16x1000xf32, #tpu.memory_space<vmem>>[vector<16xi32>, vector<16xi32>], vector<16xf32>,
      %dma_wait3A_209 = arith.constant 0 : i32
      %dma_wait3A_210 = tpu.memref_slice %arg2[%add3A_190, %dma_wait3A_209] : memref<16384x1000xf32, #tpu.memory_space<hbm>> -> memref<16x1000xf32, #tpu.memory_space<hbm>>
      %dma_wait3A_211 = arith.constant 0 : i32
      %dma_wait3A_212 = tpu.memref_slice %arg2[%add3A_190, %dma_wait3A_211] : memref<16384x1000xf32, #tpu.memory_space<hbm>> -> memref<16x1000xf32, #tpu.memory_space<hbm>>
      tpu.wait_dma2 semaphore(%arg13 : memref<!tpu.dma_semaphore, #tpu.memory_space<semaphore_mem>>) src(%dma_wait3A_212 : memref<16x1000xf32, #tpu.memory_space<hbm>>) dst(%arg5 : memref<16x1000xf32, #tpu.memory_space<vmem>>)
      %scan3A_213 = arith.constant 0 : i32
      %scan3A_214 = arith.constant 16 : i32
      %scan3A_215 = arith.addi %scan3A_213, %scan3A_214 : i32
      %scan3A_216 = arith.constant 1 : i32
      %scan3A_217 = scf.for %scan3A_313 = %scan3A_213 to %scan3A_215 step %scan3A_216 iter_args(%scan3A_314 = %broadcast_in_dim3A_9) -> (vector<16xi32>)  : i32 {
        %add3A_315 = arith.constant 0 : i32
        %add3A_316 = arith.addi %add3A_315, %scan3A_313 : i32
        %scan3A_317 = arith.constant 0 : i32
        %scan3A_318 = arith.constant 15 : i32
        %scan3A_319 = arith.addi %scan3A_317, %scan3A_318 : i32
        %scan3A_320 = arith.constant 1 : i32
        %scan3A_321:9 = scf.for %scan3A_396 = %scan3A_317 to %scan3A_319 step %scan3A_320 iter_args(%scan3A_397 = %broadcast_in_dim3A_9, %scan3A_398 = %broadcast_in_dim3A_7, %scan3A_399 = %broadcast_in_dim3A_9, %scan3A_400 = %broadcast_in_dim3A_7, %scan3A_401 = %broadcast_in_dim3A_9, %scan3A_402 = %broadcast_in_dim3A_7, %scan3A_403 = %broadcast_in_dim3A_9, %scan3A_404 = %broadcast_in_dim3A_7, %scan3A_405 = %broadcast_in_dim3A_9) -> (vector<16xi32>, vector<16xf32>, vector<16xi32>, vector<16xf32>, vector<16xi32>, vector<16xf32>, vector<16xi32>, vector<16xf32>, vector<16xi32>)  : i32 {
          %mul3A_406 = arith.constant 64 : i32
          %mul3A_407 = arith.muli %scan3A_396, %mul3A_406 : i32
          %get3A_408 = arith.index_cast %add3A_316 : i32 to index
          %get3A_409 = arith.index_cast %mul3A_407 : i32 to index
          %get3A_410 = tpu.vector_load %arg5[%get3A_408, %get3A_409] {strides = array<i32>} : memref<16x1000xf32, #tpu.memory_space<vmem>>, vector<16xf32>,
          %add3A_411 = arith.constant 16 : i32
          %add3A_412 = arith.addi %mul3A_407, %add3A_411 : i32
          %get3A_413 = arith.index_cast %add3A_316 : i32 to index
          %get3A_414 = arith.index_cast %add3A_412 : i32 to index
          %get3A_415 = tpu.vector_load %arg5[%get3A_413, %get3A_414] {strides = array<i32>} : memref<16x1000xf32, #tpu.memory_space<vmem>>, vector<16xf32>,
          %add3A_416 = arith.constant 32 : i32
          %add3A_417 = arith.addi %mul3A_407, %add3A_416 : i32
          %get3A_418 = arith.index_cast %add3A_316 : i32 to index
          %get3A_419 = arith.index_cast %add3A_417 : i32 to index
          %get3A_420 = tpu.vector_load %arg5[%get3A_418, %get3A_419] {strides = array<i32>} : memref<16x1000xf32, #tpu.memory_space<vmem>>, vector<16xf32>,
          %add3A_421 = arith.constant 48 : i32
          %add3A_422 = arith.addi %mul3A_407, %add3A_421 : i32
          %get3A_423 = arith.index_cast %add3A_316 : i32 to index
          %get3A_424 = arith.index_cast %add3A_422 : i32 to index
          %get3A_425 = tpu.vector_load %arg5[%get3A_423, %get3A_424] {strides = array<i32>} : memref<16x1000xf32, #tpu.memory_space<vmem>>, vector<16xf32>,
          %gt3A_426 = arith.cmpf ogt, %get3A_410, %scan3A_398 : vector<16xf32>
          %gt3A_427 = arith.cmpf ogt, %get3A_415, %scan3A_400 : vector<16xf32>
          %gt3A_428 = arith.cmpf ogt, %get3A_420, %scan3A_402 : vector<16xf32>
          %gt3A_429 = arith.cmpf ogt, %get3A_425, %scan3A_404 : vector<16xf32>
          %add3A_430 = arith.addi %scan3A_397, %broadcast_in_dim3A_23 : vector<16xi32>
          %select_n3A_431 = arith.select %gt3A_426, %get3A_410, %scan3A_398 : vector<16xi1>, vector<16xf32>
          %select_n3A_432 = arith.select %gt3A_426, %scan3A_397, %scan3A_399 : vector<16xi1>, vector<16xi32>
          %select_n3A_433 = arith.select %gt3A_427, %get3A_415, %scan3A_400 : vector<16xi1>, vector<16xf32>
          %select_n3A_434 = arith.select %gt3A_427, %scan3A_397, %scan3A_401 : vector<16xi1>, vector<16xi32>
          %select_n3A_435 = arith.select %gt3A_428, %get3A_420, %scan3A_402 : vector<16xi1>, vector<16xf32>
          %select_n3A_436 = arith.select %gt3A_428, %scan3A_397, %scan3A_403 : vector<16xi1>, vector<16xi32>
          %select_n3A_437 = arith.select %gt3A_429, %get3A_425, %scan3A_404 : vector<16xi1>, vector<16xf32>
          %select_n3A_438 = arith.select %gt3A_429, %scan3A_397, %scan3A_405 : vector<16xi1>, vector<16xi32>
          scf.yield %add3A_430, %select_n3A_431, %select_n3A_432, %select_n3A_433, %select_n3A_434, %select_n3A_435, %select_n3A_436, %select_n3A_437, %select_n3A_438 : vector<16xi32>, vector<16xf32>, vector<16xi32>, vector<16xf32>, vector<16xi32>, vector<16xf32>, vector<16xi32>, vector<16xf32>, vector<16xi32>
        }
        %scan3A_322 = arith.constant 15 : i32
        %shift_left3A = arith.constant 6 : i32
        %shift_left3A_323 = vector.broadcast %shift_left3A : i32 to vector<16xi32>
        %shift_left3A_324 = arith.shli %scan3A_321#2, %shift_left3A_323 : vector<16xi32>
        %add3A_325 = arith.addi %shift_left3A_324, %add3A_12 : vector<16xi32>
        %shift_left3A_326 = arith.constant 6 : i32
        %shift_left3A_327 = vector.broadcast %shift_left3A_326 : i32 to vector<16xi32>
        %shift_left3A_328 = arith.shli %scan3A_321#4, %shift_left3A_327 : vector<16xi32>
        %add3A_329 = arith.addi %shift_left3A_328, %add3A_15 : vector<16xi32>
        %shift_left3A_330 = arith.constant 6 : i32
        %shift_left3A_331 = vector.broadcast %shift_left3A_330 : i32 to vector<16xi32>
        %shift_left3A_332 = arith.shli %scan3A_321#6, %shift_left3A_331 : vector<16xi32>
        %add3A_333 = arith.addi %shift_left3A_332, %add3A_18 : vector<16xi32>
        %shift_left3A_334 = arith.constant 6 : i32
        %shift_left3A_335 = vector.broadcast %shift_left3A_334 : i32 to vector<16xi32>
        %shift_left3A_336 = arith.shli %scan3A_321#8, %shift_left3A_335 : vector<16xi32>
        %add3A_337 = arith.addi %shift_left3A_336, %add3A_21 : vector<16xi32>
        %gt3A = arith.cmpf ogt, %scan3A_321#3, %scan3A_321#1 : vector<16xf32>
        %eq3A = arith.cmpf oeq, %scan3A_321#3, %scan3A_321#1 : vector<16xf32>
        %lt3A = arith.cmpi slt, %add3A_329, %add3A_325 : vector<16xi32>
        %and3A = arith.andi %eq3A, %lt3A : vector<16xi1>
        %or3A = arith.ori %gt3A, %and3A : vector<16xi1>
        %select_n3A = arith.select %or3A, %scan3A_321#3, %scan3A_321#1 : vector<16xi1>, vector<16xf32>
        %select_n3A_338 = arith.select %or3A, %add3A_329, %add3A_325 : vector<16xi1>, vector<16xi32>
        %gt3A_339 = arith.cmpf ogt, %scan3A_321#7, %scan3A_321#5 : vector<16xf32>
        %eq3A_340 = arith.cmpf oeq, %scan3A_321#7, %scan3A_321#5 : vector<16xf32>
        %lt3A_341 = arith.cmpi slt, %add3A_337, %add3A_333 : vector<16xi32>
        %and3A_342 = arith.andi %eq3A_340, %lt3A_341 : vector<16xi1>
        %or3A_343 = arith.ori %gt3A_339, %and3A_342 : vector<16xi1>
        %select_n3A_344 = arith.select %or3A_343, %scan3A_321#7, %scan3A_321#5 : vector<16xi1>, vector<16xf32>
        %select_n3A_345 = arith.select %or3A_343, %add3A_337, %add3A_333 : vector<16xi1>, vector<16xi32>
        %gt3A_346 = arith.cmpf ogt, %select_n3A_344, %select_n3A : vector<16xf32>
        %eq3A_347 = arith.cmpf oeq, %select_n3A_344, %select_n3A : vector<16xf32>
        %lt3A_348 = arith.cmpi slt, %select_n3A_345, %select_n3A_338 : vector<16xi32>
        %and3A_349 = arith.andi %eq3A_347, %lt3A_348 : vector<16xi1>
        %or3A_350 = arith.ori %gt3A_346, %and3A_349 : vector<16xi1>
        %select_n3A_351 = arith.select %or3A_350, %select_n3A_344, %select_n3A : vector<16xi1>, vector<16xf32>
        %select_n3A_352 = arith.select %or3A_350, %select_n3A_345, %select_n3A_338 : vector<16xi1>, vector<16xi32>
        %get3A = arith.index_cast %add3A_316 : i32 to index
        %get3A_353 = arith.constant 960 : index
        %get3A_354 = tpu.vector_load %arg5[%get3A, %get3A_353] {strides = array<i32>} : memref<16x1000xf32, #tpu.memory_space<vmem>>, vector<16xf32>,
        %gt3A_355 = arith.cmpf ogt, %get3A_354, %select_n3A_351 : vector<16xf32>
        %select_n3A_356 = arith.select %gt3A_355, %get3A_354, %select_n3A_351 : vector<16xi1>, vector<16xf32>
        %add3A_357 = arith.constant 960 : i32
        %add3A_358 = vector.broadcast %add3A_357 : i32 to vector<16xi32>
        %add3A_359 = arith.addi %add3A_358, %iota3A : vector<16xi32>
        %select_n3A_360 = arith.select %gt3A_355, %add3A_359, %select_n3A_352 : vector<16xi1>, vector<16xi32>
        %get3A_361 = arith.index_cast %add3A_316 : i32 to index
        %get3A_362 = arith.constant 976 : index
        %get3A_363 = tpu.vector_load %arg5[%get3A_361, %get3A_362] {strides = array<i32>} : memref<16x1000xf32, #tpu.memory_space<vmem>>, vector<16xf32>,
        %gt3A_364 = arith.cmpf ogt, %get3A_363, %select_n3A_356 : vector<16xf32>
        %select_n3A_365 = arith.select %gt3A_364, %get3A_363, %select_n3A_356 : vector<16xi1>, vector<16xf32>
        %add3A_366 = arith.constant 976 : i32
        %add3A_367 = vector.broadcast %add3A_366 : i32 to vector<16xi32>
        %add3A_368 = arith.addi %add3A_367, %iota3A : vector<16xi32>
        %select_n3A_369 = arith.select %gt3A_364, %add3A_368, %select_n3A_360 : vector<16xi1>, vector<16xi32>
        %get3A_370 = arith.index_cast %add3A_316 : i32 to index
        %get3A_371 = arith.constant 984 : index
        %get3A_372 = tpu.vector_load %arg5[%get3A_370, %get3A_371] {strides = array<i32>} : memref<16x1000xf32, #tpu.memory_space<vmem>>, vector<16xf32>,
        %gt3A_373 = arith.cmpf ogt, %get3A_372, %select_n3A_365 : vector<16xf32>
        %select_n3A_374 = arith.select %gt3A_373, %get3A_372, %select_n3A_365 : vector<16xi1>, vector<16xf32>
        %add3A_375 = arith.constant 984 : i32
        %add3A_376 = vector.broadcast %add3A_375 : i32 to vector<16xi32>
        %add3A_377 = arith.addi %add3A_376, %iota3A : vector<16xi32>
        %select_n3A_378 = arith.select %gt3A_373, %add3A_377, %select_n3A_369 : vector<16xi1>, vector<16xi32>
        %reduce_max3A = arith.constant true
        %reduce_max3A_379 = vector.broadcast %reduce_max3A : i1 to vector<16xi1>
        %reduce_max3A_380 = tpu.scan <max>, %select_n3A_374 masked %reduce_max3A_379 : vector<16xf32>, vector<16xi1> -> vector<16xf32>
        %reduce_max3A_381 = vector.extract %reduce_max3A_380[15] : f32 from vector<16xf32>
        %eq3A_382 = vector.broadcast %reduce_max3A_381 : f32 to vector<16xf32>
        %eq3A_383 = arith.cmpf oeq, %select_n3A_374, %eq3A_382 : vector<16xf32>
        %select_n3A_384 = arith.select %eq3A_383, %select_n3A_378, %broadcast_in_dim3A_25 : vector<16xi1>, vector<16xi32>
        %reduce_min3A = arith.constant true
        %reduce_min3A_385 = vector.broadcast %reduce_min3A : i1 to vector<16xi1>
        %reduce_min3A_386 = arith.constant -2147483648 : i32
        %reduce_min3A_387 = vector.broadcast %reduce_min3A_386 : i32 to vector<16xi32>
        %reduce_min3A_388 = arith.xori %select_n3A_384, %reduce_min3A_387 : vector<16xi32>
        %reduce_min3A_389 = tpu.scan <min>, %reduce_min3A_388 masked %reduce_min3A_385 : vector<16xi32>, vector<16xi1> -> vector<16xi32>
        %reduce_min3A_390 = arith.xori %reduce_min3A_389, %reduce_min3A_387 : vector<16xi32>
        %reduce_min3A_391 = vector.extract %reduce_min3A_390[15] : i32 from vector<16xi32>
        %eq3A_392 = vector.broadcast %scan3A_313 : i32 to vector<16xi32>
        %eq3A_393 = arith.cmpi eq, %iota3A, %eq3A_392 : vector<16xi32>
        %broadcast_in_dim3A_394 = vector.broadcast %reduce_min3A_391 : i32 to vector<16xi32>
        %select_n3A_395 = arith.select %eq3A_393, %broadcast_in_dim3A_394, %scan3A_314 : vector<16xi1>, vector<16xi32>
        scf.yield %select_n3A_395 : vector<16xi32>
      }
      %scan3A_218 = arith.constant 16 : i32
      %dma_start3A_219 = arith.constant 0 : i32
      %dma_start3A_220 = tpu.memref_slice %arg2[%add3A_204, %dma_start3A_219] : memref<16384x1000xf32, #tpu.memory_space<hbm>> -> memref<16x1000xf32, #tpu.memory_space<hbm>>
      %dma_start3A_221 = arith.constant 0 : i32
      %dma_start3A_222 = tpu.memref_slice %arg2[%add3A_204, %dma_start3A_221] : memref<16384x1000xf32, #tpu.memory_space<hbm>> -> memref<16x1000xf32, #tpu.memory_space<hbm>>
      tpu.enqueue_dma source(%dma_start3A_222 : memref<16x1000xf32, #tpu.memory_space<hbm>>) target(%arg5 : memref<16x1000xf32, #tpu.memory_space<vmem>>) target_semaphore(%arg13 : memref<!tpu.dma_semaphore, #tpu.memory_space<semaphore_mem>>)
      tpu.vector_store_idx %arg9[%iota3A, %scan3A_217], %broadcast_in_dim3A_5 : memref<16x1000xf32, #tpu.memory_space<vmem>>[vector<16xi32>, vector<16xi32>], vector<16xf32>,
      %dma_start3A_223 = arith.constant 0 : i32
      %dma_start3A_224 = tpu.memref_slice %arg3[%add3A_190, %dma_start3A_223] : memref<16384x1000xf32, #tpu.memory_space<hbm>> -> memref<16x1000xf32, #tpu.memory_space<hbm>>
      %dma_start3A_225 = arith.constant 0 : i32
      %dma_start3A_226 = tpu.memref_slice %arg3[%add3A_190, %dma_start3A_225] : memref<16384x1000xf32, #tpu.memory_space<hbm>> -> memref<16x1000xf32, #tpu.memory_space<hbm>>
      tpu.enqueue_dma source(%arg9 : memref<16x1000xf32, #tpu.memory_space<vmem>>) target(%dma_start3A_226 : memref<16x1000xf32, #tpu.memory_space<hbm>>) target_semaphore(%arg17 : memref<!tpu.dma_semaphore, #tpu.memory_space<semaphore_mem>>)
      %mul3A_227 = arith.constant 4 : i32
      %mul3A_228 = arith.muli %mul3A_227, %scan3A_139 : i32
      %add3A_229 = arith.constant 2 : i32
      %add3A_230 = arith.addi %mul3A_228, %add3A_229 : i32
      %mul3A_231 = arith.constant 16 : i32
      %mul3A_232 = arith.muli %add3A_230, %mul3A_231 : i32
      %add3A_233 = arith.addi %mul3A_2, %mul3A_232 : i32
      %sub3A_234 = arith.constant 4 : i32
      %sub3A_235 = arith.subi %add3A_230, %sub3A_234 : i32
      %max3A_236 = arith.constant 0 : i32
      %max3A_237 = arith.maxsi %sub3A_235, %max3A_236 : i32
      %mul3A_238 = arith.constant 16 : i32
      %mul3A_239 = arith.muli %max3A_237, %mul3A_238 : i32
      %add3A_240 = arith.addi %mul3A_2, %mul3A_239 : i32
      %add3A_241 = arith.constant 4 : i32
      %add3A_242 = arith.addi %add3A_230, %add3A_241 : i32
      %min3A_243 = arith.constant 31 : i32
      %min3A_244 = arith.minsi %add3A_242, %min3A_243 : i32
      %mul3A_245 = arith.constant 16 : i32
      %mul3A_246 = arith.muli %min3A_244, %mul3A_245 : i32
      %add3A_247 = arith.addi %mul3A_2, %mul3A_246 : i32
      %dma_wait3A_248 = arith.constant 0 : i32
      %dma_wait3A_249 = tpu.memref_slice %arg3[%add3A_240, %dma_wait3A_248] : memref<16384x1000xf32, #tpu.memory_space<hbm>> -> memref<16x1000xf32, #tpu.memory_space<hbm>>
      %dma_wait3A_250 = arith.constant 0 : i32
      %dma_wait3A_251 = tpu.memref_slice %arg3[%add3A_240, %dma_wait3A_250] : memref<16384x1000xf32, #tpu.memory_space<hbm>> -> memref<16x1000xf32, #tpu.memory_space<hbm>>
      tpu.wait_dma2 semaphore(%arg18 : memref<!tpu.dma_semaphore, #tpu.memory_space<semaphore_mem>>) src(%arg10 : memref<16x1000xf32, #tpu.memory_space<vmem>>) dst(%dma_wait3A_251 : memref<16x1000xf32, #tpu.memory_space<hbm>>)
      tpu.vector_store_idx %arg10[%iota3A, %scan3A_142], %broadcast_in_dim3A_3 : memref<16x1000xf32, #tpu.memory_space<vmem>>[vector<16xi32>, vector<16xi32>], vector<16xf32>,
      %dma_wait3A_252 = arith.constant 0 : i32
      %dma_wait3A_253 = tpu.memref_slice %arg2[%add3A_233, %dma_wait3A_252] : memref<16384x1000xf32, #tpu.memory_space<hbm>> -> memref<16x1000xf32, #tpu.memory_space<hbm>>
      %dma_wait3A_254 = arith.constant 0 : i32
      %dma_wait3A_255 = tpu.memref_slice %arg2[%add3A_233, %dma_wait3A_254] : memref<16384x1000xf32, #tpu.memory_space<hbm>> -> memref<16x1000xf32, #tpu.memory_space<hbm>>
      tpu.wait_dma2 semaphore(%arg14 : memref<!tpu.dma_semaphore, #tpu.memory_space<semaphore_mem>>) src(%dma_wait3A_255 : memref<16x1000xf32, #tpu.memory_space<hbm>>) dst(%arg6 : memref<16x1000xf32, #tpu.memory_space<vmem>>)
      %scan3A_256 = arith.constant 0 : i32
      %scan3A_257 = arith.constant 16 : i32
      %scan3A_258 = arith.addi %scan3A_256, %scan3A_257 : i32
      %scan3A_259 = arith.constant 1 : i32
      %scan3A_260 = scf.for %scan3A_313 = %scan3A_256 to %scan3A_258 step %scan3A_259 iter_args(%scan3A_314 = %broadcast_in_dim3A_9) -> (vector<16xi32>)  : i32 {
        %add3A_315 = arith.constant 0 : i32
        %add3A_316 = arith.addi %add3A_315, %scan3A_313 : i32
        %scan3A_317 = arith.constant 0 : i32
        %scan3A_318 = arith.constant 15 : i32
        %scan3A_319 = arith.addi %scan3A_317, %scan3A_318 : i32
        %scan3A_320 = arith.constant 1 : i32
        %scan3A_321:9 = scf.for %scan3A_396 = %scan3A_317 to %scan3A_319 step %scan3A_320 iter_args(%scan3A_397 = %broadcast_in_dim3A_9, %scan3A_398 = %broadcast_in_dim3A_7, %scan3A_399 = %broadcast_in_dim3A_9, %scan3A_400 = %broadcast_in_dim3A_7, %scan3A_401 = %broadcast_in_dim3A_9, %scan3A_402 = %broadcast_in_dim3A_7, %scan3A_403 = %broadcast_in_dim3A_9, %scan3A_404 = %broadcast_in_dim3A_7, %scan3A_405 = %broadcast_in_dim3A_9) -> (vector<16xi32>, vector<16xf32>, vector<16xi32>, vector<16xf32>, vector<16xi32>, vector<16xf32>, vector<16xi32>, vector<16xf32>, vector<16xi32>)  : i32 {
          %mul3A_406 = arith.constant 64 : i32
          %mul3A_407 = arith.muli %scan3A_396, %mul3A_406 : i32
          %get3A_408 = arith.index_cast %add3A_316 : i32 to index
          %get3A_409 = arith.index_cast %mul3A_407 : i32 to index
          %get3A_410 = tpu.vector_load %arg6[%get3A_408, %get3A_409] {strides = array<i32>} : memref<16x1000xf32, #tpu.memory_space<vmem>>, vector<16xf32>,
          %add3A_411 = arith.constant 16 : i32
          %add3A_412 = arith.addi %mul3A_407, %add3A_411 : i32
          %get3A_413 = arith.index_cast %add3A_316 : i32 to index
          %get3A_414 = arith.index_cast %add3A_412 : i32 to index
          %get3A_415 = tpu.vector_load %arg6[%get3A_413, %get3A_414] {strides = array<i32>} : memref<16x1000xf32, #tpu.memory_space<vmem>>, vector<16xf32>,
          %add3A_416 = arith.constant 32 : i32
          %add3A_417 = arith.addi %mul3A_407, %add3A_416 : i32
          %get3A_418 = arith.index_cast %add3A_316 : i32 to index
          %get3A_419 = arith.index_cast %add3A_417 : i32 to index
          %get3A_420 = tpu.vector_load %arg6[%get3A_418, %get3A_419] {strides = array<i32>} : memref<16x1000xf32, #tpu.memory_space<vmem>>, vector<16xf32>,
          %add3A_421 = arith.constant 48 : i32
          %add3A_422 = arith.addi %mul3A_407, %add3A_421 : i32
          %get3A_423 = arith.index_cast %add3A_316 : i32 to index
          %get3A_424 = arith.index_cast %add3A_422 : i32 to index
          %get3A_425 = tpu.vector_load %arg6[%get3A_423, %get3A_424] {strides = array<i32>} : memref<16x1000xf32, #tpu.memory_space<vmem>>, vector<16xf32>,
          %gt3A_426 = arith.cmpf ogt, %get3A_410, %scan3A_398 : vector<16xf32>
          %gt3A_427 = arith.cmpf ogt, %get3A_415, %scan3A_400 : vector<16xf32>
          %gt3A_428 = arith.cmpf ogt, %get3A_420, %scan3A_402 : vector<16xf32>
          %gt3A_429 = arith.cmpf ogt, %get3A_425, %scan3A_404 : vector<16xf32>
          %add3A_430 = arith.addi %scan3A_397, %broadcast_in_dim3A_23 : vector<16xi32>
          %select_n3A_431 = arith.select %gt3A_426, %get3A_410, %scan3A_398 : vector<16xi1>, vector<16xf32>
          %select_n3A_432 = arith.select %gt3A_426, %scan3A_397, %scan3A_399 : vector<16xi1>, vector<16xi32>
          %select_n3A_433 = arith.select %gt3A_427, %get3A_415, %scan3A_400 : vector<16xi1>, vector<16xf32>
          %select_n3A_434 = arith.select %gt3A_427, %scan3A_397, %scan3A_401 : vector<16xi1>, vector<16xi32>
          %select_n3A_435 = arith.select %gt3A_428, %get3A_420, %scan3A_402 : vector<16xi1>, vector<16xf32>
          %select_n3A_436 = arith.select %gt3A_428, %scan3A_397, %scan3A_403 : vector<16xi1>, vector<16xi32>
          %select_n3A_437 = arith.select %gt3A_429, %get3A_425, %scan3A_404 : vector<16xi1>, vector<16xf32>
          %select_n3A_438 = arith.select %gt3A_429, %scan3A_397, %scan3A_405 : vector<16xi1>, vector<16xi32>
          scf.yield %add3A_430, %select_n3A_431, %select_n3A_432, %select_n3A_433, %select_n3A_434, %select_n3A_435, %select_n3A_436, %select_n3A_437, %select_n3A_438 : vector<16xi32>, vector<16xf32>, vector<16xi32>, vector<16xf32>, vector<16xi32>, vector<16xf32>, vector<16xi32>, vector<16xf32>, vector<16xi32>
        }
        %scan3A_322 = arith.constant 15 : i32
        %shift_left3A = arith.constant 6 : i32
        %shift_left3A_323 = vector.broadcast %shift_left3A : i32 to vector<16xi32>
        %shift_left3A_324 = arith.shli %scan3A_321#2, %shift_left3A_323 : vector<16xi32>
        %add3A_325 = arith.addi %shift_left3A_324, %add3A_12 : vector<16xi32>
        %shift_left3A_326 = arith.constant 6 : i32
        %shift_left3A_327 = vector.broadcast %shift_left3A_326 : i32 to vector<16xi32>
        %shift_left3A_328 = arith.shli %scan3A_321#4, %shift_left3A_327 : vector<16xi32>
        %add3A_329 = arith.addi %shift_left3A_328, %add3A_15 : vector<16xi32>
        %shift_left3A_330 = arith.constant 6 : i32
        %shift_left3A_331 = vector.broadcast %shift_left3A_330 : i32 to vector<16xi32>
        %shift_left3A_332 = arith.shli %scan3A_321#6, %shift_left3A_331 : vector<16xi32>
        %add3A_333 = arith.addi %shift_left3A_332, %add3A_18 : vector<16xi32>
        %shift_left3A_334 = arith.constant 6 : i32
        %shift_left3A_335 = vector.broadcast %shift_left3A_334 : i32 to vector<16xi32>
        %shift_left3A_336 = arith.shli %scan3A_321#8, %shift_left3A_335 : vector<16xi32>
        %add3A_337 = arith.addi %shift_left3A_336, %add3A_21 : vector<16xi32>
        %gt3A = arith.cmpf ogt, %scan3A_321#3, %scan3A_321#1 : vector<16xf32>
        %eq3A = arith.cmpf oeq, %scan3A_321#3, %scan3A_321#1 : vector<16xf32>
        %lt3A = arith.cmpi slt, %add3A_329, %add3A_325 : vector<16xi32>
        %and3A = arith.andi %eq3A, %lt3A : vector<16xi1>
        %or3A = arith.ori %gt3A, %and3A : vector<16xi1>
        %select_n3A = arith.select %or3A, %scan3A_321#3, %scan3A_321#1 : vector<16xi1>, vector<16xf32>
        %select_n3A_338 = arith.select %or3A, %add3A_329, %add3A_325 : vector<16xi1>, vector<16xi32>
        %gt3A_339 = arith.cmpf ogt, %scan3A_321#7, %scan3A_321#5 : vector<16xf32>
        %eq3A_340 = arith.cmpf oeq, %scan3A_321#7, %scan3A_321#5 : vector<16xf32>
        %lt3A_341 = arith.cmpi slt, %add3A_337, %add3A_333 : vector<16xi32>
        %and3A_342 = arith.andi %eq3A_340, %lt3A_341 : vector<16xi1>
        %or3A_343 = arith.ori %gt3A_339, %and3A_342 : vector<16xi1>
        %select_n3A_344 = arith.select %or3A_343, %scan3A_321#7, %scan3A_321#5 : vector<16xi1>, vector<16xf32>
        %select_n3A_345 = arith.select %or3A_343, %add3A_337, %add3A_333 : vector<16xi1>, vector<16xi32>
        %gt3A_346 = arith.cmpf ogt, %select_n3A_344, %select_n3A : vector<16xf32>
        %eq3A_347 = arith.cmpf oeq, %select_n3A_344, %select_n3A : vector<16xf32>
        %lt3A_348 = arith.cmpi slt, %select_n3A_345, %select_n3A_338 : vector<16xi32>
        %and3A_349 = arith.andi %eq3A_347, %lt3A_348 : vector<16xi1>
        %or3A_350 = arith.ori %gt3A_346, %and3A_349 : vector<16xi1>
        %select_n3A_351 = arith.select %or3A_350, %select_n3A_344, %select_n3A : vector<16xi1>, vector<16xf32>
        %select_n3A_352 = arith.select %or3A_350, %select_n3A_345, %select_n3A_338 : vector<16xi1>, vector<16xi32>
        %get3A = arith.index_cast %add3A_316 : i32 to index
        %get3A_353 = arith.constant 960 : index
        %get3A_354 = tpu.vector_load %arg6[%get3A, %get3A_353] {strides = array<i32>} : memref<16x1000xf32, #tpu.memory_space<vmem>>, vector<16xf32>,
        %gt3A_355 = arith.cmpf ogt, %get3A_354, %select_n3A_351 : vector<16xf32>
        %select_n3A_356 = arith.select %gt3A_355, %get3A_354, %select_n3A_351 : vector<16xi1>, vector<16xf32>
        %add3A_357 = arith.constant 960 : i32
        %add3A_358 = vector.broadcast %add3A_357 : i32 to vector<16xi32>
        %add3A_359 = arith.addi %add3A_358, %iota3A : vector<16xi32>
        %select_n3A_360 = arith.select %gt3A_355, %add3A_359, %select_n3A_352 : vector<16xi1>, vector<16xi32>
        %get3A_361 = arith.index_cast %add3A_316 : i32 to index
        %get3A_362 = arith.constant 976 : index
        %get3A_363 = tpu.vector_load %arg6[%get3A_361, %get3A_362] {strides = array<i32>} : memref<16x1000xf32, #tpu.memory_space<vmem>>, vector<16xf32>,
        %gt3A_364 = arith.cmpf ogt, %get3A_363, %select_n3A_356 : vector<16xf32>
        %select_n3A_365 = arith.select %gt3A_364, %get3A_363, %select_n3A_356 : vector<16xi1>, vector<16xf32>
        %add3A_366 = arith.constant 976 : i32
        %add3A_367 = vector.broadcast %add3A_366 : i32 to vector<16xi32>
        %add3A_368 = arith.addi %add3A_367, %iota3A : vector<16xi32>
        %select_n3A_369 = arith.select %gt3A_364, %add3A_368, %select_n3A_360 : vector<16xi1>, vector<16xi32>
        %get3A_370 = arith.index_cast %add3A_316 : i32 to index
        %get3A_371 = arith.constant 984 : index
        %get3A_372 = tpu.vector_load %arg6[%get3A_370, %get3A_371] {strides = array<i32>} : memref<16x1000xf32, #tpu.memory_space<vmem>>, vector<16xf32>,
        %gt3A_373 = arith.cmpf ogt, %get3A_372, %select_n3A_365 : vector<16xf32>
        %select_n3A_374 = arith.select %gt3A_373, %get3A_372, %select_n3A_365 : vector<16xi1>, vector<16xf32>
        %add3A_375 = arith.constant 984 : i32
        %add3A_376 = vector.broadcast %add3A_375 : i32 to vector<16xi32>
        %add3A_377 = arith.addi %add3A_376, %iota3A : vector<16xi32>
        %select_n3A_378 = arith.select %gt3A_373, %add3A_377, %select_n3A_369 : vector<16xi1>, vector<16xi32>
        %reduce_max3A = arith.constant true
        %reduce_max3A_379 = vector.broadcast %reduce_max3A : i1 to vector<16xi1>
        %reduce_max3A_380 = tpu.scan <max>, %select_n3A_374 masked %reduce_max3A_379 : vector<16xf32>, vector<16xi1> -> vector<16xf32>
        %reduce_max3A_381 = vector.extract %reduce_max3A_380[15] : f32 from vector<16xf32>
        %eq3A_382 = vector.broadcast %reduce_max3A_381 : f32 to vector<16xf32>
        %eq3A_383 = arith.cmpf oeq, %select_n3A_374, %eq3A_382 : vector<16xf32>
        %select_n3A_384 = arith.select %eq3A_383, %select_n3A_378, %broadcast_in_dim3A_25 : vector<16xi1>, vector<16xi32>
        %reduce_min3A = arith.constant true
        %reduce_min3A_385 = vector.broadcast %reduce_min3A : i1 to vector<16xi1>
        %reduce_min3A_386 = arith.constant -2147483648 : i32
        %reduce_min3A_387 = vector.broadcast %reduce_min3A_386 : i32 to vector<16xi32>
        %reduce_min3A_388 = arith.xori %select_n3A_384, %reduce_min3A_387 : vector<16xi32>
        %reduce_min3A_389 = tpu.scan <min>, %reduce_min3A_388 masked %reduce_min3A_385 : vector<16xi32>, vector<16xi1> -> vector<16xi32>
        %reduce_min3A_390 = arith.xori %reduce_min3A_389, %reduce_min3A_387 : vector<16xi32>
        %reduce_min3A_391 = vector.extract %reduce_min3A_390[15] : i32 from vector<16xi32>
        %eq3A_392 = vector.broadcast %scan3A_313 : i32 to vector<16xi32>
        %eq3A_393 = arith.cmpi eq, %iota3A, %eq3A_392 : vector<16xi32>
        %broadcast_in_dim3A_394 = vector.broadcast %reduce_min3A_391 : i32 to vector<16xi32>
        %select_n3A_395 = arith.select %eq3A_393, %broadcast_in_dim3A_394, %scan3A_314 : vector<16xi1>, vector<16xi32>
        scf.yield %select_n3A_395 : vector<16xi32>
      }
      %scan3A_261 = arith.constant 16 : i32
      %dma_start3A_262 = arith.constant 0 : i32
      %dma_start3A_263 = tpu.memref_slice %arg2[%add3A_247, %dma_start3A_262] : memref<16384x1000xf32, #tpu.memory_space<hbm>> -> memref<16x1000xf32, #tpu.memory_space<hbm>>
      %dma_start3A_264 = arith.constant 0 : i32
      %dma_start3A_265 = tpu.memref_slice %arg2[%add3A_247, %dma_start3A_264] : memref<16384x1000xf32, #tpu.memory_space<hbm>> -> memref<16x1000xf32, #tpu.memory_space<hbm>>
      tpu.enqueue_dma source(%dma_start3A_265 : memref<16x1000xf32, #tpu.memory_space<hbm>>) target(%arg6 : memref<16x1000xf32, #tpu.memory_space<vmem>>) target_semaphore(%arg14 : memref<!tpu.dma_semaphore, #tpu.memory_space<semaphore_mem>>)
      tpu.vector_store_idx %arg10[%iota3A, %scan3A_260], %broadcast_in_dim3A_5 : memref<16x1000xf32, #tpu.memory_space<vmem>>[vector<16xi32>, vector<16xi32>], vector<16xf32>,
      %dma_start3A_266 = arith.constant 0 : i32
      %dma_start3A_267 = tpu.memref_slice %arg3[%add3A_233, %dma_start3A_266] : memref<16384x1000xf32, #tpu.memory_space<hbm>> -> memref<16x1000xf32, #tpu.memory_space<hbm>>
      %dma_start3A_268 = arith.constant 0 : i32
      %dma_start3A_269 = tpu.memref_slice %arg3[%add3A_233, %dma_start3A_268] : memref<16384x1000xf32, #tpu.memory_space<hbm>> -> memref<16x1000xf32, #tpu.memory_space<hbm>>
      tpu.enqueue_dma source(%arg10 : memref<16x1000xf32, #tpu.memory_space<vmem>>) target(%dma_start3A_269 : memref<16x1000xf32, #tpu.memory_space<hbm>>) target_semaphore(%arg18 : memref<!tpu.dma_semaphore, #tpu.memory_space<semaphore_mem>>)
      %mul3A_270 = arith.constant 4 : i32
      %mul3A_271 = arith.muli %mul3A_270, %scan3A_139 : i32
      %add3A_272 = arith.constant 3 : i32
      %add3A_273 = arith.addi %mul3A_271, %add3A_272 : i32
      %mul3A_274 = arith.constant 16 : i32
      %mul3A_275 = arith.muli %add3A_273, %mul3A_274 : i32
      %add3A_276 = arith.addi %mul3A_2, %mul3A_275 : i32
      %sub3A_277 = arith.constant 4 : i32
      %sub3A_278 = arith.subi %add3A_273, %sub3A_277 : i32
      %max3A_279 = arith.constant 0 : i32
      %max3A_280 = arith.maxsi %sub3A_278, %max3A_279 : i32
      %mul3A_281 = arith.constant 16 : i32
      %mul3A_282 = arith.muli %max3A_280, %mul3A_281 : i32
      %add3A_283 = arith.addi %mul3A_2, %mul3A_282 : i32
      %add3A_284 = arith.constant 4 : i32
      %add3A_285 = arith.addi %add3A_273, %add3A_284 : i32
      %min3A_286 = arith.constant 31 : i32
      %min3A_287 = arith.minsi %add3A_285, %min3A_286 : i32
      %mul3A_288 = arith.constant 16 : i32
      %mul3A_289 = arith.muli %min3A_287, %mul3A_288 : i32
      %add3A_290 = arith.addi %mul3A_2, %mul3A_289 : i32
      %dma_wait3A_291 = arith.constant 0 : i32
      %dma_wait3A_292 = tpu.memref_slice %arg3[%add3A_283, %dma_wait3A_291] : memref<16384x1000xf32, #tpu.memory_space<hbm>> -> memref<16x1000xf32, #tpu.memory_space<hbm>>
      %dma_wait3A_293 = arith.constant 0 : i32
      %dma_wait3A_294 = tpu.memref_slice %arg3[%add3A_283, %dma_wait3A_293] : memref<16384x1000xf32, #tpu.memory_space<hbm>> -> memref<16x1000xf32, #tpu.memory_space<hbm>>
      tpu.wait_dma2 semaphore(%arg19 : memref<!tpu.dma_semaphore, #tpu.memory_space<semaphore_mem>>) src(%arg11 : memref<16x1000xf32, #tpu.memory_space<vmem>>) dst(%dma_wait3A_294 : memref<16x1000xf32, #tpu.memory_space<hbm>>)
      tpu.vector_store_idx %arg11[%iota3A, %scan3A_143], %broadcast_in_dim3A_3 : memref<16x1000xf32, #tpu.memory_space<vmem>>[vector<16xi32>, vector<16xi32>], vector<16xf32>,
      %dma_wait3A_295 = arith.constant 0 : i32
      %dma_wait3A_296 = tpu.memref_slice %arg2[%add3A_276, %dma_wait3A_295] : memref<16384x1000xf32, #tpu.memory_space<hbm>> -> memref<16x1000xf32, #tpu.memory_space<hbm>>
      %dma_wait3A_297 = arith.constant 0 : i32
      %dma_wait3A_298 = tpu.memref_slice %arg2[%add3A_276, %dma_wait3A_297] : memref<16384x1000xf32, #tpu.memory_space<hbm>> -> memref<16x1000xf32, #tpu.memory_space<hbm>>
      tpu.wait_dma2 semaphore(%arg15 : memref<!tpu.dma_semaphore, #tpu.memory_space<semaphore_mem>>) src(%dma_wait3A_298 : memref<16x1000xf32, #tpu.memory_space<hbm>>) dst(%arg7 : memref<16x1000xf32, #tpu.memory_space<vmem>>)
      %scan3A_299 = arith.constant 0 : i32
      %scan3A_300 = arith.constant 16 : i32
      %scan3A_301 = arith.addi %scan3A_299, %scan3A_300 : i32
      %scan3A_302 = arith.constant 1 : i32
      %scan3A_303 = scf.for %scan3A_313 = %scan3A_299 to %scan3A_301 step %scan3A_302 iter_args(%scan3A_314 = %broadcast_in_dim3A_9) -> (vector<16xi32>)  : i32 {
        %add3A_315 = arith.constant 0 : i32
        %add3A_316 = arith.addi %add3A_315, %scan3A_313 : i32
        %scan3A_317 = arith.constant 0 : i32
        %scan3A_318 = arith.constant 15 : i32
        %scan3A_319 = arith.addi %scan3A_317, %scan3A_318 : i32
        %scan3A_320 = arith.constant 1 : i32
        %scan3A_321:9 = scf.for %scan3A_396 = %scan3A_317 to %scan3A_319 step %scan3A_320 iter_args(%scan3A_397 = %broadcast_in_dim3A_9, %scan3A_398 = %broadcast_in_dim3A_7, %scan3A_399 = %broadcast_in_dim3A_9, %scan3A_400 = %broadcast_in_dim3A_7, %scan3A_401 = %broadcast_in_dim3A_9, %scan3A_402 = %broadcast_in_dim3A_7, %scan3A_403 = %broadcast_in_dim3A_9, %scan3A_404 = %broadcast_in_dim3A_7, %scan3A_405 = %broadcast_in_dim3A_9) -> (vector<16xi32>, vector<16xf32>, vector<16xi32>, vector<16xf32>, vector<16xi32>, vector<16xf32>, vector<16xi32>, vector<16xf32>, vector<16xi32>)  : i32 {
          %mul3A_406 = arith.constant 64 : i32
          %mul3A_407 = arith.muli %scan3A_396, %mul3A_406 : i32
          %get3A_408 = arith.index_cast %add3A_316 : i32 to index
          %get3A_409 = arith.index_cast %mul3A_407 : i32 to index
          %get3A_410 = tpu.vector_load %arg7[%get3A_408, %get3A_409] {strides = array<i32>} : memref<16x1000xf32, #tpu.memory_space<vmem>>, vector<16xf32>,
          %add3A_411 = arith.constant 16 : i32
          %add3A_412 = arith.addi %mul3A_407, %add3A_411 : i32
          %get3A_413 = arith.index_cast %add3A_316 : i32 to index
          %get3A_414 = arith.index_cast %add3A_412 : i32 to index
          %get3A_415 = tpu.vector_load %arg7[%get3A_413, %get3A_414] {strides = array<i32>} : memref<16x1000xf32, #tpu.memory_space<vmem>>, vector<16xf32>,
          %add3A_416 = arith.constant 32 : i32
          %add3A_417 = arith.addi %mul3A_407, %add3A_416 : i32
          %get3A_418 = arith.index_cast %add3A_316 : i32 to index
          %get3A_419 = arith.index_cast %add3A_417 : i32 to index
          %get3A_420 = tpu.vector_load %arg7[%get3A_418, %get3A_419] {strides = array<i32>} : memref<16x1000xf32, #tpu.memory_space<vmem>>, vector<16xf32>,
          %add3A_421 = arith.constant 48 : i32
          %add3A_422 = arith.addi %mul3A_407, %add3A_421 : i32
          %get3A_423 = arith.index_cast %add3A_316 : i32 to index
          %get3A_424 = arith.index_cast %add3A_422 : i32 to index
          %get3A_425 = tpu.vector_load %arg7[%get3A_423, %get3A_424] {strides = array<i32>} : memref<16x1000xf32, #tpu.memory_space<vmem>>, vector<16xf32>,
          %gt3A_426 = arith.cmpf ogt, %get3A_410, %scan3A_398 : vector<16xf32>
          %gt3A_427 = arith.cmpf ogt, %get3A_415, %scan3A_400 : vector<16xf32>
          %gt3A_428 = arith.cmpf ogt, %get3A_420, %scan3A_402 : vector<16xf32>
          %gt3A_429 = arith.cmpf ogt, %get3A_425, %scan3A_404 : vector<16xf32>
          %add3A_430 = arith.addi %scan3A_397, %broadcast_in_dim3A_23 : vector<16xi32>
          %select_n3A_431 = arith.select %gt3A_426, %get3A_410, %scan3A_398 : vector<16xi1>, vector<16xf32>
          %select_n3A_432 = arith.select %gt3A_426, %scan3A_397, %scan3A_399 : vector<16xi1>, vector<16xi32>
          %select_n3A_433 = arith.select %gt3A_427, %get3A_415, %scan3A_400 : vector<16xi1>, vector<16xf32>
          %select_n3A_434 = arith.select %gt3A_427, %scan3A_397, %scan3A_401 : vector<16xi1>, vector<16xi32>
          %select_n3A_435 = arith.select %gt3A_428, %get3A_420, %scan3A_402 : vector<16xi1>, vector<16xf32>
          %select_n3A_436 = arith.select %gt3A_428, %scan3A_397, %scan3A_403 : vector<16xi1>, vector<16xi32>
          %select_n3A_437 = arith.select %gt3A_429, %get3A_425, %scan3A_404 : vector<16xi1>, vector<16xf32>
          %select_n3A_438 = arith.select %gt3A_429, %scan3A_397, %scan3A_405 : vector<16xi1>, vector<16xi32>
          scf.yield %add3A_430, %select_n3A_431, %select_n3A_432, %select_n3A_433, %select_n3A_434, %select_n3A_435, %select_n3A_436, %select_n3A_437, %select_n3A_438 : vector<16xi32>, vector<16xf32>, vector<16xi32>, vector<16xf32>, vector<16xi32>, vector<16xf32>, vector<16xi32>, vector<16xf32>, vector<16xi32>
        }
        %scan3A_322 = arith.constant 15 : i32
        %shift_left3A = arith.constant 6 : i32
        %shift_left3A_323 = vector.broadcast %shift_left3A : i32 to vector<16xi32>
        %shift_left3A_324 = arith.shli %scan3A_321#2, %shift_left3A_323 : vector<16xi32>
        %add3A_325 = arith.addi %shift_left3A_324, %add3A_12 : vector<16xi32>
        %shift_left3A_326 = arith.constant 6 : i32
        %shift_left3A_327 = vector.broadcast %shift_left3A_326 : i32 to vector<16xi32>
        %shift_left3A_328 = arith.shli %scan3A_321#4, %shift_left3A_327 : vector<16xi32>
        %add3A_329 = arith.addi %shift_left3A_328, %add3A_15 : vector<16xi32>
        %shift_left3A_330 = arith.constant 6 : i32
        %shift_left3A_331 = vector.broadcast %shift_left3A_330 : i32 to vector<16xi32>
        %shift_left3A_332 = arith.shli %scan3A_321#6, %shift_left3A_331 : vector<16xi32>
        %add3A_333 = arith.addi %shift_left3A_332, %add3A_18 : vector<16xi32>
        %shift_left3A_334 = arith.constant 6 : i32
        %shift_left3A_335 = vector.broadcast %shift_left3A_334 : i32 to vector<16xi32>
        %shift_left3A_336 = arith.shli %scan3A_321#8, %shift_left3A_335 : vector<16xi32>
        %add3A_337 = arith.addi %shift_left3A_336, %add3A_21 : vector<16xi32>
        %gt3A = arith.cmpf ogt, %scan3A_321#3, %scan3A_321#1 : vector<16xf32>
        %eq3A = arith.cmpf oeq, %scan3A_321#3, %scan3A_321#1 : vector<16xf32>
        %lt3A = arith.cmpi slt, %add3A_329, %add3A_325 : vector<16xi32>
        %and3A = arith.andi %eq3A, %lt3A : vector<16xi1>
        %or3A = arith.ori %gt3A, %and3A : vector<16xi1>
        %select_n3A = arith.select %or3A, %scan3A_321#3, %scan3A_321#1 : vector<16xi1>, vector<16xf32>
        %select_n3A_338 = arith.select %or3A, %add3A_329, %add3A_325 : vector<16xi1>, vector<16xi32>
        %gt3A_339 = arith.cmpf ogt, %scan3A_321#7, %scan3A_321#5 : vector<16xf32>
        %eq3A_340 = arith.cmpf oeq, %scan3A_321#7, %scan3A_321#5 : vector<16xf32>
        %lt3A_341 = arith.cmpi slt, %add3A_337, %add3A_333 : vector<16xi32>
        %and3A_342 = arith.andi %eq3A_340, %lt3A_341 : vector<16xi1>
        %or3A_343 = arith.ori %gt3A_339, %and3A_342 : vector<16xi1>
        %select_n3A_344 = arith.select %or3A_343, %scan3A_321#7, %scan3A_321#5 : vector<16xi1>, vector<16xf32>
        %select_n3A_345 = arith.select %or3A_343, %add3A_337, %add3A_333 : vector<16xi1>, vector<16xi32>
        %gt3A_346 = arith.cmpf ogt, %select_n3A_344, %select_n3A : vector<16xf32>
        %eq3A_347 = arith.cmpf oeq, %select_n3A_344, %select_n3A : vector<16xf32>
        %lt3A_348 = arith.cmpi slt, %select_n3A_345, %select_n3A_338 : vector<16xi32>
        %and3A_349 = arith.andi %eq3A_347, %lt3A_348 : vector<16xi1>
        %or3A_350 = arith.ori %gt3A_346, %and3A_349 : vector<16xi1>
        %select_n3A_351 = arith.select %or3A_350, %select_n3A_344, %select_n3A : vector<16xi1>, vector<16xf32>
        %select_n3A_352 = arith.select %or3A_350, %select_n3A_345, %select_n3A_338 : vector<16xi1>, vector<16xi32>
        %get3A = arith.index_cast %add3A_316 : i32 to index
        %get3A_353 = arith.constant 960 : index
        %get3A_354 = tpu.vector_load %arg7[%get3A, %get3A_353] {strides = array<i32>} : memref<16x1000xf32, #tpu.memory_space<vmem>>, vector<16xf32>,
        %gt3A_355 = arith.cmpf ogt, %get3A_354, %select_n3A_351 : vector<16xf32>
        %select_n3A_356 = arith.select %gt3A_355, %get3A_354, %select_n3A_351 : vector<16xi1>, vector<16xf32>
        %add3A_357 = arith.constant 960 : i32
        %add3A_358 = vector.broadcast %add3A_357 : i32 to vector<16xi32>
        %add3A_359 = arith.addi %add3A_358, %iota3A : vector<16xi32>
        %select_n3A_360 = arith.select %gt3A_355, %add3A_359, %select_n3A_352 : vector<16xi1>, vector<16xi32>
        %get3A_361 = arith.index_cast %add3A_316 : i32 to index
        %get3A_362 = arith.constant 976 : index
        %get3A_363 = tpu.vector_load %arg7[%get3A_361, %get3A_362] {strides = array<i32>} : memref<16x1000xf32, #tpu.memory_space<vmem>>, vector<16xf32>,
        %gt3A_364 = arith.cmpf ogt, %get3A_363, %select_n3A_356 : vector<16xf32>
        %select_n3A_365 = arith.select %gt3A_364, %get3A_363, %select_n3A_356 : vector<16xi1>, vector<16xf32>
        %add3A_366 = arith.constant 976 : i32
        %add3A_367 = vector.broadcast %add3A_366 : i32 to vector<16xi32>
        %add3A_368 = arith.addi %add3A_367, %iota3A : vector<16xi32>
        %select_n3A_369 = arith.select %gt3A_364, %add3A_368, %select_n3A_360 : vector<16xi1>, vector<16xi32>
        %get3A_370 = arith.index_cast %add3A_316 : i32 to index
        %get3A_371 = arith.constant 984 : index
        %get3A_372 = tpu.vector_load %arg7[%get3A_370, %get3A_371] {strides = array<i32>} : memref<16x1000xf32, #tpu.memory_space<vmem>>, vector<16xf32>,
        %gt3A_373 = arith.cmpf ogt, %get3A_372, %select_n3A_365 : vector<16xf32>
        %select_n3A_374 = arith.select %gt3A_373, %get3A_372, %select_n3A_365 : vector<16xi1>, vector<16xf32>
        %add3A_375 = arith.constant 984 : i32
        %add3A_376 = vector.broadcast %add3A_375 : i32 to vector<16xi32>
        %add3A_377 = arith.addi %add3A_376, %iota3A : vector<16xi32>
        %select_n3A_378 = arith.select %gt3A_373, %add3A_377, %select_n3A_369 : vector<16xi1>, vector<16xi32>
        %reduce_max3A = arith.constant true
        %reduce_max3A_379 = vector.broadcast %reduce_max3A : i1 to vector<16xi1>
        %reduce_max3A_380 = tpu.scan <max>, %select_n3A_374 masked %reduce_max3A_379 : vector<16xf32>, vector<16xi1> -> vector<16xf32>
        %reduce_max3A_381 = vector.extract %reduce_max3A_380[15] : f32 from vector<16xf32>
        %eq3A_382 = vector.broadcast %reduce_max3A_381 : f32 to vector<16xf32>
        %eq3A_383 = arith.cmpf oeq, %select_n3A_374, %eq3A_382 : vector<16xf32>
        %select_n3A_384 = arith.select %eq3A_383, %select_n3A_378, %broadcast_in_dim3A_25 : vector<16xi1>, vector<16xi32>
        %reduce_min3A = arith.constant true
        %reduce_min3A_385 = vector.broadcast %reduce_min3A : i1 to vector<16xi1>
        %reduce_min3A_386 = arith.constant -2147483648 : i32
        %reduce_min3A_387 = vector.broadcast %reduce_min3A_386 : i32 to vector<16xi32>
        %reduce_min3A_388 = arith.xori %select_n3A_384, %reduce_min3A_387 : vector<16xi32>
        %reduce_min3A_389 = tpu.scan <min>, %reduce_min3A_388 masked %reduce_min3A_385 : vector<16xi32>, vector<16xi1> -> vector<16xi32>
        %reduce_min3A_390 = arith.xori %reduce_min3A_389, %reduce_min3A_387 : vector<16xi32>
        %reduce_min3A_391 = vector.extract %reduce_min3A_390[15] : i32 from vector<16xi32>
        %eq3A_392 = vector.broadcast %scan3A_313 : i32 to vector<16xi32>
        %eq3A_393 = arith.cmpi eq, %iota3A, %eq3A_392 : vector<16xi32>
        %broadcast_in_dim3A_394 = vector.broadcast %reduce_min3A_391 : i32 to vector<16xi32>
        %select_n3A_395 = arith.select %eq3A_393, %broadcast_in_dim3A_394, %scan3A_314 : vector<16xi1>, vector<16xi32>
        scf.yield %select_n3A_395 : vector<16xi32>
      }
      %scan3A_304 = arith.constant 16 : i32
      %dma_start3A_305 = arith.constant 0 : i32
      %dma_start3A_306 = tpu.memref_slice %arg2[%add3A_290, %dma_start3A_305] : memref<16384x1000xf32, #tpu.memory_space<hbm>> -> memref<16x1000xf32, #tpu.memory_space<hbm>>
      %dma_start3A_307 = arith.constant 0 : i32
      %dma_start3A_308 = tpu.memref_slice %arg2[%add3A_290, %dma_start3A_307] : memref<16384x1000xf32, #tpu.memory_space<hbm>> -> memref<16x1000xf32, #tpu.memory_space<hbm>>
      tpu.enqueue_dma source(%dma_start3A_308 : memref<16x1000xf32, #tpu.memory_space<hbm>>) target(%arg7 : memref<16x1000xf32, #tpu.memory_space<vmem>>) target_semaphore(%arg15 : memref<!tpu.dma_semaphore, #tpu.memory_space<semaphore_mem>>)
      tpu.vector_store_idx %arg11[%iota3A, %scan3A_303], %broadcast_in_dim3A_5 : memref<16x1000xf32, #tpu.memory_space<vmem>>[vector<16xi32>, vector<16xi32>], vector<16xf32>,
      %dma_start3A_309 = arith.constant 0 : i32
      %dma_start3A_310 = tpu.memref_slice %arg3[%add3A_276, %dma_start3A_309] : memref<16384x1000xf32, #tpu.memory_space<hbm>> -> memref<16x1000xf32, #tpu.memory_space<hbm>>
      %dma_start3A_311 = arith.constant 0 : i32
      %dma_start3A_312 = tpu.memref_slice %arg3[%add3A_276, %dma_start3A_311] : memref<16384x1000xf32, #tpu.memory_space<hbm>> -> memref<16x1000xf32, #tpu.memory_space<hbm>>
      tpu.enqueue_dma source(%arg11 : memref<16x1000xf32, #tpu.memory_space<vmem>>) target(%dma_start3A_312 : memref<16x1000xf32, #tpu.memory_space<hbm>>) target_semaphore(%arg19 : memref<!tpu.dma_semaphore, #tpu.memory_space<semaphore_mem>>)
      scf.yield %scan3A_174, %scan3A_217, %scan3A_260, %scan3A_303 : vector<16xi32>, vector<16xi32>, vector<16xi32>, vector<16xi32>
    }
    %scan3A_97 = arith.constant 8 : i32
    %add3A_98 = arith.constant 496 : i32
    %add3A_99 = arith.addi %mul3A_2, %add3A_98 : i32
    %add3A_100 = arith.constant 448 : i32
    %add3A_101 = arith.addi %mul3A_2, %add3A_100 : i32
    %dma_wait3A = arith.constant 0 : i32
    %dma_wait3A_102 = tpu.memref_slice %arg3[%add3A_101, %dma_wait3A] : memref<16384x1000xf32, #tpu.memory_space<hbm>> -> memref<16x1000xf32, #tpu.memory_space<hbm>>
    %dma_wait3A_103 = arith.constant 0 : i32
    %dma_wait3A_104 = tpu.memref_slice %arg3[%add3A_101, %dma_wait3A_103] : memref<16384x1000xf32, #tpu.memory_space<hbm>> -> memref<16x1000xf32, #tpu.memory_space<hbm>>
    tpu.wait_dma2 semaphore(%arg16 : memref<!tpu.dma_semaphore, #tpu.memory_space<semaphore_mem>>) src(%arg8 : memref<16x1000xf32, #tpu.memory_space<vmem>>) dst(%dma_wait3A_104 : memref<16x1000xf32, #tpu.memory_space<hbm>>)
    %dma_wait3A_105 = arith.constant 0 : i32
    %dma_wait3A_106 = tpu.memref_slice %arg2[%add3A_99, %dma_wait3A_105] : memref<16384x1000xf32, #tpu.memory_space<hbm>> -> memref<16x1000xf32, #tpu.memory_space<hbm>>
    %dma_wait3A_107 = arith.constant 0 : i32
    %dma_wait3A_108 = tpu.memref_slice %arg2[%add3A_99, %dma_wait3A_107] : memref<16384x1000xf32, #tpu.memory_space<hbm>> -> memref<16x1000xf32, #tpu.memory_space<hbm>>
    tpu.wait_dma2 semaphore(%arg12 : memref<!tpu.dma_semaphore, #tpu.memory_space<semaphore_mem>>) src(%dma_wait3A_108 : memref<16x1000xf32, #tpu.memory_space<hbm>>) dst(%arg4 : memref<16x1000xf32, #tpu.memory_space<vmem>>)
    %add3A_109 = arith.constant 464 : i32
    %add3A_110 = arith.addi %mul3A_2, %add3A_109 : i32
    %dma_wait3A_111 = arith.constant 0 : i32
    %dma_wait3A_112 = tpu.memref_slice %arg3[%add3A_110, %dma_wait3A_111] : memref<16384x1000xf32, #tpu.memory_space<hbm>> -> memref<16x1000xf32, #tpu.memory_space<hbm>>
    %dma_wait3A_113 = arith.constant 0 : i32
    %dma_wait3A_114 = tpu.memref_slice %arg3[%add3A_110, %dma_wait3A_113] : memref<16384x1000xf32, #tpu.memory_space<hbm>> -> memref<16x1000xf32, #tpu.memory_space<hbm>>
    tpu.wait_dma2 semaphore(%arg17 : memref<!tpu.dma_semaphore, #tpu.memory_space<semaphore_mem>>) src(%arg9 : memref<16x1000xf32, #tpu.memory_space<vmem>>) dst(%dma_wait3A_114 : memref<16x1000xf32, #tpu.memory_space<hbm>>)
    %dma_wait3A_115 = arith.constant 0 : i32
    %dma_wait3A_116 = tpu.memref_slice %arg2[%add3A_99, %dma_wait3A_115] : memref<16384x1000xf32, #tpu.memory_space<hbm>> -> memref<16x1000xf32, #tpu.memory_space<hbm>>
    %dma_wait3A_117 = arith.constant 0 : i32
    %dma_wait3A_118 = tpu.memref_slice %arg2[%add3A_99, %dma_wait3A_117] : memref<16384x1000xf32, #tpu.memory_space<hbm>> -> memref<16x1000xf32, #tpu.memory_space<hbm>>
    tpu.wait_dma2 semaphore(%arg13 : memref<!tpu.dma_semaphore, #tpu.memory_space<semaphore_mem>>) src(%dma_wait3A_118 : memref<16x1000xf32, #tpu.memory_space<hbm>>) dst(%arg5 : memref<16x1000xf32, #tpu.memory_space<vmem>>)
    %add3A_119 = arith.constant 480 : i32
    %add3A_120 = arith.addi %mul3A_2, %add3A_119 : i32
    %dma_wait3A_121 = arith.constant 0 : i32
    %dma_wait3A_122 = tpu.memref_slice %arg3[%add3A_120, %dma_wait3A_121] : memref<16384x1000xf32, #tpu.memory_space<hbm>> -> memref<16x1000xf32, #tpu.memory_space<hbm>>
    %dma_wait3A_123 = arith.constant 0 : i32
    %dma_wait3A_124 = tpu.memref_slice %arg3[%add3A_120, %dma_wait3A_123] : memref<16384x1000xf32, #tpu.memory_space<hbm>> -> memref<16x1000xf32, #tpu.memory_space<hbm>>
    tpu.wait_dma2 semaphore(%arg18 : memref<!tpu.dma_semaphore, #tpu.memory_space<semaphore_mem>>) src(%arg10 : memref<16x1000xf32, #tpu.memory_space<vmem>>) dst(%dma_wait3A_124 : memref<16x1000xf32, #tpu.memory_space<hbm>>)
    %dma_wait3A_125 = arith.constant 0 : i32
    %dma_wait3A_126 = tpu.memref_slice %arg2[%add3A_99, %dma_wait3A_125] : memref<16384x1000xf32, #tpu.memory_space<hbm>> -> memref<16x1000xf32, #tpu.memory_space<hbm>>
    %dma_wait3A_127 = arith.constant 0 : i32
    %dma_wait3A_128 = tpu.memref_slice %arg2[%add3A_99, %dma_wait3A_127] : memref<16384x1000xf32, #tpu.memory_space<hbm>> -> memref<16x1000xf32, #tpu.memory_space<hbm>>
    tpu.wait_dma2 semaphore(%arg14 : memref<!tpu.dma_semaphore, #tpu.memory_space<semaphore_mem>>) src(%dma_wait3A_128 : memref<16x1000xf32, #tpu.memory_space<hbm>>) dst(%arg6 : memref<16x1000xf32, #tpu.memory_space<vmem>>)
    %add3A_129 = arith.constant 496 : i32
    %add3A_130 = arith.addi %mul3A_2, %add3A_129 : i32
    %dma_wait3A_131 = arith.constant 0 : i32
    %dma_wait3A_132 = tpu.memref_slice %arg3[%add3A_130, %dma_wait3A_131] : memref<16384x1000xf32, #tpu.memory_space<hbm>> -> memref<16x1000xf32, #tpu.memory_space<hbm>>
    %dma_wait3A_133 = arith.constant 0 : i32
    %dma_wait3A_134 = tpu.memref_slice %arg3[%add3A_130, %dma_wait3A_133] : memref<16384x1000xf32, #tpu.memory_space<hbm>> -> memref<16x1000xf32, #tpu.memory_space<hbm>>
    tpu.wait_dma2 semaphore(%arg19 : memref<!tpu.dma_semaphore, #tpu.memory_space<semaphore_mem>>) src(%arg11 : memref<16x1000xf32, #tpu.memory_space<vmem>>) dst(%dma_wait3A_134 : memref<16x1000xf32, #tpu.memory_space<hbm>>)
    %dma_wait3A_135 = arith.constant 0 : i32
    %dma_wait3A_136 = tpu.memref_slice %arg2[%add3A_99, %dma_wait3A_135] : memref<16384x1000xf32, #tpu.memory_space<hbm>> -> memref<16x1000xf32, #tpu.memory_space<hbm>>
    %dma_wait3A_137 = arith.constant 0 : i32
    %dma_wait3A_138 = tpu.memref_slice %arg2[%add3A_99, %dma_wait3A_137] : memref<16384x1000xf32, #tpu.memory_space<hbm>> -> memref<16x1000xf32, #tpu.memory_space<hbm>>
    tpu.wait_dma2 semaphore(%arg15 : memref<!tpu.dma_semaphore, #tpu.memory_space<semaphore_mem>>) src(%dma_wait3A_138 : memref<16x1000xf32, #tpu.memory_space<hbm>>) dst(%arg7 : memref<16x1000xf32, #tpu.memory_space<vmem>>)
    return
  }
}

</mosaic_0001>

<sc_bundles>
// kernel: kernel.3.cloned.1.call-start
scs
__scs_entry_jumppad:
0x0: {  	(pc) =	sbr.rel $0x88, $3  }
0x1: {  	(tag) =	ssettag $0x0;
	lr =	simm.s32 $0x1  }
0x2: {  	[smem:$0x3FA0] =	sst lr;
	_ =	strace $0xD0000000  }
0x3: {  	_ = 	snop  }
0x4: {  	_ = 	snop  }
0x5: {  	_ = 	snop  }
0x6: {  	_ = 	snop  }
0x7: {  	_ = 	snop  }
__scs_overlays_trampoline_lowered:
0x8: {  	[smem:$0x3FAF] =	sst s0  }
0x9: {  	[smem:$0x3FB0] =	sst s1  }
0xa: {  	[smem:$0x3FB1] =	sst s2  }
0xb: {  	[smem:$0x3FB2] =	sst s3  }
0xc: {  	[smem:$0x3FB3] =	sst s4  }
0xd: {  	[smem:$0x3FB4] =	sst s5  }
0xe: {  	[smem:$0x3FB5] =	sst s6  }
0xf: {  	[smem:$0x3FB6] =	sst s7  }
0x10: {  	[smem:$0x3FB7] =	sst s8  }
0x11: {  	[smem:$0x3FB8] =	sst s9;
	s0 =	simm.s32 @!p0 $0x0  }
0x12: {  	s1 =	sld [smem:$0x3F9E];
	s0 =	simm.s32 @p0 $0x1  }
0x13: {  	[smem:$0x3FB9] =	sst s0;
	s0 =	simm.s32 @!p1 $0x0  }
0x14: {  	s2 =	sld [smem:$0x3F9D];
	s0 =	simm.s32 @p1 $0x1  }
0x15: {  	[smem:$0x3FBA] =	sst s0;
	s0 =	simm.s32 @!p2 $0x0  }
0x16: {  	s3 =	sld [smem:$0x3FDB];
	s0 =	simm.s32 @p2 $0x1  }
0x17: {  	s4 =	simm.s32 $0x1BF5;
	[smem:$0x3FBC] =	sst s0  }
0x18: {  	s0 =	sld [smem:$0x3F9F];
	_ =	swait.ge [sflag:s4], $0x0  }
0x19: {  	s7 =	sld [smem:$0x3FA0]  }
0x1a: {  	s8 =	sadd.s32 $0xFFFFE003, lr  }
0x1b: {  	s9 =	sadd.s32 $0xFFFFFEF7, lr;
	s5 =	simm.s32 $0xFFFFFFFF;
	p2 =	slt.u32 s8, $0xFFFFF086  }
0x1c: {  	p1 =	slt.u32 s9, $0xF7A;
	s5 =	simm.s32 @!p2 $0x0  }
0x1d: {  	s5 =	simm.s32 @p1 $0x1;
	p0 =	seq.s32 s7, s2  }
0x1e: {  	s7 =	smul.u32 @!p0 $0xF7A, s2;
	p2 =	seq.s32 @!p0 s5, $0x0  }
0x1f: {  	s9 =	smul.u32 $0xF7A, s1;
	s8 =	simm.s32 @!p0 $0x1BF5;
	p2 =	por !p2, p0  }
0x20: {  	[sflag:s8] =	ssyncset.s32 @!p0 $0xFFFFF086;
	s6 =	sadd.s32 @!p0 s3, s7;
	s7 =	simm.s32 @!p0 $0x108  }
0x21: {  	s3 =	sadd.s32 s3, s9;
	s6 =	sadd.s32 @!p0 $0x88, s6;
	s7 =	simm.s32 @p2 $0x1082  }
0x22: {  	[simem:s7], [sflag:s8] =	dma.local @!p0 [hbm:s6], $0xF7A  }
0x23: {  	s9 =	sor.u32 $0xD0000000, s2;
	s6 =	simm.s32 $0x108;
	_ =	swait.ge @!p0 [sflag:s8], $0x0  }
0x24: {  	s3 =	sadd.s32 $0x88, s3;
	s6 =	simm.s32 @!p1 $0x1082;
	[sflag:s4] =	ssyncset.s32 $0xFFFFF086  }
0x25: {  	[simem:s6], [sflag:s4] =	dma.local [hbm:s3], $0xF7A  }
0x26: {  	[smem:$0x3FA0] =	sst s1;
	(tag) =	ssettag s2;
	_ =	strace s9  }
0x27: {  	s1 =	sld [smem:$0x3FB0]  }
0x28: {  	s2 =	sld [smem:$0x3FB1]  }
0x29: {  	s4 =	sld [smem:$0x3FB3]  }
0x2a: {  	p0 =	seq.s32 s5, $0x0;
	s5 =	sld [smem:$0x3FB4]  }
0x2b: {  	s6 =	sld [smem:$0x3FB5]  }
0x2c: {  	s7 =	sld [smem:$0x3FB6]  }
0x2d: {  	s3 =	simm.s32 $0x108;
	s8 =	sld [smem:$0x3FB7]  }
0x2e: {  	s3 =	simm.s32 @!p0 $0x1082;
	s9 =	sld [smem:$0x3FB8]  }
0x2f: {  	lr =	sadd.s32 s0, s3;
	s0 =	sld [smem:$0x3FAF]  }
0x30: {  	s3 =	sld [smem:$0x3FB2]  }
0x31: {  	[smem:$0x3FBB] =	sst s10  }
0x32: {  	s10 =	sld [smem:$0x3FB9];
	_ =	sdelay $0x3  }
0x33: {  	p0 =	seq.s32 s10, $0x1;
	s10 =	sld [smem:$0x3FBB];
	_ =	sdelay $0x3  }
0x34: {  	[smem:$0x3FBB] =	sst s10  }
0x35: {  	s10 =	sld [smem:$0x3FBA];
	_ =	sdelay $0x3  }
0x36: {  	p1 =	seq.s32 s10, $0x1;
	s10 =	sld [smem:$0x3FBB];
	_ =	sdelay $0x3  }
0x37: {  	[smem:$0x3FBB] =	sst s10  }
0x38: {  	s10 =	sld [smem:$0x3FBC]  }
0x39: {  	_ = 	snop;
	(pc) =	sbr.ind lr, $3  }
0x3a: {  	_ = 	snop  }
0x3b: {  	_ = 	snop  }
0x3c: {  	p2 =	seq.s32 s10, $0x1;
	s10 =	sld [smem:$0x3FBB]  }
0x3d: {  	_ =	shalt  }
0x3e: {  	_ =	shalt  }
0x3f: {  	_ =	shalt  }
0x40: {  	_ =	shalt  }
0x41: {  	_ =	shalt  }
0x42: {  	_ =	shalt  }
0x43: {  	_ =	shalt  }
0x44: {  	_ =	shalt  }
0x45: {  	_ =	shalt  }
0x46: {  	_ =	shalt  }
0x47: {  	_ =	shalt  }
0x48: {  	_ =	shalt  }
0x49: {  	_ =	shalt  }
0x4a: {  	_ =	shalt  }
0x4b: {  	_ =	shalt  }
0x4c: {  	_ =	shalt  }
0x4d: {  	_ =	shalt  }
0x4e: {  	_ =	shalt  }
0x4f: {  	_ =	shalt  }
0x50: {  	_ =	shalt  }
0x51: {  	_ =	shalt  }
0x52: {  	_ =	shalt  }
0x53: {  	_ =	shalt  }
0x54: {  	_ =	shalt  }
0x55: {  	_ =	shalt  }
0x56: {  	_ =	shalt  }
0x57: {  	_ =	shalt  }
0x58: {  	_ =	shalt  }
0x59: {  	_ =	shalt  }
0x5a: {  	_ =	shalt  }
0x5b: {  	_ =	shalt  }
0x5c: {  	_ =	shalt  }
0x5d: {  	_ =	shalt  }
0x5e: {  	_ =	shalt  }
0x5f: {  	_ =	shalt  }
0x60: {  	_ =	shalt  }
0x61: {  	_ =	shalt  }
0x62: {  	_ =	shalt  }
0x63: {  	_ =	shalt  }
0x64: {  	_ =	shalt  }
0x65: {  	_ =	shalt  }
0x66: {  	_ =	shalt  }
0x67: {  	_ =	shalt  }
0x68: {  	_ =	shalt  }
0x69: {  	_ =	shalt  }
0x6a: {  	_ =	shalt  }
0x6b: {  	_ =	shalt  }
0x6c: {  	_ =	shalt  }
0x6d: {  	_ =	shalt  }
0x6e: {  	_ =	shalt  }
0x6f: {  	_ =	shalt  }
0x70: {  	_ =	shalt  }
0x71: {  	_ =	shalt  }
0x72: {  	_ =	shalt  }
0x73: {  	_ =	shalt  }
0x74: {  	_ =	shalt  }
0x75: {  	_ =	shalt  }
0x76: {  	_ =	shalt  }
0x77: {  	_ =	shalt  }
0x78: {  	_ =	shalt  }
0x79: {  	_ =	shalt  }
0x7a: {  	_ =	shalt  }
0x7b: {  	_ =	shalt  }
0x7c: {  	_ =	shalt  }
0x7d: {  	_ =	shalt  }
0x7e: {  	_ =	shalt  }
0x7f: {  	_ =	shalt  }
0x80: {  	_ =	shalt  }
0x81: {  	_ =	shalt  }
0x82: {  	_ =	shalt  }
0x83: {  	_ =	shalt  }
0x84: {  	_ =	shalt  }
0x85: {  	_ =	shalt  }
0x86: {  	_ =	shalt  }
0x87: {  	_ =	shalt  }
.Lfunc_end0:
.L_simem_size_0:
called_computation_lowered:
.L_overlay_start_0:
0x88: {  	s2 =	sld [smem:$0x3FD9]  }
0x89: {  	s3 =	sld [smem:$0x3FFE];
	_ =	sdelay $0x1  }
0x8a: {  	s1 =	srdreg.scid  }
0x8b: {  	s0 =	sand.u32 $0x1, s1  }
0x8c: {  	s16 =	sshll.u32 s0, $0xA;
	s2 =	sadd.s32 s3, s2  }
0x8d: {  	s2 =	sadd.s32 s2, s16  }
0x8e: {  	[smem:$0x3FC7] =	sst s2  }
0x8f: {  	_ = 	snop  }
0x90: {  	(tm) =	ssettm $0x1  }
0x91: {  	s17 =	sld [smem:$0x3FFB];
	_ =	sdelay $0x3  }
0x92: {  	_ =	strace s17  }
0x93: {  	s2 =	sld [smem:$0x3FFC];
	_ =	sdelay $0x3  }
0x94: {  	_ =	strace s2  }
0x95: {  	s2 =	sld [smem:$0x3FFD];
	_ =	sdelay $0x3  }
0x96: {  	_ =	strace s2  }
0x97: {  	_ =	strace $0x8FFFFFFF  }
0x98: {  	s18 =	sld [smem:$0x3FDB];
	_ =	sdelay $0x1  }
0x99: {  	s19 =	simm.s32 $_scs_section_size  }
0x9a: {  	s4 =	simm.s32 $_size__tile_overlayer_lowered;
	s5 =	simm.s32 $_tile_overlayer_lowered  }
0x9b: {  	s22 =	simm.s32 $0x1BFF;
	s21 =	sshll.u32 s5, $0x1;
	s2 =	sadd.s32 s19, s18  }
0x9c: {  	s6 =	simm.s32 $0x0;
	s20 =	sshll.u32 s4, $0x1;
	s4 =	sadd.s32 s21, s2  }
0x9d: {  	[timem:s6], [sflag:s22] =	dma.local [hbm:s4], s20  }
0x9e: {  	_ =	swait.ge [sflag:s22], s20  }
0x9f: {  	s3 =	ssub.s32 $0x0, s20;
	[sflag:s22] =	ssyncset.done $0x0  }
0xa0: {  	[sflag:s22] =	ssyncadd.s32 s3;
	_ =	sdelay $0x1  }
0xa1: {  	s23 =	simm.s32 $0x1B8B  }
0xa2: {  	_ =	swait.ge [sflag:s23], $0x1  }
0xa3: {  	[sflag:s23] =	ssyncset.done $0x0  }
0xa4: {  	s25 =	simm.s32 $0x1B8E;
	s24 =	sld [smem:$0x3FFE];
	[sflag:s23] =	ssyncadd.s32 $0xFFFFFFFF  }
0xa5: {  	s26 =	simm.s32 $execute0_lowered;
	[smem:$0x3FD2] =	sst s25  }
0xa6: {  	s4 =	sshll.u32 s26, $0x1;
	_ =	strace $0x80000046;
	[dreg:$0x1] =	wrdreg $0xFFFFFFFF  }
0xa7: {  	s28 =	simm.s32 $_size_execute0_lowered;
	s2 =	sadd.s32 s2, s4;
	[dreg:$0x0] =	wrdreg $0x0  }
0xa8: {  	s4 =	sshll.u32 s28, $0x1;
	[dreg:$0x2] =	wrdreg s2  }
0xa9: {  	[dreg:$0x3] =	wrdreg s4  }
0xaa: {  	[dreg:$0x4] =	wrdreg $0xC0  }
0xab: {  	_ =	task [dreg:s6], $0x5FFFF  }
0xac: {  	[dreg:$0x1] =	wrdreg $0xFFFFFFFF  }
0xad: {  	[dreg:$0x0] =	wrdreg $0x60  }
0xae: {  	[dreg:$0x2] =	wrdreg s24  }
0xaf: {  	[dreg:$0x3] =	wrdreg $0x9  }
0xb0: {  	_ =	task.clear_ibuf [dreg:s6], $0x4FFFF;
	_ =	strace $0x90000046  }
0xb1: {  	s29 =	simm.s32 $0x9;
	_ =	strace $0x80000048  }
0xb2: {  	_ =	swait.ge [sflag:s29], $0x1  }
0xb3: {  	[sflag:s29] =	ssyncadd.s32 $0xFFFFFFFF  }
0xb4: {  	_ =	strace $0x90000048  }
0xb5: {  	_ =	sfence  }
0xb6: {  	s30 =	sld [smem:$0x0];
	_ =	sdelay $0x2  }
0xb7: {  	s31 =	sshll.u32 s1, $0xD;
	s1 =	sshrl.u32 s1, $0x2  }
0xb8: {  	s3 =	sand.u32 $0x4000, s31;
	s1 =	sadd.s32 s1, s30  }
0xb9: {  	s0 =	sor.u32 s3, s0;
	s1 =	sshll.u32 s1, $0x11  }
0xba: {  	s0 =	sor.u32 s1, s0  }
0xbb: {  	s0 =	sadd.s32 $0x8F2B, s0  }
0xbc: {  	[sflag:s0] =	ssyncadd.remote.s32 $0x1  }
0xbd: {  	_ =	sfence.sel $0xFFFF  }
0xbe: {  	[dreg:$0x0] =	wrdreg $0xFFFFFFFF;
	(pc) =	sbr.abs _section_cstart, $3  }
0xbf: {  	[dreg:$0x1] =	wrdreg $0xFFFFFFFF  }
0xc0: {  	_ =	task.clear_ibuf [dreg:s6], $0x2FFFF;
	_ =	strace $0x9FFFFFFF  }
0xc1: {  	(tm) =	ssettm $0x7FFFFFFF  }
tec
execute0_lowered:
.L_overlay_start_1:
0x0: {  	(tag) =	ssettag $0x1  }
0x1: {  	s0 =	rddreg [dreg:$0x0]  }
0x2: {  	v0 =	vimm.s32 $0x2380;
	vm0 =	vcmask $0x300;
	s1 =	simm.s32 $0x0;
	s2 =	srdreg.scid;
	s3 =	stileid.u32  }
0x3: {  	vm14 =	vcmask $0x704;
	s28 =	simm.s32 $0x6;
	s29 =	simm.s32 $0x2;
	s30 =	simm.s32 $0x7;
	v0 =	vsel vm0, $0x0, v0  }
0x4: {  	vm15 =	vcmask $0xB08;
	s31 =	simm.s32 $0x3;
	[smem:$0x7FF] =	sst s1;
	s2 =	sand.u32 $0x1, s2;
	v0 =	vsel vm14, $0x80, v0  }
0x5: {  	vm4 =	vcmask $0xF0C;
	s3 =	sshll.u32 s3, $0xA;
	s5 =	sadd.s32 $0x400, s0;
	s10 =	sadd.s32 $0x200400, s0;
	v0 =	vsel vm15, $0x100, v0  }
0x6: {  	vm5 =	vcmask $0x1310;
	_ =	strace $0x80000047;
	s4 =	sshll.u32 s2, $0x9;
	s2 =	ssub.s32 $0x2, s2;
	v0 =	vsel vm4, $0x180, v0  }
0x7: {  	vm6 =	vcmask $0x1714;
	s3 =	sor.u32 s4, s3;
	s20 =	sshrl.u32 s2, $0x1;
	s4 =	smov.u32 s10;
	v0 =	vsel vm5, $0x200, v0  }
0x8: {  	vm7 =	vcmask $0x1B18;
	[dreg:$0x2] =	wrdreg s3;
	s6 =	sshll.u32 s3, $0x7;
	s0 =	ssub.s32 s2, s20;
	v0 =	vsel vm6, $0x280, v0  }
0x9: {  	vm8 =	vcmask $0x1F1C;
	s3 =	sadd.s32 s5, s6;
	s21 =	sor.u32 $0x800, s6;
	s7 =	sor.u32 $0x1000, s6;
	v0 =	vsel vm7, $0x300, v0  }
0xa: {  	vm9 =	vcmask $0x2320;
	s8 =	sor.u32 $0x1800, s6;
	s0 =	smax.u32 s0, $0x1;
	[dreg:$0x3] =	wrdreg s3;
	v0 =	vsel vm8, $0x380, v0  }
0xb: {  	vm10 =	vcmask $0x2724;
	s9 =	sadd.s32 s10, s6;
	s22 =	sadd.s32 s5, s21;
	[dreg:$0xa] =	wrdreg s0;
	v0 =	vsel vm9, $0x2000, v0  }
0xc: {  	vm11 =	vcmask $0x2B28;
	s23 =	sadd.s32 s5, s7;
	s24 =	sadd.s32 s5, s8;
	[dreg:$0x4] =	wrdreg s22;
	v0 =	vsel vm10, $0x2080, v0  }
0xd: {  	vm12 =	vcmask $0x2F2C;
	s2 =	sadd.s32 s10, s21;
	s25 =	sadd.s32 s10, s7;
	[dreg:$0x5] =	wrdreg s23;
	v0 =	vsel vm11, $0x2100, v0  }
0xe: {  	vm13 =	vcmask $0x3330;
	s26 =	sadd.s32 s10, s8;
	s13 =	sadd.s32 $0x2000, s3;
	[dreg:$0x6] =	wrdreg s24;
	v0 =	vsel vm12, $0x2180, v0  }
0xf: {  	vm14 =	vcmask $0x3734;
	s14 =	sadd.s32 $0x2800, s3;
	s15 =	sadd.s32 $0x3000, s3;
	[dreg:$0x7] =	wrdreg s2;
	v0 =	vsel vm13, $0x2200, v0  }
0x10: {  	v1 =	vimm.f32 $9.989989920e-04;
	vm15 =	vcmask $0x3B38;
	s16 =	sadd.s32 $0x3800, s3;
	s21 =	simm.s32 $0x10000;
	[dreg:$0x8] =	wrdreg s25;
	v2 =	vsel vm14, $0x2280, v0  }
0x11: {  	v9 =	vimm.f32 $2.000000090e-03;
	s0 =	simm.s32 $0x8;
	s5 =	simm.s32 $0x0;
	[dreg:$0x9] =	wrdreg s26;
	v0 =	vlaneseq.u32;
	v2 =	vsel vm15, $0x2300, v2  }
0x12: {  	s22 =	simm.s32 $0x14000;
	s23 =	simm.s32 $0x18000;
	s24 =	simm.s32 $0x1C000;
	v3 =	vor.u32 $0x10, v0;
	v4 =	vor.u32 $0x20, v0;
	v5 =	vor.u32 $0x30, v0  }
0x13: {  	s25 =	simm.s32 $0x5;
	s26 =	simm.s32 $0x1;
	s2 =	simm.s32 $0x4;
	v6 =	vor.u32 $0x800003C0, v0;
	v7 =	vor.u32 $0x800003D0, v0;
	v8 =	vadd.s32 $0x800003D8, v0  }
.LBB2_1:
0x14: {  	[dreg:$0xb] =	wrdreg s5  }
0x15: {  	s3 =	rddreg [dreg:$0x3]  }
0x16: {  	s11 =	rddreg [dreg:$0x4]  }
0x17: {  	s17 =	rddreg [dreg:$0x5]  }
0x18: {  	[tilespmem:s1], [sflag:$0x1] =	stream.linear.gather [hbm4b:s3+s1], $0x4000, $0x38;
	v63 =	vld [tilespmem:$0x0]  }
0x19: {  	s12 =	simm.s32 $0x4000;
	s18 =	simm.s32 $0x8000;
	s19 =	rddreg [dreg:$0x6]  }
0x1a: {  	[tilespmem:s12], [sflag:$0x2] =	stream.linear.gather [hbm4b:s11+s1], $0x4000, $0x38;
	v63 =	vld [tilespmem:$0x0]  }
0x1b: {  	s20 =	simm.s32 $0xC000;
	s7 =	simm.s32 $0xFFFFC000;
	s5 =	simm.s32 $0xFFFFC000  }
0x1c: {  	[tilespmem:s18], [sflag:$0x3] =	stream.linear.gather [hbm4b:s17+s1], $0x4000, $0x38;
	v63 =	vld [tilespmem:$0x0]  }
0x1d: {  	s10 =	simm.s32 $0x0;
	s11 =	simm.s32 $0x0;
	s12 =	simm.s32 $0x0  }
0x1e: {  	[tilespmem:s20], [sflag:$0x4] =	stream.linear.gather [hbm4b:s19+s1], $0x4000, $0x38;
	v63 =	vld [tilespmem:$0x0]  }
.LBB2_2:
0x1f: {  	s6 =	sadd.s32 $0x4000, s5  }
0x20: {  	s8 =	sand.u32 $0x380, s12;
	s6 =	sand.u32 $0x2000, s6  }
0x21: {  	s6 =	sor.u32 s8, s6  }
0x22: {  	[tilespmem:s6+$0x10000] =	vst v1  }
0x23: {  	[tilespmem:s6+$0x10010] =	vst v1  }
0x24: {  	[tilespmem:s6+$0x10020] =	vst v1  }
0x25: {  	[tilespmem:s6+$0x10030] =	vst v1  }
0x26: {  	[tilespmem:s6+$0x10040] =	vst v1  }
0x27: {  	[tilespmem:s6+$0x10050] =	vst v1  }
0x28: {  	[tilespmem:s6+$0x10060] =	vst v1  }
0x29: {  	[tilespmem:s6+$0x10070] =	vst v1  }
0x2a: {  	[tilespmem:s6+$0x10400] =	vst v1  }
0x2b: {  	[tilespmem:s6+$0x10410] =	vst v1  }
0x2c: {  	[tilespmem:s6+$0x10420] =	vst v1  }
0x2d: {  	[tilespmem:s6+$0x10430] =	vst v1  }
0x2e: {  	[tilespmem:s6+$0x10440] =	vst v1  }
0x2f: {  	[tilespmem:s6+$0x10450] =	vst v1  }
0x30: {  	[tilespmem:s6+$0x10460] =	vst v1  }
0x31: {  	[tilespmem:s6+$0x10470] =	vst v1  }
0x32: {  	[tilespmem:s6+$0x10800] =	vst v1  }
0x33: {  	[tilespmem:s6+$0x10810] =	vst v1  }
0x34: {  	[tilespmem:s6+$0x10820] =	vst v1  }
0x35: {  	[tilespmem:s6+$0x10830] =	vst v1  }
0x36: {  	[tilespmem:s6+$0x10840] =	vst v1  }
0x37: {  	[tilespmem:s6+$0x10850] =	vst v1  }
0x38: {  	[tilespmem:s6+$0x10860] =	vst v1  }
0x39: {  	[tilespmem:s6+$0x10870] =	vst v1  }
0x3a: {  	[tilespmem:s6+$0x10C00] =	vst v1  }
0x3b: {  	[tilespmem:s6+$0x10C10] =	vst v1  }
0x3c: {  	[tilespmem:s6+$0x10C20] =	vst v1  }
0x3d: {  	[tilespmem:s6+$0x10C30] =	vst v1  }
0x3e: {  	[tilespmem:s6+$0x10C40] =	vst v1  }
0x3f: {  	[tilespmem:s6+$0x10C50] =	vst v1  }
0x40: {  	[tilespmem:s6+$0x10C60] =	vst v1  }
0x41: {  	[tilespmem:s6+$0x10C70] =	vst v1  }
0x42: {  	[tilespmem:s6+$0x11000] =	vst v1  }
0x43: {  	[tilespmem:s6+$0x11010] =	vst v1  }
0x44: {  	[tilespmem:s6+$0x11020] =	vst v1  }
0x45: {  	[tilespmem:s6+$0x11030] =	vst v1  }
0x46: {  	[tilespmem:s6+$0x11040] =	vst v1  }
0x47: {  	[tilespmem:s6+$0x11050] =	vst v1  }
0x48: {  	[tilespmem:s6+$0x11060] =	vst v1  }
0x49: {  	[tilespmem:s6+$0x11070] =	vst v1  }
0x4a: {  	[tilespmem:s6+$0x11400] =	vst v1  }
0x4b: {  	[tilespmem:s6+$0x11410] =	vst v1  }
0x4c: {  	[tilespmem:s6+$0x11420] =	vst v1  }
0x4d: {  	[tilespmem:s6+$0x11430] =	vst v1  }
0x4e: {  	[tilespmem:s6+$0x11440] =	vst v1  }
0x4f: {  	[tilespmem:s6+$0x11450] =	vst v1  }
0x50: {  	[tilespmem:s6+$0x11460] =	vst v1  }
0x51: {  	[tilespmem:s6+$0x11470] =	vst v1  }
0x52: {  	[tilespmem:s6+$0x11800] =	vst v1  }
0x53: {  	[tilespmem:s6+$0x11810] =	vst v1  }
0x54: {  	[tilespmem:s6+$0x11820] =	vst v1  }
0x55: {  	[tilespmem:s6+$0x11830] =	vst v1  }
0x56: {  	s19 =	sand.u32 $0x7, s10;
	[tilespmem:s6+$0x11840] =	vst v1  }
0x57: {  	s8 =	sshll.u32 s19, $0x7;
	[tilespmem:s6+$0x11850] =	vst v1  }
0x58: {  	s8 =	sadd.s32 s8, s11;
	[tilespmem:s6+$0x11860] =	vst v1  }
0x59: {  	[tilespmem:s6+$0x11870] =	vst v1;
	s20 =	sor.u32 $0x1C00, s8  }
0x5a: {  	s3 =	sor.u32 $0x1C10, s8;
	[tilespmem:s20+$0x10000] =	vst v1  }
0x5b: {  	p0 =	sne.s32 s12, $0x780;
	s17 =	sor.u32 $0x1C20, s8;
	[tilespmem:s3+$0x10000] =	vst v1  }
.Ltmp0:
0x5c: {  	s18 =	sor.u32 $0x1C30, s8;
	[tilespmem:s17+$0x10000] =	vst v1;
	(pc) =	sbr.rel @p0 .LBB2_2-.Ltmp0, $4  }
0x5d: {  	s19 =	sor.u32 $0x1C40, s8;
	[tilespmem:s18+$0x10000] =	vst v1  }
0x5e: {  	s20 =	sor.u32 $0x1C50, s8;
	[tilespmem:s19+$0x10000] =	vst v1  }
0x5f: {  	s10 =	sadd.s32 $0x1, s10;
	s5 =	sadd.s32 $0x400, s5;
	s8 =	sor.u32 $0x1C58, s8;
	[tilespmem:s20+$0x10000] =	vst v1  }
0x60: {  	s12 =	sadd.s32 $0x80, s12;
	s11 =	sadd.s32 $0x400, s11;
	[tilespmem:s8+$0x10000] =	vst v1;
	s8 =	simm.s32 $0x0  }
0x61: {  	s5 =	simm.s32 $0x0;
	s11 =	simm.s32 $0x0;
	s12 =	simm.s32 $0x0  }
.LBB2_4:
0x62: {  	s6 =	sadd.s32 $0x4000, s7  }
0x63: {  	s10 =	sand.u32 $0x380, s12;
	s6 =	sand.u32 $0x2000, s6  }
0x64: {  	s6 =	sor.u32 s10, s6  }
0x65: {  	[tilespmem:s6+$0x14000] =	vst v1  }
0x66: {  	[tilespmem:s6+$0x14010] =	vst v1  }
0x67: {  	[tilespmem:s6+$0x14020] =	vst v1  }
0x68: {  	[tilespmem:s6+$0x14030] =	vst v1  }
0x69: {  	[tilespmem:s6+$0x14040] =	vst v1  }
0x6a: {  	[tilespmem:s6+$0x14050] =	vst v1  }
0x6b: {  	[tilespmem:s6+$0x14060] =	vst v1  }
0x6c: {  	[tilespmem:s6+$0x14070] =	vst v1  }
0x6d: {  	[tilespmem:s6+$0x14400] =	vst v1  }
0x6e: {  	[tilespmem:s6+$0x14410] =	vst v1  }
0x6f: {  	[tilespmem:s6+$0x14420] =	vst v1  }
0x70: {  	[tilespmem:s6+$0x14430] =	vst v1  }
0x71: {  	[tilespmem:s6+$0x14440] =	vst v1  }
0x72: {  	[tilespmem:s6+$0x14450] =	vst v1  }
0x73: {  	[tilespmem:s6+$0x14460] =	vst v1  }
0x74: {  	[tilespmem:s6+$0x14470] =	vst v1  }
0x75: {  	[tilespmem:s6+$0x14800] =	vst v1  }
0x76: {  	[tilespmem:s6+$0x14810] =	vst v1  }
0x77: {  	[tilespmem:s6+$0x14820] =	vst v1  }
0x78: {  	[tilespmem:s6+$0x14830] =	vst v1  }
0x79: {  	[tilespmem:s6+$0x14840] =	vst v1  }
0x7a: {  	[tilespmem:s6+$0x14850] =	vst v1  }
0x7b: {  	[tilespmem:s6+$0x14860] =	vst v1  }
0x7c: {  	[tilespmem:s6+$0x14870] =	vst v1  }
0x7d: {  	[tilespmem:s6+$0x14C00] =	vst v1  }
0x7e: {  	[tilespmem:s6+$0x14C10] =	vst v1  }
0x7f: {  	[tilespmem:s6+$0x14C20] =	vst v1  }
0x80: {  	[tilespmem:s6+$0x14C30] =	vst v1  }
0x81: {  	[tilespmem:s6+$0x14C40] =	vst v1  }
0x82: {  	[tilespmem:s6+$0x14C50] =	vst v1  }
0x83: {  	[tilespmem:s6+$0x14C60] =	vst v1  }
0x84: {  	[tilespmem:s6+$0x14C70] =	vst v1  }
0x85: {  	[tilespmem:s6+$0x15000] =	vst v1  }
0x86: {  	[tilespmem:s6+$0x15010] =	vst v1  }
0x87: {  	[tilespmem:s6+$0x15020] =	vst v1  }
0x88: {  	[tilespmem:s6+$0x15030] =	vst v1  }
0x89: {  	[tilespmem:s6+$0x15040] =	vst v1  }
0x8a: {  	[tilespmem:s6+$0x15050] =	vst v1  }
0x8b: {  	[tilespmem:s6+$0x15060] =	vst v1  }
0x8c: {  	[tilespmem:s6+$0x15070] =	vst v1  }
0x8d: {  	[tilespmem:s6+$0x15400] =	vst v1  }
0x8e: {  	[tilespmem:s6+$0x15410] =	vst v1  }
0x8f: {  	[tilespmem:s6+$0x15420] =	vst v1  }
0x90: {  	[tilespmem:s6+$0x15430] =	vst v1  }
0x91: {  	[tilespmem:s6+$0x15440] =	vst v1  }
0x92: {  	[tilespmem:s6+$0x15450] =	vst v1  }
0x93: {  	[tilespmem:s6+$0x15460] =	vst v1  }
0x94: {  	[tilespmem:s6+$0x15470] =	vst v1  }
0x95: {  	[tilespmem:s6+$0x15800] =	vst v1  }
0x96: {  	[tilespmem:s6+$0x15810] =	vst v1  }
0x97: {  	[tilespmem:s6+$0x15820] =	vst v1  }
0x98: {  	[tilespmem:s6+$0x15830] =	vst v1  }
0x99: {  	s19 =	sand.u32 $0x7, s5;
	[tilespmem:s6+$0x15840] =	vst v1  }
0x9a: {  	s10 =	sshll.u32 s19, $0x7;
	[tilespmem:s6+$0x15850] =	vst v1  }
0x9b: {  	s10 =	sadd.s32 s10, s11;
	[tilespmem:s6+$0x15860] =	vst v1  }
0x9c: {  	[tilespmem:s6+$0x15870] =	vst v1;
	s20 =	sor.u32 $0x1C00, s10  }
0x9d: {  	s3 =	sor.u32 $0x1C10, s10;
	[tilespmem:s20+$0x14000] =	vst v1  }
0x9e: {  	p0 =	sne.s32 s12, $0x780;
	s17 =	sor.u32 $0x1C20, s10;
	[tilespmem:s3+$0x14000] =	vst v1  }
.Ltmp1:
0x9f: {  	s18 =	sor.u32 $0x1C30, s10;
	[tilespmem:s17+$0x14000] =	vst v1;
	(pc) =	sbr.rel @p0 .LBB2_4-.Ltmp1, $4  }
0xa0: {  	s19 =	sor.u32 $0x1C40, s10;
	[tilespmem:s18+$0x14000] =	vst v1  }
0xa1: {  	s20 =	sor.u32 $0x1C50, s10;
	[tilespmem:s19+$0x14000] =	vst v1  }
0xa2: {  	s5 =	sadd.s32 $0x1, s5;
	s7 =	sadd.s32 $0x400, s7;
	s10 =	sor.u32 $0x1C58, s10;
	[tilespmem:s20+$0x14000] =	vst v1  }
0xa3: {  	s12 =	sadd.s32 $0x80, s12;
	s11 =	sadd.s32 $0x400, s11;
	[tilespmem:s10+$0x14000] =	vst v1;
	s10 =	simm.s32 $0xFFFFC000  }
0xa4: {  	s5 =	simm.s32 $0xFFFFC000;
	s7 =	simm.s32 $0x0;
	s11 =	simm.s32 $0x0  }
.LBB2_6:
0xa5: {  	s6 =	sadd.s32 $0x4000, s5  }
0xa6: {  	s12 =	sand.u32 $0x380, s11;
	s6 =	sand.u32 $0x2000, s6  }
0xa7: {  	s6 =	sor.u32 s12, s6  }
0xa8: {  	[tilespmem:s6+$0x18000] =	vst v1  }
0xa9: {  	[tilespmem:s6+$0x18010] =	vst v1  }
0xaa: {  	[tilespmem:s6+$0x18020] =	vst v1  }
0xab: {  	[tilespmem:s6+$0x18030] =	vst v1  }
0xac: {  	[tilespmem:s6+$0x18040] =	vst v1  }
0xad: {  	[tilespmem:s6+$0x18050] =	vst v1  }
0xae: {  	[tilespmem:s6+$0x18060] =	vst v1  }
0xaf: {  	[tilespmem:s6+$0x18070] =	vst v1  }
0xb0: {  	[tilespmem:s6+$0x18400] =	vst v1  }
0xb1: {  	[tilespmem:s6+$0x18410] =	vst v1  }
0xb2: {  	[tilespmem:s6+$0x18420] =	vst v1  }
0xb3: {  	[tilespmem:s6+$0x18430] =	vst v1  }
0xb4: {  	[tilespmem:s6+$0x18440] =	vst v1  }
0xb5: {  	[tilespmem:s6+$0x18450] =	vst v1  }
0xb6: {  	[tilespmem:s6+$0x18460] =	vst v1  }
0xb7: {  	[tilespmem:s6+$0x18470] =	vst v1  }
0xb8: {  	[tilespmem:s6+$0x18800] =	vst v1  }
0xb9: {  	[tilespmem:s6+$0x18810] =	vst v1  }
0xba: {  	[tilespmem:s6+$0x18820] =	vst v1  }
0xbb: {  	[tilespmem:s6+$0x18830] =	vst v1  }
0xbc: {  	[tilespmem:s6+$0x18840] =	vst v1  }
0xbd: {  	[tilespmem:s6+$0x18850] =	vst v1  }
0xbe: {  	[tilespmem:s6+$0x18860] =	vst v1  }
0xbf: {  	[tilespmem:s6+$0x18870] =	vst v1  }
0xc0: {  	[tilespmem:s6+$0x18C00] =	vst v1  }
0xc1: {  	[tilespmem:s6+$0x18C10] =	vst v1  }
0xc2: {  	[tilespmem:s6+$0x18C20] =	vst v1  }
0xc3: {  	[tilespmem:s6+$0x18C30] =	vst v1  }
0xc4: {  	[tilespmem:s6+$0x18C40] =	vst v1  }
0xc5: {  	[tilespmem:s6+$0x18C50] =	vst v1  }
0xc6: {  	[tilespmem:s6+$0x18C60] =	vst v1  }
0xc7: {  	[tilespmem:s6+$0x18C70] =	vst v1  }
0xc8: {  	[tilespmem:s6+$0x19000] =	vst v1  }
0xc9: {  	[tilespmem:s6+$0x19010] =	vst v1  }
0xca: {  	[tilespmem:s6+$0x19020] =	vst v1  }
0xcb: {  	[tilespmem:s6+$0x19030] =	vst v1  }
0xcc: {  	[tilespmem:s6+$0x19040] =	vst v1  }
0xcd: {  	[tilespmem:s6+$0x19050] =	vst v1  }
0xce: {  	[tilespmem:s6+$0x19060] =	vst v1  }
0xcf: {  	[tilespmem:s6+$0x19070] =	vst v1  }
0xd0: {  	[tilespmem:s6+$0x19400] =	vst v1  }
0xd1: {  	[tilespmem:s6+$0x19410] =	vst v1  }
0xd2: {  	[tilespmem:s6+$0x19420] =	vst v1  }
0xd3: {  	[tilespmem:s6+$0x19430] =	vst v1  }
0xd4: {  	[tilespmem:s6+$0x19440] =	vst v1  }
0xd5: {  	[tilespmem:s6+$0x19450] =	vst v1  }
0xd6: {  	[tilespmem:s6+$0x19460] =	vst v1  }
0xd7: {  	[tilespmem:s6+$0x19470] =	vst v1  }
0xd8: {  	[tilespmem:s6+$0x19800] =	vst v1  }
0xd9: {  	[tilespmem:s6+$0x19810] =	vst v1  }
0xda: {  	[tilespmem:s6+$0x19820] =	vst v1  }
0xdb: {  	[tilespmem:s6+$0x19830] =	vst v1  }
0xdc: {  	s18 =	sand.u32 $0x7, s8;
	[tilespmem:s6+$0x19840] =	vst v1  }
0xdd: {  	s12 =	sshll.u32 s18, $0x7;
	[tilespmem:s6+$0x19850] =	vst v1  }
0xde: {  	s12 =	sadd.s32 s12, s7;
	[tilespmem:s6+$0x19860] =	vst v1  }
0xdf: {  	[tilespmem:s6+$0x19870] =	vst v1;
	s19 =	sor.u32 $0x1C00, s12  }
0xe0: {  	s20 =	sor.u32 $0x1C10, s12;
	[tilespmem:s19+$0x18000] =	vst v1  }
0xe1: {  	p0 =	sne.s32 s11, $0x780;
	s3 =	sor.u32 $0x1C20, s12;
	[tilespmem:s20+$0x18000] =	vst v1  }
.Ltmp2:
0xe2: {  	s17 =	sor.u32 $0x1C30, s12;
	[tilespmem:s3+$0x18000] =	vst v1;
	(pc) =	sbr.rel @p0 .LBB2_6-.Ltmp2, $4  }
0xe3: {  	s18 =	sor.u32 $0x1C40, s12;
	[tilespmem:s17+$0x18000] =	vst v1  }
0xe4: {  	s19 =	sor.u32 $0x1C50, s12;
	[tilespmem:s18+$0x18000] =	vst v1  }
0xe5: {  	s8 =	sadd.s32 $0x1, s8;
	s20 =	sor.u32 $0x1C58, s12;
	[tilespmem:s19+$0x18000] =	vst v1  }
0xe6: {  	s5 =	sadd.s32 $0x400, s5;
	s11 =	sadd.s32 $0x80, s11;
	s7 =	sadd.s32 $0x400, s7;
	[tilespmem:s20+$0x18000] =	vst v1  }
0xe7: {  	s5 =	simm.s32 $0x0;
	s7 =	simm.s32 $0x0;
	s8 =	simm.s32 $0x0  }
.LBB2_8:
0xe8: {  	s6 =	sadd.s32 $0x4000, s10  }
0xe9: {  	s11 =	sand.u32 $0x380, s8;
	s6 =	sand.u32 $0x2000, s6  }
0xea: {  	s6 =	sor.u32 s11, s6  }
0xeb: {  	[tilespmem:s6+$0x1C000] =	vst v1  }
0xec: {  	[tilespmem:s6+$0x1C010] =	vst v1  }
0xed: {  	[tilespmem:s6+$0x1C020] =	vst v1  }
0xee: {  	[tilespmem:s6+$0x1C030] =	vst v1  }
0xef: {  	[tilespmem:s6+$0x1C040] =	vst v1  }
0xf0: {  	[tilespmem:s6+$0x1C050] =	vst v1  }
0xf1: {  	[tilespmem:s6+$0x1C060] =	vst v1  }
0xf2: {  	[tilespmem:s6+$0x1C070] =	vst v1  }
0xf3: {  	[tilespmem:s6+$0x1C400] =	vst v1  }
0xf4: {  	[tilespmem:s6+$0x1C410] =	vst v1  }
0xf5: {  	[tilespmem:s6+$0x1C420] =	vst v1  }
0xf6: {  	[tilespmem:s6+$0x1C430] =	vst v1  }
0xf7: {  	[tilespmem:s6+$0x1C440] =	vst v1  }
0xf8: {  	[tilespmem:s6+$0x1C450] =	vst v1  }
0xf9: {  	[tilespmem:s6+$0x1C460] =	vst v1  }
0xfa: {  	[tilespmem:s6+$0x1C470] =	vst v1  }
0xfb: {  	[tilespmem:s6+$0x1C800] =	vst v1  }
0xfc: {  	[tilespmem:s6+$0x1C810] =	vst v1  }
0xfd: {  	[tilespmem:s6+$0x1C820] =	vst v1  }
0xfe: {  	[tilespmem:s6+$0x1C830] =	vst v1  }
0xff: {  	[tilespmem:s6+$0x1C840] =	vst v1  }
0x100: {  	[tilespmem:s6+$0x1C850] =	vst v1  }
0x101: {  	[tilespmem:s6+$0x1C860] =	vst v1  }
0x102: {  	[tilespmem:s6+$0x1C870] =	vst v1  }
0x103: {  	[tilespmem:s6+$0x1CC00] =	vst v1  }
0x104: {  	[tilespmem:s6+$0x1CC10] =	vst v1  }
0x105: {  	[tilespmem:s6+$0x1CC20] =	vst v1  }
0x106: {  	[tilespmem:s6+$0x1CC30] =	vst v1  }
0x107: {  	[tilespmem:s6+$0x1CC40] =	vst v1  }
0x108: {  	[tilespmem:s6+$0x1CC50] =	vst v1  }
0x109: {  	[tilespmem:s6+$0x1CC60] =	vst v1  }
0x10a: {  	[tilespmem:s6+$0x1CC70] =	vst v1  }
0x10b: {  	[tilespmem:s6+$0x1D000] =	vst v1  }
0x10c: {  	[tilespmem:s6+$0x1D010] =	vst v1  }
0x10d: {  	[tilespmem:s6+$0x1D020] =	vst v1  }
0x10e: {  	[tilespmem:s6+$0x1D030] =	vst v1  }
0x10f: {  	[tilespmem:s6+$0x1D040] =	vst v1  }
0x110: {  	[tilespmem:s6+$0x1D050] =	vst v1  }
0x111: {  	[tilespmem:s6+$0x1D060] =	vst v1  }
0x112: {  	[tilespmem:s6+$0x1D070] =	vst v1  }
0x113: {  	[tilespmem:s6+$0x1D400] =	vst v1  }
0x114: {  	[tilespmem:s6+$0x1D410] =	vst v1  }
0x115: {  	[tilespmem:s6+$0x1D420] =	vst v1  }
0x116: {  	[tilespmem:s6+$0x1D430] =	vst v1  }
0x117: {  	[tilespmem:s6+$0x1D440] =	vst v1  }
0x118: {  	[tilespmem:s6+$0x1D450] =	vst v1  }
0x119: {  	[tilespmem:s6+$0x1D460] =	vst v1  }
0x11a: {  	[tilespmem:s6+$0x1D470] =	vst v1  }
0x11b: {  	[tilespmem:s6+$0x1D800] =	vst v1  }
0x11c: {  	[tilespmem:s6+$0x1D810] =	vst v1  }
0x11d: {  	[tilespmem:s6+$0x1D820] =	vst v1  }
0x11e: {  	[tilespmem:s6+$0x1D830] =	vst v1  }
0x11f: {  	s19 =	sand.u32 $0x7, s5;
	[tilespmem:s6+$0x1D840] =	vst v1  }
0x120: {  	s11 =	sshll.u32 s19, $0x7;
	[tilespmem:s6+$0x1D850] =	vst v1  }
0x121: {  	s11 =	sadd.s32 s11, s7;
	[tilespmem:s6+$0x1D860] =	vst v1  }
0x122: {  	[tilespmem:s6+$0x1D870] =	vst v1;
	s20 =	sor.u32 $0x1C00, s11  }
0x123: {  	s3 =	sor.u32 $0x1C10, s11;
	[tilespmem:s20+$0x1C000] =	vst v1  }
0x124: {  	p0 =	sne.s32 s8, $0x780;
	s12 =	sor.u32 $0x1C20, s11;
	[tilespmem:s3+$0x1C000] =	vst v1  }
.Ltmp3:
0x125: {  	s17 =	sor.u32 $0x1C30, s11;
	[tilespmem:s12+$0x1C000] =	vst v1;
	(pc) =	sbr.rel @p0 .LBB2_8-.Ltmp3, $4  }
0x126: {  	s18 =	sor.u32 $0x1C40, s11;
	[tilespmem:s17+$0x1C000] =	vst v1  }
0x127: {  	s19 =	sor.u32 $0x1C50, s11;
	[tilespmem:s18+$0x1C000] =	vst v1  }
0x128: {  	s5 =	sadd.s32 $0x1, s5;
	s20 =	sor.u32 $0x1C58, s11;
	[tilespmem:s19+$0x1C000] =	vst v1  }
0x129: {  	s10 =	sadd.s32 $0x400, s10;
	s8 =	sadd.s32 $0x80, s8;
	s7 =	sadd.s32 $0x400, s7;
	[tilespmem:s20+$0x1C000] =	vst v1  }
0x12a: {  	s7 =	simm.s32 $0x0  }
0x12b: {  	[hbm4b:s9+s7] =	stream.linear.scatter [tilespmem:s21], [sflag:$0x5], $0x4000, $0x38;
	v63 =	vld [tilespmem:$0x0]  }
0x12c: {  	s3 =	rddreg [dreg:$0x7]  }
0x12d: {  	[hbm4b:s3+s7] =	stream.linear.scatter [tilespmem:s22], [sflag:$0x6], $0x4000, $0x38;
	v63 =	vld [tilespmem:$0x0]  }
0x12e: {  	s19 =	rddreg [dreg:$0x8]  }
0x12f: {  	[hbm4b:s19+s7] =	stream.linear.scatter [tilespmem:s23], [sflag:$0x7], $0x4000, $0x38;
	v63 =	vld [tilespmem:$0x0]  }
0x130: {  	s20 =	rddreg [dreg:$0x9];
	v11 =	vimm.s32 $0x0  }
0x131: {  	v12 =	vimm.s32 $0x0;
	v13 =	vimm.s32 $0x0;
	v10 =	vimm.s32 $0x0;
	[hbm4b:s20+s7] =	stream.linear.scatter [tilespmem:s24], [sflag:$0x8], $0x4000, $0x38;
	v63 =	vld [tilespmem:$0x0]  }
.LBB2_10:
0x132: {  	v14 =	vshll.u32 v10, $0x3  }
0x133: {  	v10 =	vand.u32 $0x7F, v10;
	v14 =	vand.u32 $0xFFFFFC00, v14  }
0x134: {  	v10 =	vor.u32 v10, v14  }
0x135: {  	v10 =	vadd.s32 v2, v10;
	_ =	sdelay $0x1  }
0x136: {  	_ =	swait.ge [sflag:s25], $0x4000  }
0x137: {  	[sflag:s25] =	ssyncset.done $0x0  }
0x138: {  	[sflag:s25] =	ssyncadd.s32 $0xFFFFC000  }
0x139: {  	[tilespmem:v10+s21+$0x0] =	vst.idx.msk $0xffff, v1  }
0x13a: {  	_ =	swait.ge [sflag:s26], $0x4000  }
0x13b: {  	[sflag:s26] =	ssyncset.done $0x0  }
0x13c: {  	s8 =	simm.s32 $0x0;
	v10 =	vimm.s32 $0x0;
	[sflag:s26] =	ssyncadd.s32 $0xFFFFC000  }
.LBB2_11:
0x13d: {  	s5 =	sshll.u32 s8, $0x7  }
0x13e: {  	s10 =	sand.u32 $0x380, s5  }
0x13f: {  	v14 =	vmov s10  }
0x140: {  	s6 =	simm.s32 $0x0;
	s5 =	sshll.u32 s8, $0xA  }
0x141: {  	s12 =	sand.u32 $0x1C00, s6;
	s11 =	sand.u32 $0x2000, s5  }
0x142: {  	s6 =	sand.u32 $0x40, s6;
	s12 =	sadd.s32 s12, s11  }
0x143: {  	s6 =	sadd.s32 s6, s12  }
0x144: {  	s20 =	simm.s32 $0x200;
	v15 =	vld.idx.msk [tilespmem:v14+s6+$0x0 ss:$0x1], $0xffff  }
0x145: {  	s17 =	simm.s32 $0x40;
	s12 =	sand.u32 $0x1C00, s20;
	v26 =	vld.idx.msk [tilespmem:v14+s6+$0x10 ss:$0x1], $0xffff  }
0x146: {  	s17 =	sand.u32 $0x40, s17;
	s12 =	sadd.s32 s12, s11;
	v29 =	vld.idx.msk [tilespmem:v14+s6+$0x20 ss:$0x1], $0xffff  }
0x147: {  	v16 =	vimm.f32 $-Inf;
	v22 =	vld.idx.msk [tilespmem:v14+s6+$0x30 ss:$0x1], $0xffff;
	s6 =	sadd.s32 s17, s12  }
0x148: {  	v17 =	vimm.s32 $0x0;
	v23 =	vimm.f32 $-Inf;
	v24 =	vimm.f32 $-Inf;
	v18 =	vld.idx.msk [tilespmem:v14+s6+$0x0 ss:$0x1], $0xffff  }
0x149: {  	v27 =	vimm.s32 $0x0;
	v28 =	vimm.s32 $0x0;
	v21 =	vld.idx.msk [tilespmem:v14+s6+$0x20 ss:$0x1], $0xffff;
	vm0 =	vgt.f32 v15, v16  }
0x14a: {  	v25 =	vimm.s32 $0x0;
	s12 =	simm.s32 $0x80;
	s17 =	simm.s32 $0x400;
	v19 =	vsel vm0, v15, v16;
	v15 =	vld.idx.msk [tilespmem:v14+s6+$0x10 ss:$0x1], $0xffff;
	v20 =	vsel vm0, v17, v17  }
.LBB2_12:
0x14b: {  	vm0 =	vgt.f32 v26, v16  }
0x14c: {  	s18 =	sand.u32 $0x1C00, s17;
	vm1 =	vgt.f32 v29, v23;
	vm2 =	vgt.f32 v22, v24;
	v30 =	vmov v22;
	v22 =	vld.idx.msk [tilespmem:v14+s6+$0x30 ss:$0x1], $0xffff;
	p0 =	sne.s32 s12, $0x380  }
.Ltmp4:
0x14d: {  	s6 =	sand.u32 $0x40, s12;
	s18 =	sadd.s32 s18, s11;
	v16 =	vsel vm0, v26, v16;
	v23 =	vsel vm1, v29, v23;
	v24 =	vsel vm2, v30, v24;
	(pc) =	sbr.rel @p0 .LBB2_12-.Ltmp4, $4  }
0x14e: {  	v27 =	vsel vm0, v17, v27;
	v28 =	vsel vm1, v17, v28;
	v25 =	vsel vm2, v17, v25;
	s6 =	sadd.s32 s6, s18  }
0x14f: {  	s12 =	sadd.s32 $0x40, s12;
	v30 =	vmov v18;
	v18 =	vld.idx.msk [tilespmem:v14+s6+$0x0 ss:$0x1], $0xffff  }
0x150: {  	v17 =	vadd.s32 $0x1, v17;
	v26 =	vmov v15;
	vm0 =	vgt.f32 v30, v19;
	v15 =	vld.idx.msk [tilespmem:v14+s6+$0x10 ss:$0x1], $0xffff  }
0x151: {  	s17 =	sadd.s32 $0x200, s17;
	v29 =	vmov v21;
	v19 =	vsel vm0, v30, v19;
	v20 =	vsel vm0, v17, v20;
	v21 =	vld.idx.msk [tilespmem:v14+s6+$0x20 ss:$0x1], $0xffff  }
0x152: {  	_ =	sdelay $0x2  }
0x153: {  	vm0 =	vgt.f32 v26, v16;
	vm1 =	vgt.f32 v29, v23;
	vm2 =	vgt.f32 v22, v24  }
0x154: {  	v14 =	vld.idx.msk [tilespmem:v14+s6+$0x30 ss:$0x1], $0xffff;
	v53 =	vadd.s32 $0x1, v17;
	v16 =	vsel vm0, v26, v16;
	v23 =	vsel vm1, v29, v23  }
0x155: {  	v22 =	vsel vm2, v22, v24;
	v51 =	vsel vm0, v17, v27;
	vm11 =	vgt.f32 v18, v19  }
0x156: {  	v52 =	vsel vm1, v17, v28;
	v25 =	vsel vm2, v17, v25;
	v18 =	vsel vm11, v18, v19  }
0x157: {  	v54 =	vsel vm11, v53, v20;
	vm12 =	vgt.f32 v15, v16;
	vm13 =	vgt.f32 v21, v23  }
0x158: {  	v15 =	vsel vm12, v15, v16;
	v56 =	vsel vm12, v53, v51;
	v19 =	vshll.u32 v54, $0x6  }
0x159: {  	vm14 =	vgt.f32 v14, v22;
	v55 =	vsel vm13, v21, v23;
	v57 =	vsel vm13, v53, v52  }
0x15a: {  	v19 =	vor.u32 v0, v19;
	v20 =	vshll.u32 v56, $0x6;
	vm15 =	vgt.f32 v15, v18  }
0x15b: {  	vm5 =	veq.f32 v15, v18;
	v14 =	vsel vm14, v14, v22;
	v17 =	vsel vm14, v53, v25  }
0x15c: {  	v21 =	vshll.u32 v57, $0x6;
	v20 =	vor.u32 v3, v20;
	v17 =	vshll.u32 v17, $0x6  }
0x15d: {  	v21 =	vor.u32 v4, v21;
	vm6 =	vlt.s32 v20, v19;
	v17 =	vor.u32 v5, v17  }
0x15e: {  	vm7 =	veq.f32 v14, v55;
	vm1 =	vmand vm5, vm6;
	vm3 =	vlt.s32 v17, v21  }
0x15f: {  	s5 =	sor.u32 s5, s10;
	vm8 =	vgt.f32 v14, v55;
	vm0 =	vmor vm15, vm1;
	vm2 =	vmand vm7, vm3  }
0x160: {  	s19 =	sor.u32 $0x1C40, s5;
	v15 =	vsel vm0, v15, v18;
	vm1 =	vmor vm8, vm2  }
0x161: {  	v60 =	vld [tilespmem:s19+$0x0];
	v58 =	vsel vm0, v20, v19;
	v14 =	vsel vm1, v14, v55;
	v59 =	vsel vm1, v17, v21  }
0x162: {  	s20 =	sor.u32 $0x1C50, s5;
	vm9 =	veq.f32 v14, v15;
	vm1 =	vlt.s32 v59, v58  }
0x163: {  	v61 =	vld [tilespmem:s20+$0x0];
	vm10 =	vgt.f32 v14, v15;
	vm0 =	vmand vm9, vm1  }
0x164: {  	s5 =	sor.u32 $0x1C58, s5;
	vm0 =	vmor vm10, vm0  }
0x165: {  	v14 =	vsel vm0, v14, v15;
	v15 =	vld [tilespmem:s5+$0x0]  }
0x166: {  	vm11 =	vgt.f32 v60, v14  }
0x167: {  	v14 =	vsel vm11, v60, v14  }
0x168: {  	vm12 =	vgt.f32 v61, v14  }
0x169: {  	v14 =	vsel vm12, v61, v14  }
0x16a: {  	vm13 =	vgt.f32 v15, v14  }
0x16b: {  	v14 =	vsel vm13, v15, v14  }
0x16c: {  	(xrf0) =	vmax.scan.msk.f32 $0xffff, v14;
	_ =	sdelay $0x4  }
0x16d: {  	v15 =	vsel vm0, v59, v58  }
0x16e: {  	v15 =	vxor.u32 $0x80000000, v15;
	v62, _, _ =	vpop (xrf0)  }
0x16f: {  	v15 =	vsel vm11, v6, v15;
	v16 =	vbroadcast v62, $0xF  }
0x170: {  	v15 =	vsel vm12, v7, v15  }
0x171: {  	vm14 =	veq.f32 v14, v16;
	v14 =	vsel vm13, v8, v15  }
0x172: {  	v14 =	vnsel vm14, $0x800003E8, v14  }
0x173: {  	(xrf0) =	vmin.scan.msk.u32 $0xffff, v14;
	_ =	sdelay $0x2  }
0x174: {  	v15 =	vmov s8;
	s8 =	sadd.s32 $0x1, s8  }
0x175: {  	p0 =	sne.s32 s8, $0x10  }
.Ltmp5:
0x176: {  	_ = 	snop;
	(pc) =	sbr.rel @p0 .LBB2_11-.Ltmp5, $4  }
0x177: {  	v14, _, _ =	vpop (xrf0)  }
0x178: {  	v14 =	vbroadcast v14, $0xF  }
0x179: {  	vm15 =	veq.s32 v15, v0  }
0x17a: {  	v10 =	vsel vm15, v14, v10  }
0x17b: {  	v14 =	vshll.u32 v10, $0x3  }
0x17c: {  	v15 =	vand.u32 $0x7F, v10;
	v14 =	vand.u32 $0xFFFFFC00, v14  }
0x17d: {  	v14 =	vor.u32 v15, v14  }
0x17e: {  	s8 =	sshll.u32 s7, $0x2;
	v14 =	vadd.s32 v2, v14  }
0x17f: {  	s5 =	smin.u32 s8, $0x1B  }
0x180: {  	s5 =	sshll.u32 s5, $0xB;
	v15 =	vshll.u32 v13, $0x3  }
0x181: {  	s10 =	simm.s32 $0x0;
	s20 =	sshll.u32 s7, $0xD;
	v13 =	vand.u32 $0x7F, v13;
	s5 =	sadd.s32 s5, s13;
	v15 =	vand.u32 $0xFFFFFC00, v15  }
0x182: {  	[tilespmem:s10], [sflag:$0x1] =	stream.linear.gather [hbm4b:s5+s10], $0x4000, $0x38;
	v13 =	vor.u32 v13, v15;
	v63 =	vld [tilespmem:$0x0]  }
0x183: {  	s5 =	sadd.s32 s20, s9;
	v13 =	vadd.s32 v2, v13;
	[tilespmem:v14+s21+$0x0] =	vst.idx.msk $0xffff, v9  }
0x184: {  	[hbm4b:s5+s10] =	stream.linear.scatter [tilespmem:s21], [sflag:$0x5], $0x4000, $0x38;
	v63 =	vld [tilespmem:$0x0]  }
0x185: {  	_ =	swait.ge [sflag:s28], $0x4000  }
0x186: {  	[sflag:s28] =	ssyncset.done $0x0  }
0x187: {  	[sflag:s28] =	ssyncadd.s32 $0xFFFFC000  }
0x188: {  	[tilespmem:v13+s22+$0x0] =	vst.idx.msk $0xffff, v1  }
0x189: {  	_ =	swait.ge [sflag:s29], $0x4000  }
0x18a: {  	[sflag:s29] =	ssyncset.done $0x0  }
0x18b: {  	s11 =	simm.s32 $0x0;
	v14 =	vimm.s32 $0x0;
	v13 =	vimm.s32 $0x0;
	[sflag:s29] =	ssyncadd.s32 $0xFFFFC000  }
.LBB2_15:
0x18c: {  	s5 =	sshll.u32 s11, $0x7  }
0x18d: {  	s12 =	sand.u32 $0x380, s5  }
0x18e: {  	s17 =	sshll.u32 s11, $0xA;
	v15 =	vmov s12  }
0x18f: {  	s19 =	sand.u32 $0x2000, s17  }
0x190: {  	s6 =	sand.u32 $0x1C00, s10;
	s5 =	sor.u32 $0x4000, s19  }
0x191: {  	s18 =	sand.u32 $0x40, s10;
	s6 =	sadd.s32 s6, s5  }
0x192: {  	s6 =	sadd.s32 s18, s6  }
0x193: {  	s20 =	simm.s32 $0x200;
	v16 =	vld.idx.msk [tilespmem:v15+s6+$0x0 ss:$0x1], $0xffff  }
0x194: {  	s19 =	simm.s32 $0x40;
	s18 =	sand.u32 $0x1C00, s20;
	v27 =	vld.idx.msk [tilespmem:v15+s6+$0x10 ss:$0x1], $0xffff  }
0x195: {  	s19 =	sand.u32 $0x40, s19;
	s18 =	sadd.s32 s18, s5;
	v30 =	vld.idx.msk [tilespmem:v15+s6+$0x20 ss:$0x1], $0xffff  }
0x196: {  	v17 =	vimm.f32 $-Inf;
	v22 =	vld.idx.msk [tilespmem:v15+s6+$0x30 ss:$0x1], $0xffff;
	s6 =	sadd.s32 s19, s18  }
0x197: {  	v24 =	vimm.f32 $-Inf;
	v25 =	vimm.f32 $-Inf;
	v23 =	vimm.s32 $0x0;
	v18 =	vld.idx.msk [tilespmem:v15+s6+$0x0 ss:$0x1], $0xffff  }
0x198: {  	v28 =	vimm.s32 $0x0;
	v29 =	vimm.s32 $0x0;
	v21 =	vld.idx.msk [tilespmem:v15+s6+$0x20 ss:$0x1], $0xffff;
	vm0 =	vgt.f32 v16, v17  }
0x199: {  	v26 =	vimm.s32 $0x0;
	s18 =	simm.s32 $0x80;
	s19 =	simm.s32 $0x400;
	v19 =	vsel vm0, v16, v17;
	v20 =	vsel vm0, v14, v14;
	v16 =	vld.idx.msk [tilespmem:v15+s6+$0x10 ss:$0x1], $0xffff  }
.LBB2_16:
0x19a: {  	vm0 =	vgt.f32 v27, v17  }
0x19b: {  	s20 =	sand.u32 $0x1C00, s19;
	vm1 =	vgt.f32 v30, v24;
	vm2 =	vgt.f32 v22, v25;
	v31 =	vmov v22;
	v22 =	vld.idx.msk [tilespmem:v15+s6+$0x30 ss:$0x1], $0xffff;
	p0 =	sne.s32 s18, $0x380  }
.Ltmp6:
0x19c: {  	s6 =	sand.u32 $0x40, s18;
	s20 =	sadd.s32 s20, s5;
	v17 =	vsel vm0, v27, v17;
	v24 =	vsel vm1, v30, v24;
	v25 =	vsel vm2, v31, v25;
	(pc) =	sbr.rel @p0 .LBB2_16-.Ltmp6, $4  }
0x19d: {  	v28 =	vsel vm0, v23, v28;
	v29 =	vsel vm1, v23, v29;
	v26 =	vsel vm2, v23, v26;
	s6 =	sadd.s32 s6, s20  }
0x19e: {  	s18 =	sadd.s32 $0x40, s18;
	v31 =	vmov v18;
	v18 =	vld.idx.msk [tilespmem:v15+s6+$0x0 ss:$0x1], $0xffff  }
0x19f: {  	v23 =	vadd.s32 $0x1, v23;
	v27 =	vmov v16;
	vm0 =	vgt.f32 v31, v19;
	v16 =	vld.idx.msk [tilespmem:v15+s6+$0x10 ss:$0x1], $0xffff  }
0x1a0: {  	s19 =	sadd.s32 $0x200, s19;
	v30 =	vmov v21;
	v19 =	vsel vm0, v31, v19;
	v20 =	vsel vm0, v23, v20;
	v21 =	vld.idx.msk [tilespmem:v15+s6+$0x20 ss:$0x1], $0xffff  }
0x1a1: {  	_ =	sdelay $0x2  }
0x1a2: {  	vm0 =	vgt.f32 v27, v17;
	vm1 =	vgt.f32 v30, v24;
	vm2 =	vgt.f32 v22, v25  }
0x1a3: {  	v15 =	vld.idx.msk [tilespmem:v15+s6+$0x30 ss:$0x1], $0xffff;
	v49 =	vadd.s32 $0x1, v23;
	v17 =	vsel vm0, v27, v17;
	v24 =	vsel vm1, v30, v24  }
0x1a4: {  	v22 =	vsel vm2, v22, v25;
	v47 =	vsel vm0, v23, v28;
	vm11 =	vgt.f32 v18, v19  }
0x1a5: {  	v48 =	vsel vm1, v23, v29;
	v26 =	vsel vm2, v23, v26;
	v18 =	vsel vm11, v18, v19  }
0x1a6: {  	v50 =	vsel vm11, v49, v20;
	vm12 =	vgt.f32 v16, v17;
	vm13 =	vgt.f32 v21, v24  }
0x1a7: {  	v16 =	vsel vm12, v16, v17;
	v52 =	vsel vm12, v49, v47;
	v19 =	vshll.u32 v50, $0x6  }
0x1a8: {  	vm14 =	vgt.f32 v15, v22;
	v51 =	vsel vm13, v21, v24;
	v53 =	vsel vm13, v49, v48  }
0x1a9: {  	v19 =	vor.u32 v0, v19;
	v20 =	vshll.u32 v52, $0x6;
	vm15 =	vgt.f32 v16, v18  }
0x1aa: {  	vm5 =	veq.f32 v16, v18;
	v15 =	vsel vm14, v15, v22;
	v54 =	vsel vm14, v49, v26  }
0x1ab: {  	v21 =	vshll.u32 v53, $0x6;
	v20 =	vor.u32 v3, v20;
	v22 =	vshll.u32 v54, $0x6  }
0x1ac: {  	v21 =	vor.u32 v4, v21;
	vm6 =	vlt.s32 v20, v19;
	v22 =	vor.u32 v5, v22  }
0x1ad: {  	vm7 =	veq.f32 v15, v51;
	vm1 =	vmand vm5, vm6;
	vm3 =	vlt.s32 v22, v21  }
0x1ae: {  	s5 =	sor.u32 s17, s12;
	vm8 =	vgt.f32 v15, v51;
	vm0 =	vmor vm15, vm1;
	vm2 =	vmand vm7, vm3  }
0x1af: {  	s19 =	sor.u32 $0x1C40, s5;
	v16 =	vsel vm0, v16, v18;
	vm1 =	vmor vm8, vm2  }
0x1b0: {  	v57 =	vld [tilespmem:s19+$0x4000];
	v55 =	vsel vm0, v20, v19;
	v15 =	vsel vm1, v15, v51;
	v56 =	vsel vm1, v22, v21  }
0x1b1: {  	s20 =	sor.u32 $0x1C50, s5;
	vm9 =	veq.f32 v15, v16;
	vm1 =	vlt.s32 v56, v55  }
0x1b2: {  	v58 =	vld [tilespmem:s20+$0x4000];
	vm10 =	vgt.f32 v15, v16;
	vm0 =	vmand vm9, vm1  }
0x1b3: {  	s5 =	sor.u32 $0x1C58, s5;
	vm0 =	vmor vm10, vm0  }
0x1b4: {  	v59 =	vld [tilespmem:s5+$0x4000];
	v15 =	vsel vm0, v15, v16  }
0x1b5: {  	vm11 =	vgt.f32 v57, v15  }
0x1b6: {  	v15 =	vsel vm11, v57, v15  }
0x1b7: {  	vm12 =	vgt.f32 v58, v15  }
0x1b8: {  	v15 =	vsel vm12, v58, v15  }
0x1b9: {  	vm13 =	vgt.f32 v59, v15  }
0x1ba: {  	v15 =	vsel vm13, v59, v15  }
0x1bb: {  	(xrf0) =	vmax.scan.msk.f32 $0xffff, v15;
	_ =	sdelay $0x4  }
0x1bc: {  	v60 =	vsel vm0, v56, v55  }
0x1bd: {  	v16 =	vxor.u32 $0x80000000, v60;
	v61, _, _ =	vpop (xrf0)  }
0x1be: {  	v16 =	vsel vm11, v6, v16;
	v17 =	vbroadcast v61, $0xF  }
0x1bf: {  	v16 =	vsel vm12, v7, v16  }
0x1c0: {  	vm14 =	veq.f32 v15, v17;
	v15 =	vsel vm13, v8, v16  }
0x1c1: {  	v15 =	vnsel vm14, $0x800003E8, v15  }
0x1c2: {  	(xrf0) =	vmin.scan.msk.u32 $0xffff, v15;
	_ =	sdelay $0x2  }
0x1c3: {  	v62 =	vmov s11;
	s11 =	sadd.s32 $0x1, s11  }
0x1c4: {  	p0 =	sne.s32 s11, $0x10  }
.Ltmp7:
0x1c5: {  	_ = 	snop;
	(pc) =	sbr.rel @p0 .LBB2_15-.Ltmp7, $4  }
0x1c6: {  	v15, _, _ =	vpop (xrf0)  }
0x1c7: {  	v15 =	vbroadcast v15, $0xF  }
0x1c8: {  	vm15 =	veq.s32 v62, v0  }
0x1c9: {  	v13 =	vsel vm15, v15, v13  }
0x1ca: {  	v14 =	vshll.u32 v13, $0x3  }
0x1cb: {  	v15 =	vand.u32 $0x7F, v13;
	v14 =	vand.u32 $0xFFFFFC00, v14  }
0x1cc: {  	v14 =	vor.u32 v15, v14  }
0x1cd: {  	s5 =	sshll.u32 s7, $0x6;
	s6 =	smin.u32 s8, $0x1A;
	s3 =	rddreg [dreg:$0x2];
	v14 =	vadd.s32 v2, v14  }
0x1ce: {  	s11 =	simm.s32 $0x0;
	s5 =	sadd.s32 s5, s3;
	s6 =	sshll.u32 s6, $0xB  }
0x1cf: {  	s20 =	simm.s32 $0x4000;
	s5 =	sshll.u32 s5, $0x7;
	s6 =	sadd.s32 s6, s14;
	v15 =	vshll.u32 v12, $0x3  }
0x1d0: {  	v12 =	vand.u32 $0x7F, v12;
	[tilespmem:s20], [sflag:$0x2] =	stream.linear.gather [hbm4b:s6+s11], $0x4000, $0x38;
	v15 =	vand.u32 $0xFFFFFC00, v15;
	v63 =	vld [tilespmem:$0x0]  }
0x1d1: {  	s10 =	sadd.s32 s4, s5;
	v12 =	vor.u32 v12, v15  }
0x1d2: {  	s5 =	sadd.s32 $0x800, s10;
	v12 =	vadd.s32 v2, v12;
	[tilespmem:v14+s22+$0x0] =	vst.idx.msk $0xffff, v9  }
0x1d3: {  	[hbm4b:s5+s11] =	stream.linear.scatter [tilespmem:s22], [sflag:$0x6], $0x4000, $0x38;
	v63 =	vld [tilespmem:$0x0]  }
0x1d4: {  	_ =	swait.ge [sflag:s30], $0x4000  }
0x1d5: {  	[sflag:s30] =	ssyncset.done $0x0  }
0x1d6: {  	[sflag:s30] =	ssyncadd.s32 $0xFFFFC000  }
0x1d7: {  	[tilespmem:v12+s23+$0x0] =	vst.idx.msk $0xffff, v1  }
0x1d8: {  	_ =	swait.ge [sflag:s31], $0x4000  }
0x1d9: {  	[sflag:s31] =	ssyncset.done $0x0  }
0x1da: {  	s12 =	simm.s32 $0x0;
	v14 =	vimm.s32 $0x0;
	v12 =	vimm.s32 $0x0;
	[sflag:s31] =	ssyncadd.s32 $0xFFFFC000  }
.LBB2_19:
0x1db: {  	s5 =	sshll.u32 s12, $0x7  }
0x1dc: {  	s17 =	sand.u32 $0x380, s5  }
0x1dd: {  	s5 =	sshll.u32 s12, $0xA;
	v15 =	vmov s17  }
0x1de: {  	s6 =	sand.u32 $0x2000, s5  }
0x1df: {  	s18 =	sand.u32 $0x1C00, s11;
	s6 =	sor.u32 $0x8000, s6  }
0x1e0: {  	s19 =	sand.u32 $0x40, s11;
	s18 =	sadd.s32 s18, s6  }
0x1e1: {  	s18 =	sadd.s32 s19, s18  }
0x1e2: {  	s3 =	simm.s32 $0x200;
	v16 =	vld.idx.msk [tilespmem:v15+s18+$0x0 ss:$0x1], $0xffff  }
0x1e3: {  	s20 =	simm.s32 $0x40;
	s19 =	sand.u32 $0x1C00, s3;
	v27 =	vld.idx.msk [tilespmem:v15+s18+$0x10 ss:$0x1], $0xffff  }
0x1e4: {  	s20 =	sand.u32 $0x40, s20;
	s19 =	sadd.s32 s19, s6;
	v30 =	vld.idx.msk [tilespmem:v15+s18+$0x20 ss:$0x1], $0xffff  }
0x1e5: {  	v17 =	vimm.f32 $-Inf;
	v22 =	vld.idx.msk [tilespmem:v15+s18+$0x30 ss:$0x1], $0xffff;
	s18 =	sadd.s32 s20, s19  }
0x1e6: {  	v24 =	vimm.f32 $-Inf;
	v25 =	vimm.f32 $-Inf;
	v23 =	vimm.s32 $0x0;
	v18 =	vld.idx.msk [tilespmem:v15+s18+$0x0 ss:$0x1], $0xffff  }
0x1e7: {  	v28 =	vimm.s32 $0x0;
	v29 =	vimm.s32 $0x0;
	v21 =	vld.idx.msk [tilespmem:v15+s18+$0x20 ss:$0x1], $0xffff;
	vm0 =	vgt.f32 v16, v17  }
0x1e8: {  	v26 =	vimm.s32 $0x0;
	s19 =	simm.s32 $0x80;
	s20 =	simm.s32 $0x400;
	v19 =	vsel vm0, v16, v17;
	v20 =	vsel vm0, v14, v14;
	v16 =	vld.idx.msk [tilespmem:v15+s18+$0x10 ss:$0x1], $0xffff  }
.LBB2_20:
0x1e9: {  	vm0 =	vgt.f32 v27, v17  }
0x1ea: {  	s3 =	sand.u32 $0x1C00, s20;
	vm1 =	vgt.f32 v30, v24;
	vm2 =	vgt.f32 v22, v25;
	v31 =	vmov v22;
	v22 =	vld.idx.msk [tilespmem:v15+s18+$0x30 ss:$0x1], $0xffff;
	p0 =	sne.s32 s19, $0x380  }
.Ltmp8:
0x1eb: {  	s18 =	sand.u32 $0x40, s19;
	s3 =	sadd.s32 s3, s6;
	v17 =	vsel vm0, v27, v17;
	v24 =	vsel vm1, v30, v24;
	v25 =	vsel vm2, v31, v25;
	(pc) =	sbr.rel @p0 .LBB2_20-.Ltmp8, $4  }
0x1ec: {  	v28 =	vsel vm0, v23, v28;
	v29 =	vsel vm1, v23, v29;
	v26 =	vsel vm2, v23, v26;
	s18 =	sadd.s32 s18, s3  }
0x1ed: {  	s19 =	sadd.s32 $0x40, s19;
	v31 =	vmov v18;
	v18 =	vld.idx.msk [tilespmem:v15+s18+$0x0 ss:$0x1], $0xffff  }
0x1ee: {  	v23 =	vadd.s32 $0x1, v23;
	v27 =	vmov v16;
	vm0 =	vgt.f32 v31, v19;
	v16 =	vld.idx.msk [tilespmem:v15+s18+$0x10 ss:$0x1], $0xffff  }
0x1ef: {  	s20 =	sadd.s32 $0x200, s20;
	v30 =	vmov v21;
	v19 =	vsel vm0, v31, v19;
	v20 =	vsel vm0, v23, v20;
	v21 =	vld.idx.msk [tilespmem:v15+s18+$0x20 ss:$0x1], $0xffff  }
0x1f0: {  	_ =	sdelay $0x2  }
0x1f1: {  	vm0 =	vgt.f32 v27, v17;
	vm1 =	vgt.f32 v30, v24;
	vm2 =	vgt.f32 v22, v25  }
0x1f2: {  	v15 =	vld.idx.msk [tilespmem:v15+s18+$0x30 ss:$0x1], $0xffff;
	v49 =	vadd.s32 $0x1, v23;
	v17 =	vsel vm0, v27, v17;
	v24 =	vsel vm1, v30, v24  }
0x1f3: {  	v22 =	vsel vm2, v22, v25;
	v47 =	vsel vm0, v23, v28;
	vm11 =	vgt.f32 v18, v19  }
0x1f4: {  	v48 =	vsel vm1, v23, v29;
	v26 =	vsel vm2, v23, v26;
	v18 =	vsel vm11, v18, v19  }
0x1f5: {  	v50 =	vsel vm11, v49, v20;
	vm12 =	vgt.f32 v16, v17;
	vm13 =	vgt.f32 v21, v24  }
0x1f6: {  	v16 =	vsel vm12, v16, v17;
	v52 =	vsel vm12, v49, v47;
	v19 =	vshll.u32 v50, $0x6  }
0x1f7: {  	vm14 =	vgt.f32 v15, v22;
	v51 =	vsel vm13, v21, v24;
	v53 =	vsel vm13, v49, v48  }
0x1f8: {  	v19 =	vor.u32 v0, v19;
	v20 =	vshll.u32 v52, $0x6;
	vm15 =	vgt.f32 v16, v18  }
0x1f9: {  	vm5 =	veq.f32 v16, v18;
	v15 =	vsel vm14, v15, v22;
	v54 =	vsel vm14, v49, v26  }
0x1fa: {  	v21 =	vshll.u32 v53, $0x6;
	v20 =	vor.u32 v3, v20;
	v22 =	vshll.u32 v54, $0x6  }
0x1fb: {  	v21 =	vor.u32 v4, v21;
	vm6 =	vlt.s32 v20, v19;
	v22 =	vor.u32 v5, v22  }
0x1fc: {  	vm7 =	veq.f32 v15, v51;
	vm1 =	vmand vm5, vm6;
	vm3 =	vlt.s32 v22, v21  }
0x1fd: {  	s3 =	sor.u32 s5, s17;
	vm8 =	vgt.f32 v15, v51;
	vm0 =	vmor vm15, vm1;
	vm2 =	vmand vm7, vm3  }
0x1fe: {  	s5 =	sor.u32 $0x1C40, s3;
	v16 =	vsel vm0, v16, v18;
	vm1 =	vmor vm8, vm2  }
0x1ff: {  	v57 =	vld [tilespmem:s5+$0x8000];
	v55 =	vsel vm0, v20, v19;
	v15 =	vsel vm1, v15, v51;
	v56 =	vsel vm1, v22, v21  }
0x200: {  	s20 =	sor.u32 $0x1C50, s3;
	vm9 =	veq.f32 v15, v16;
	vm1 =	vlt.s32 v56, v55  }
0x201: {  	v58 =	vld [tilespmem:s20+$0x8000];
	vm10 =	vgt.f32 v15, v16;
	vm0 =	vmand vm9, vm1  }
0x202: {  	s3 =	sor.u32 $0x1C58, s3;
	vm0 =	vmor vm10, vm0  }
0x203: {  	v59 =	vld [tilespmem:s3+$0x8000];
	v15 =	vsel vm0, v15, v16  }
0x204: {  	vm11 =	vgt.f32 v57, v15  }
0x205: {  	v15 =	vsel vm11, v57, v15  }
0x206: {  	vm12 =	vgt.f32 v58, v15  }
0x207: {  	v15 =	vsel vm12, v58, v15  }
0x208: {  	vm13 =	vgt.f32 v59, v15  }
0x209: {  	v15 =	vsel vm13, v59, v15  }
0x20a: {  	(xrf0) =	vmax.scan.msk.f32 $0xffff, v15;
	_ =	sdelay $0x4  }
0x20b: {  	v60 =	vsel vm0, v56, v55  }
0x20c: {  	v16 =	vxor.u32 $0x80000000, v60;
	v61, _, _ =	vpop (xrf0)  }
0x20d: {  	v16 =	vsel vm11, v6, v16;
	v17 =	vbroadcast v61, $0xF  }
0x20e: {  	v16 =	vsel vm12, v7, v16  }
0x20f: {  	vm14 =	veq.f32 v15, v17;
	v15 =	vsel vm13, v8, v16  }
0x210: {  	v15 =	vnsel vm14, $0x800003E8, v15  }
0x211: {  	(xrf0) =	vmin.scan.msk.u32 $0xffff, v15;
	_ =	sdelay $0x2  }
0x212: {  	v62 =	vmov s12;
	s12 =	sadd.s32 $0x1, s12  }
0x213: {  	p0 =	sne.s32 s12, $0x10  }
.Ltmp9:
0x214: {  	_ = 	snop;
	(pc) =	sbr.rel @p0 .LBB2_19-.Ltmp9, $4  }
0x215: {  	v15, _, _ =	vpop (xrf0)  }
0x216: {  	v15 =	vbroadcast v15, $0xF  }
0x217: {  	vm15 =	veq.s32 v62, v0  }
0x218: {  	v12 =	vsel vm15, v15, v12  }
0x219: {  	v14 =	vshll.u32 v12, $0x3  }
0x21a: {  	v15 =	vand.u32 $0x7F, v12;
	v14 =	vand.u32 $0xFFFFFC00, v14  }
0x21b: {  	v14 =	vor.u32 v15, v14  }
0x21c: {  	v14 =	vadd.s32 v2, v14  }
0x21d: {  	s3 =	smin.u32 s8, $0x19  }
0x21e: {  	s3 =	sshll.u32 s3, $0xB;
	v15 =	vshll.u32 v11, $0x3  }
0x21f: {  	s11 =	simm.s32 $0x0;
	s5 =	simm.s32 $0x8000;
	s3 =	sadd.s32 s3, s15;
	v11 =	vand.u32 $0x7F, v11;
	v15 =	vand.u32 $0xFFFFFC00, v15  }
0x220: {  	[tilespmem:s5], [sflag:$0x3] =	stream.linear.gather [hbm4b:s3+s11], $0x4000, $0x38;
	v11 =	vor.u32 v11, v15;
	v63 =	vld [tilespmem:$0x0]  }
0x221: {  	s20 =	sadd.s32 $0x1000, s10;
	v11 =	vadd.s32 v2, v11;
	[tilespmem:v14+s23+$0x0] =	vst.idx.msk $0xffff, v9  }
0x222: {  	[hbm4b:s20+s11] =	stream.linear.scatter [tilespmem:s23], [sflag:$0x7], $0x4000, $0x38;
	v63 =	vld [tilespmem:$0x0]  }
0x223: {  	_ =	swait.ge [sflag:s0], $0x4000  }
0x224: {  	[sflag:s0] =	ssyncset.done $0x0  }
0x225: {  	[sflag:s0] =	ssyncadd.s32 $0xFFFFC000  }
0x226: {  	[tilespmem:v11+s24+$0x0] =	vst.idx.msk $0xffff, v1  }
0x227: {  	_ =	swait.ge [sflag:s2], $0x4000  }
0x228: {  	[sflag:s2] =	ssyncset.done $0x0  }
0x229: {  	s12 =	simm.s32 $0x0;
	v14 =	vimm.s32 $0x0;
	v11 =	vimm.s32 $0x0;
	[sflag:s2] =	ssyncadd.s32 $0xFFFFC000  }
.LBB2_23:
0x22a: {  	s3 =	sshll.u32 s12, $0x7  }
0x22b: {  	s17 =	sand.u32 $0x380, s3  }
0x22c: {  	s5 =	sshll.u32 s12, $0xA;
	v15 =	vmov s17  }
0x22d: {  	s18 =	sand.u32 $0x2000, s5  }
0x22e: {  	s19 =	sand.u32 $0x1C00, s11;
	s6 =	sor.u32 $0xC000, s18  }
0x22f: {  	s18 =	sand.u32 $0x40, s11;
	s3 =	sadd.s32 s19, s6  }
0x230: {  	s3 =	sadd.s32 s18, s3  }
0x231: {  	s20 =	simm.s32 $0x200;
	v16 =	vld.idx.msk [tilespmem:v15+s3+$0x0 ss:$0x1], $0xffff  }
0x232: {  	s19 =	simm.s32 $0x40;
	s18 =	sand.u32 $0x1C00, s20;
	v27 =	vld.idx.msk [tilespmem:v15+s3+$0x10 ss:$0x1], $0xffff  }
0x233: {  	s19 =	sand.u32 $0x40, s19;
	s18 =	sadd.s32 s18, s6;
	v30 =	vld.idx.msk [tilespmem:v15+s3+$0x20 ss:$0x1], $0xffff  }
0x234: {  	v17 =	vimm.f32 $-Inf;
	s18 =	sadd.s32 s19, s18;
	v22 =	vld.idx.msk [tilespmem:v15+s3+$0x30 ss:$0x1], $0xffff  }
0x235: {  	v24 =	vimm.f32 $-Inf;
	v25 =	vimm.f32 $-Inf;
	v23 =	vimm.s32 $0x0;
	v18 =	vld.idx.msk [tilespmem:v15+s18+$0x0 ss:$0x1], $0xffff  }
0x236: {  	v28 =	vimm.s32 $0x0;
	v29 =	vimm.s32 $0x0;
	v21 =	vld.idx.msk [tilespmem:v15+s18+$0x20 ss:$0x1], $0xffff;
	vm0 =	vgt.f32 v16, v17  }
0x237: {  	v26 =	vimm.s32 $0x0;
	s20 =	simm.s32 $0x400;
	s19 =	simm.s32 $0x80;
	v19 =	vsel vm0, v16, v17;
	v20 =	vsel vm0, v14, v14;
	v16 =	vld.idx.msk [tilespmem:v15+s18+$0x10 ss:$0x1], $0xffff  }
.LBB2_24:
0x238: {  	vm0 =	vgt.f32 v27, v17  }
0x239: {  	s3 =	sand.u32 $0x1C00, s20;
	vm1 =	vgt.f32 v30, v24;
	vm2 =	vgt.f32 v22, v25;
	v31 =	vmov v22;
	v22 =	vld.idx.msk [tilespmem:v15+s18+$0x30 ss:$0x1], $0xffff;
	p0 =	sne.s32 s19, $0x380  }
.Ltmp10:
0x23a: {  	s18 =	sand.u32 $0x40, s19;
	s3 =	sadd.s32 s3, s6;
	v17 =	vsel vm0, v27, v17;
	v24 =	vsel vm1, v30, v24;
	v25 =	vsel vm2, v31, v25;
	(pc) =	sbr.rel @p0 .LBB2_24-.Ltmp10, $4  }
0x23b: {  	v28 =	vsel vm0, v23, v28;
	v29 =	vsel vm1, v23, v29;
	v26 =	vsel vm2, v23, v26;
	s18 =	sadd.s32 s18, s3  }
0x23c: {  	s19 =	sadd.s32 $0x40, s19;
	v31 =	vmov v18;
	v18 =	vld.idx.msk [tilespmem:v15+s18+$0x0 ss:$0x1], $0xffff  }
0x23d: {  	v23 =	vadd.s32 $0x1, v23;
	v27 =	vmov v16;
	vm0 =	vgt.f32 v31, v19;
	v16 =	vld.idx.msk [tilespmem:v15+s18+$0x10 ss:$0x1], $0xffff  }
0x23e: {  	s20 =	sadd.s32 $0x200, s20;
	v30 =	vmov v21;
	v19 =	vsel vm0, v31, v19;
	v20 =	vsel vm0, v23, v20;
	v21 =	vld.idx.msk [tilespmem:v15+s18+$0x20 ss:$0x1], $0xffff  }
0x23f: {  	_ =	sdelay $0x2  }
0x240: {  	vm0 =	vgt.f32 v27, v17;
	vm1 =	vgt.f32 v30, v24;
	vm2 =	vgt.f32 v22, v25  }
0x241: {  	v15 =	vld.idx.msk [tilespmem:v15+s18+$0x30 ss:$0x1], $0xffff;
	v49 =	vadd.s32 $0x1, v23;
	v17 =	vsel vm0, v27, v17;
	v24 =	vsel vm1, v30, v24  }
0x242: {  	v22 =	vsel vm2, v22, v25;
	v47 =	vsel vm0, v23, v28;
	vm11 =	vgt.f32 v18, v19  }
0x243: {  	v48 =	vsel vm1, v23, v29;
	v26 =	vsel vm2, v23, v26;
	v18 =	vsel vm11, v18, v19  }
0x244: {  	v50 =	vsel vm11, v49, v20;
	vm12 =	vgt.f32 v16, v17;
	vm13 =	vgt.f32 v21, v24  }
0x245: {  	v16 =	vsel vm12, v16, v17;
	v52 =	vsel vm12, v49, v47;
	v19 =	vshll.u32 v50, $0x6  }
0x246: {  	vm14 =	vgt.f32 v15, v22;
	v51 =	vsel vm13, v21, v24;
	v53 =	vsel vm13, v49, v48  }
0x247: {  	v19 =	vor.u32 v0, v19;
	v20 =	vshll.u32 v52, $0x6;
	vm15 =	vgt.f32 v16, v18  }
0x248: {  	vm5 =	veq.f32 v16, v18;
	v15 =	vsel vm14, v15, v22;
	v54 =	vsel vm14, v49, v26  }
0x249: {  	v21 =	vshll.u32 v53, $0x6;
	v20 =	vor.u32 v3, v20;
	v22 =	vshll.u32 v54, $0x6  }
0x24a: {  	v21 =	vor.u32 v4, v21;
	vm6 =	vlt.s32 v20, v19;
	v22 =	vor.u32 v5, v22  }
0x24b: {  	vm7 =	veq.f32 v15, v51;
	vm1 =	vmand vm5, vm6;
	vm3 =	vlt.s32 v22, v21  }
0x24c: {  	s3 =	sor.u32 s5, s17;
	vm8 =	vgt.f32 v15, v51;
	vm0 =	vmor vm15, vm1;
	vm2 =	vmand vm7, vm3  }
0x24d: {  	s5 =	sor.u32 $0x1C40, s3;
	v16 =	vsel vm0, v16, v18;
	vm1 =	vmor vm8, vm2  }
0x24e: {  	v57 =	vld [tilespmem:s5+$0xC000];
	v55 =	vsel vm0, v20, v19;
	v15 =	vsel vm1, v15, v51;
	v56 =	vsel vm1, v22, v21  }
0x24f: {  	s20 =	sor.u32 $0x1C50, s3;
	vm9 =	veq.f32 v15, v16;
	vm1 =	vlt.s32 v56, v55  }
0x250: {  	v58 =	vld [tilespmem:s20+$0xC000];
	vm10 =	vgt.f32 v15, v16;
	vm0 =	vmand vm9, vm1  }
0x251: {  	s3 =	sor.u32 $0x1C58, s3;
	vm0 =	vmor vm10, vm0  }
0x252: {  	v59 =	vld [tilespmem:s3+$0xC000];
	v15 =	vsel vm0, v15, v16  }
0x253: {  	vm11 =	vgt.f32 v57, v15  }
0x254: {  	v15 =	vsel vm11, v57, v15  }
0x255: {  	vm12 =	vgt.f32 v58, v15  }
0x256: {  	v15 =	vsel vm12, v58, v15  }
0x257: {  	vm13 =	vgt.f32 v59, v15  }
0x258: {  	v15 =	vsel vm13, v59, v15  }
0x259: {  	(xrf0) =	vmax.scan.msk.f32 $0xffff, v15;
	_ =	sdelay $0x4  }
0x25a: {  	v60 =	vsel vm0, v56, v55  }
0x25b: {  	v16 =	vxor.u32 $0x80000000, v60;
	v61, _, _ =	vpop (xrf0)  }
0x25c: {  	v16 =	vsel vm11, v6, v16;
	v17 =	vbroadcast v61, $0xF  }
0x25d: {  	v16 =	vsel vm12, v7, v16  }
0x25e: {  	vm14 =	veq.f32 v15, v17;
	v15 =	vsel vm13, v8, v16  }
0x25f: {  	v15 =	vnsel vm14, $0x800003E8, v15  }
0x260: {  	(xrf0) =	vmin.scan.msk.u32 $0xffff, v15;
	_ =	sdelay $0x2  }
0x261: {  	v62 =	vmov s12;
	s12 =	sadd.s32 $0x1, s12  }
0x262: {  	p0 =	sne.s32 s12, $0x10  }
.Ltmp11:
0x263: {  	_ = 	snop;
	(pc) =	sbr.rel @p0 .LBB2_23-.Ltmp11, $4  }
0x264: {  	v15, _, _ =	vpop (xrf0)  }
0x265: {  	v15 =	vbroadcast v15, $0xF  }
0x266: {  	vm15 =	veq.s32 v62, v0  }
0x267: {  	v11 =	vsel vm15, v15, v11  }
0x268: {  	v14 =	vshll.u32 v11, $0x3  }
0x269: {  	v15 =	vand.u32 $0x7F, v11;
	v14 =	vand.u32 $0xFFFFFC00, v14  }
0x26a: {  	v14 =	vor.u32 v15, v14  }
0x26b: {  	s7 =	sadd.s32 $0x1, s7;
	v14 =	vadd.s32 v2, v14  }
0x26c: {  	s3 =	smin.u32 s8, $0x18;
	p0 =	sne.s32 s7, $0x8  }
.Ltmp12:
0x26d: {  	s3 =	sshll.u32 s3, $0xB;
	(pc) =	sbr.rel @p0 .LBB2_10-.Ltmp12, $4  }
0x26e: {  	s5 =	simm.s32 $0xC000;
	s3 =	sadd.s32 s3, s16  }
0x26f: {  	[tilespmem:s5], [sflag:$0x4] =	stream.linear.gather [hbm4b:s3+s1], $0x4000, $0x38;
	v63 =	vld [tilespmem:$0x0]  }
0x270: {  	s20 =	sadd.s32 $0x1800, s10;
	[tilespmem:v14+s24+$0x0] =	vst.idx.msk $0xffff, v9  }
0x271: {  	[hbm4b:s20+s1] =	stream.linear.scatter [tilespmem:s24], [sflag:$0x8], $0x4000, $0x38;
	v63 =	vld [tilespmem:$0x0]  }
0x272: {  	_ =	swait.ge [sflag:s25], $0x4000  }
0x273: {  	[sflag:s25] =	ssyncset.done $0x0  }
0x274: {  	[sflag:s25] =	ssyncadd.s32 $0xFFFFC000  }
0x275: {  	_ =	swait.ge [sflag:s26], $0x4000  }
0x276: {  	[sflag:s26] =	ssyncset.done $0x0  }
0x277: {  	[sflag:s26] =	ssyncadd.s32 $0xFFFFC000  }
0x278: {  	_ =	swait.ge [sflag:s28], $0x4000  }
0x279: {  	[sflag:s28] =	ssyncset.done $0x0  }
0x27a: {  	[sflag:s28] =	ssyncadd.s32 $0xFFFFC000  }
0x27b: {  	_ =	swait.ge [sflag:s29], $0x4000  }
0x27c: {  	[sflag:s29] =	ssyncset.done $0x0  }
0x27d: {  	[sflag:s29] =	ssyncadd.s32 $0xFFFFC000  }
0x27e: {  	_ =	swait.ge [sflag:s30], $0x4000  }
0x27f: {  	[sflag:s30] =	ssyncset.done $0x0  }
0x280: {  	[sflag:s30] =	ssyncadd.s32 $0xFFFFC000  }
0x281: {  	_ =	swait.ge [sflag:s31], $0x4000  }
0x282: {  	[sflag:s31] =	ssyncset.done $0x0  }
0x283: {  	[sflag:s31] =	ssyncadd.s32 $0xFFFFC000  }
0x284: {  	_ =	swait.ge [sflag:s0], $0x4000  }
0x285: {  	[sflag:s0] =	ssyncset.done $0x0  }
0x286: {  	[sflag:s0] =	ssyncadd.s32 $0xFFFFC000  }
0x287: {  	_ =	swait.ge [sflag:s2], $0x4000  }
0x288: {  	s5 =	rddreg [dreg:$0xb]  }
0x289: {  	s3 =	rddreg [dreg:$0xa];
	s5 =	sadd.s32 $0x1, s5  }
0x28a: {  	p0 =	sne.s32 s5, s3  }
.Ltmp13:
0x28b: {  	_ = 	snop;
	(pc) =	sbr.rel @p0 .LBB2_1-.Ltmp13, $3  }
0x28c: {  	_ =	sdelay $0x1  }
0x28d: {  	[sflag:s2] =	ssyncset.done $0x0  }
0x28e: {  	[sflag:s2] =	ssyncadd.s32 $0xFFFFC000  }
0x28f: {  	_ =	sfence.sel $0x180000  }
0x290: {  	[bflag:$0x0] =	sbarrier.arrive $0xFFFF  }
0x291: {  	_ =	strace $0x90000047  }
0x292: {  	s0 =	stileid.u32;
	[bflag:$0x2] =	sbarrier.arrive $0xFFFF  }
0x293: {  	p0 =	sne.s32 s0, $0x0;
	s0 =	rddreg [dreg:$0x1]  }
0x294: {  	s0 =	sadd.s32 @!p0 $0x100000, s0  }
0x295: {  	[sflag:s0] =	ssyncadd.tile.s32 @!p0 $0x1;
	_ =	shalt  }
.Lfunc_end2:
_tile_overlayer_lowered:
.L_overlay_start_2:
0x296: {  	(tag) =	ssettag $0x2  }
0x297: {  	s0 =	rddreg [dreg:$0x0];
	s2 =	stileid.u32  }
0x298: {  	s1 =	rddreg [dreg:$0x1];
	p0 =	sne.s32 s2, $0x0  }
0x299: {  	s3 =	rddreg [dreg:$0x2];
	[bflag:$0x3] =	sbarrier.arrive $0xFFFF;
	s2 =	simm.s32 @!p0 $0x1C09  }
0x29a: {  	[timem:s3], [sflag:s2] =	dma.local @!p0 [hbm:s0], s1  }
0x29b: {  	s0 =	simm.s32 @!p0 $0x9  }
0x29c: {  	_ =	swait.ge @!p0 [sflag:s0], s1  }
0x29d: {  	s1 =	ssub.s32 @!p0 $0x0, s1;
	[sflag:s0] =	ssyncset.done @!p0 $0x0  }
0x29e: {  	[sflag:s0] =	ssyncadd.s32 @!p0 s1  }
0x29f: {  	[bflag:$0x3] =	sbarrier.arrive $0xFFFF  }
0x2a0: {  	_ =	shalt  }

</sc_bundles>
